<compile_context>
chip_gen: v7x
topology: tpu7x:2x2x1
jax: 0.10.2.dev20260603
libtpu: 0.0.44.dev20260713+nightly
codegen_flags: <defaults>
</compile_context>

<pallas_src>
import functools

import jax
import jax.numpy as jnp
from jax import lax
from jax.experimental import pallas as pl
from jax.experimental.pallas import tpu as pltpu
from jax.experimental.pallas import tpu_sc as plsc

N_HEADS = 4
N_NODES = 10000
EMB_DIM = 128
N_BATCH = 512
N_NEAREST = 8
N_SENTINELS = 8

QB = 256
NQ = 2 * N_BATCH
NROWS = N_HEADS * NQ

NWORKERS = 32
RPW = NROWS // NWORKERS
WPH = NQ // RPW
CHUNK = 32
LANES = 16


def _sc_gather_qf(embeds_flat, field_flat, nodes):
    mesh = plsc.VectorSubcoreMesh(core_axis_name="c", subcore_axis_name="s")

    @functools.partial(
        pl.kernel,
        out_type=[
            jax.ShapeDtypeStruct((NROWS, EMB_DIM), jnp.float32),
            jax.ShapeDtypeStruct((NROWS, EMB_DIM), jnp.float32),
        ],
        mesh=mesh,
        compiler_params=pltpu.CompilerParams(needs_layout_passes=False),
        scratch_types=[
            pltpu.VMEM((RPW,), jnp.int32),
            pltpu.VMEM((RPW, EMB_DIM), jnp.float32),
            pltpu.VMEM((RPW, EMB_DIM), jnp.float32),
            pltpu.SemaphoreType.DMA,
        ],
    )
    def k(e_hbm, f_hbm, nodes_hbm, q_out, f_out, idx_v, qrows_v, frows_v, sem):
        wid = lax.axis_index("s") * 2 + lax.axis_index("c")
        h = wid // WPH
        base = wid * RPW
        boff = (wid % WPH) * RPW
        pltpu.sync_copy(nodes_hbm.at[pl.ds(boff, RPW)], idx_v)
        off = h * N_NODES
        for i in range(RPW // LANES):
            sl = pl.ds(i * LANES, LANES)
            idx_v[sl] = idx_v[sl] + off
        cq = pltpu.async_copy(e_hbm.at[idx_v], qrows_v, sem)
        cq.wait()
        pltpu.sync_copy(qrows_v, q_out.at[pl.ds(base, RPW)])
        cf = pltpu.async_copy(f_hbm.at[idx_v], frows_v, sem)
        cf.wait()
        pltpu.sync_copy(frows_v, f_out.at[pl.ds(base, RPW)])

    return k(embeds_flat, field_flat, nodes)


def _topk_body(q_ref, e_ref, nodes_ref, idx_ref):
    q = q_ref[0]
    e = e_ref[0]
    qn = jnp.sum(q * q, axis=1, keepdims=True)
    kn = jnp.sum(e * e, axis=1)
    prod = lax.dot_general(q, e, (((1,), (1,)), ((), ())),
                           preferred_element_type=jnp.float32)
    d2 = jnp.maximum(qn + kn[None, :] - 2.0 * prod, 0.0)
    iota = lax.broadcasted_iota(jnp.int32, d2.shape, 1)
    nodeb = nodes_ref[0, 0]
    d2 = jnp.where(iota == nodeb[:, None], jnp.inf, d2)
    cols = []
    for _ in range(N_NEAREST):
        am = jnp.argmin(d2, axis=1).astype(jnp.int32)
        cols.append(am)
        d2 = jnp.where(iota == am[:, None], jnp.inf, d2)
    idx_ref[0] = jnp.stack(cols, axis=1)


def _topk(qrows, embeds, nodes3):
    grid = (N_HEADS, NQ // QB)
    return pl.pallas_call(
        _topk_body,
        grid=grid,
        in_specs=[
            pl.BlockSpec((1, QB, EMB_DIM), lambda h, b: (h, b, 0)),
            pl.BlockSpec((1, N_NODES, EMB_DIM), lambda h, b: (h, 0, 0)),
            pl.BlockSpec((1, 1, QB), lambda h, b: (b, 0, 0)),
        ],
        out_specs=pl.BlockSpec((1, QB, N_NEAREST), lambda h, b: (h, b, 0)),
        out_shape=jax.ShapeDtypeStruct((N_HEADS, NQ, N_NEAREST), jnp.int32),
    )(qrows, embeds, nodes3)


def _sc_dots(embeds_flat, qrows, frows, samp_flat):
    mesh = plsc.VectorSubcoreMesh(core_axis_name="c", subcore_axis_name="s")
    K = N_NEAREST
    NCH = RPW // CHUNK

    @functools.partial(
        pl.kernel,
        out_type=[
            jax.ShapeDtypeStruct((NROWS * K,), jnp.float32),
            jax.ShapeDtypeStruct((NROWS * K,), jnp.float32),
        ],
        mesh=mesh,
        compiler_params=pltpu.CompilerParams(needs_layout_passes=False),
        scratch_types=[
            pltpu.VMEM((CHUNK * K,), jnp.int32),
            pltpu.VMEM((CHUNK, EMB_DIM), jnp.float32),
            pltpu.VMEM((CHUNK, EMB_DIM), jnp.float32),
            pltpu.VMEM((CHUNK * K, EMB_DIM), jnp.float32),
            pltpu.VMEM((CHUNK * K,), jnp.float32),
            pltpu.VMEM((CHUNK * K,), jnp.float32),
            pltpu.SemaphoreType.DMA,
        ],
    )
    def k(e_hbm, q_hbm, f_hbm, samp_hbm, d2_out, lg_out,
          idx_v, q_v, f_v, s_v, d2_v, lg_v, sem):
        wid = lax.axis_index("s") * 2 + lax.axis_index("c")
        h = wid // WPH
        off = h * N_NODES
        lane_iota = lax.iota(jnp.int32, LANES)

        def chunk_body(c, carry):
            qbase = wid * RPW + c * CHUNK
            pltpu.sync_copy(q_hbm.at[pl.ds(qbase, CHUNK)], q_v)
            pltpu.sync_copy(f_hbm.at[pl.ds(qbase, CHUNK)], f_v)
            pltpu.sync_copy(samp_hbm.at[pl.ds(qbase * K, CHUNK * K)], idx_v)
            for i in range((CHUNK * K) // LANES):
                sl = pl.ds(i * LANES, LANES)
                idx_v[sl] = idx_v[sl] + off
            pltpu.async_copy(e_hbm.at[idx_v], s_v, sem).wait()

            def pair_body(p, carry):
                resd2 = jnp.zeros((LANES,), jnp.float32)
                reslg = jnp.zeros((LANES,), jnp.float32)
                for qq in range(2):
                    i = 2 * p + qq
                    qregs = [q_v[i, pl.ds(j * LANES, LANES)]
                             for j in range(EMB_DIM // LANES)]
                    fregs = [f_v[i, pl.ds(j * LANES, LANES)]
                             for j in range(EMB_DIM // LANES)]
                    for kk in range(K):
                        t = i * K + kk
                        d2acc = jnp.zeros((LANES,), jnp.float32)
                        lgacc = jnp.zeros((LANES,), jnp.float32)
                        for j in range(EMB_DIM // LANES):
                            sv = s_v[t, pl.ds(j * LANES, LANES)]
                            dv = qregs[j] - sv
                            d2acc = d2acc + dv * dv
                            lgacc = lgacc + dv * fregs[j]
                        hit = lane_iota == (qq * K + kk)
                        resd2 = jnp.where(hit, jnp.sum(d2acc), resd2)
                        reslg = jnp.where(hit, jnp.sum(lgacc), reslg)
                gsl = pl.ds(p * LANES, LANES)
                d2_v[gsl] = resd2
                lg_v[gsl] = reslg
                return carry

            lax.fori_loop(0, (CHUNK * K) // LANES, pair_body, 0)
            pltpu.sync_copy(d2_v, d2_out.at[pl.ds(qbase * K, CHUNK * K)])
            pltpu.sync_copy(lg_v, lg_out.at[pl.ds(qbase * K, CHUNK * K)])
            return carry

        lax.fori_loop(0, NCH, chunk_body, 0)

    return k(embeds_flat, qrows, frows, samp_flat)


def _combine_body(d2_ref, lg_ref, out_ref):
    d2 = d2_ref[...]
    lg = lg_ref[...]
    dist = jnp.sqrt(d2)
    e = jnp.exp(1.0 - dist)
    num = jnp.sum(e * lg, axis=2)
    den = jnp.sum(e, axis=2)
    num_t = num[:, :N_BATCH] + num[:, N_BATCH:]
    den_t = den[:, :N_BATCH] + den[:, N_BATCH:] + float(N_SENTINELS)
    softmin = num_t / den_t
    preds = jnp.mean(softmin, axis=0)
    out_ref[...] = (1.0 / (1.0 + jnp.exp(-preds)))[None, :]


def _combine(d2, lg):
    return pl.pallas_call(
        _combine_body,
        out_shape=jax.ShapeDtypeStruct((1, N_BATCH), jnp.float32),
    )(d2, lg)


@jax.jit
def kernel(adj_t, edges, embeds, field):
    nodes = jnp.concatenate([edges[0], edges[1]]).astype(jnp.int32)
    embeds_flat = embeds.reshape(N_HEADS * N_NODES, EMB_DIM)
    field_flat = field.reshape(N_HEADS * N_NODES, EMB_DIM)

    qrows, frows = _sc_gather_qf(embeds_flat, field_flat, nodes)

    nodes3 = nodes.reshape(NQ // QB, 1, QB)
    samples = _topk(qrows.reshape(N_HEADS, NQ, EMB_DIM), embeds, nodes3)
    samp_flat = samples.reshape(NROWS * N_NEAREST)

    d2, lg = _sc_dots(embeds_flat, qrows, frows, samp_flat)
    out = _combine(d2.reshape(N_HEADS, NQ, N_NEAREST),
                   lg.reshape(N_HEADS, NQ, N_NEAREST))
    return out.reshape(N_BATCH)

# --- scband reference (transcript-rebuilt; emitter-appended) ---
"""Pipeline reference for scband-mad-72679436582977 (READ-ONLY COPY).

The authoritative reference and input builder live on the scoring server;
editing this copy changes nothing except your own understanding.
"""

import jax, jax.numpy as jnp
import numpy as np

N_HEADS = 4
N_NODES = 10000
EMB_DIM = 128
N_BATCH = 512
N_NEAREST = 8
N_SENTINELS = 8


def setup_inputs(seed: int = 0) -> dict:
    key = jax.random.key(seed)
    k1, k2, k3, k4 = jax.random.split(key, 4)
    adj_t = jax.random.randint(k1, (2, 320000), 0, N_NODES)
    edges = jax.random.randint(k2, (2, N_BATCH), 0, N_NODES)
    # nn.Parameter(torch.rand(...)) -> uniform [0, 1)
    embeds = jax.random.uniform(k3, (N_HEADS, N_NODES, EMB_DIM), dtype=jnp.float32)
    field = jax.random.uniform(k4, (N_HEADS, N_NODES, EMB_DIM), dtype=jnp.float32)
    return {"adj_t": adj_t, "edges": edges, "embeds": embeds, "field": field}


def _build_logits(embeds, field, nodes):
    # eval-mode path: kNN sampling of reference points
    H = embeds.shape[0]
    q = jnp.take(embeds, nodes, axis=1)                      # (H, B, D)
    qn = jnp.sum(q * q, axis=-1)                             # (H, B)
    kn = jnp.sum(embeds * embeds, axis=-1)                   # (H, N)
    d2 = qn[:, :, None] + kn[None if False else slice(None), None, :][0][:, None, :] if False else qn[:, :, None] + kn[:, None, :] - 2.0 * jnp.einsum('hbd,hnd->hbn', q, embeds)
    d = jnp.sqrt(jnp.maximum(d2, 0.0))                       # (H, B, N)
    _, idx = jax.lax.top_k(-d, N_NEAREST + 1)                # smallest distances
    samples = idx[:, :, 1:]                                  # drop self, (H, B, K)
    sampled = embeds[jnp.arange(H)[:, None, None], samples]  # (H, B, K, D)
    diff = q[:, :, None, :] - sampled                        # (H, B, K, D)
    f = jnp.take(field, nodes, axis=1)                       # (H, B, D)
    logits = jnp.einsum('hbkd,hbd->hbk', diff, f)            # (H, B, K)
    return logits, diff


def reference(adj_t, edges, embeds, field):
    # adj_t is unused by MAD.forward (passed through)
    H = embeds.shape[0]
    B = edges.shape[1]
    src_logits, src_diff = _build_logits(embeds, field, edges[0])
    tgt_logits, tgt_diff = _build_logits(embeds, field, edges[1])
    logits = jnp.concatenate((src_logits, tgt_logits), axis=2)           # (H, B, 2K)
    dist = jnp.linalg.norm(jnp.concatenate((src_diff, tgt_diff), axis=2), axis=3)
    logits = jnp.concatenate((logits, jnp.zeros((H, B, N_SENTINELS), logits.dtype)), axis=2)
    dist = jnp.concatenate((dist, jnp.ones((H, B, N_SENTINELS), dist.dtype)), axis=2)
    w = jax.nn.softmax(1.0 - dist, axis=2)
    softmin = jnp.sum(logits * w, axis=2)                                # (H, B)
    preds = jnp.mean(softmin, axis=0)                                    # (B,)
    return jax.nn.sigmoid(preds).ravel()

if __name__ == "__main__":
    import jax
    _d = setup_inputs()
    print(jax.jit(kernel)(*tuple(_d.values())))

</pallas_src>

<mosaic_0001>
#map = affine_map<(d0, d1) -> (0, 0)>
#map1 = affine_map<(d0, d1) -> (0)>
module attributes {stable_mosaic.version = 14 : i64} {
  func.func @k(%arg0: i32, %arg1: i32, %arg2: memref<40000x128xf32, #tpu.memory_space<hbm>>, %arg3: memref<40000x128xf32, #tpu.memory_space<hbm>>, %arg4: memref<1024xi32, #tpu.memory_space<hbm>>, %arg5: memref<4096x128xf32, #tpu.memory_space<hbm>>, %arg6: memref<4096x128xf32, #tpu.memory_space<hbm>>, %arg7: memref<128xi32, #tpu.memory_space<vmem>>, %arg8: memref<128x128xf32, #tpu.memory_space<vmem>>, %arg9: memref<128x128xf32, #tpu.memory_space<vmem>>, %arg10: memref<!tpu.dma_semaphore, #tpu.memory_space<semaphore_mem>>) attributes {dimension_semantics = [#tpu.dimension_semantics<core_parallel>, #tpu.dimension_semantics<subcore_parallel>], iteration_bounds = array<i64: 2, 16>, scalar_prefetch = 0 : i64, scratch_operands = 4 : i64, tpu.core_type = #tpu.core_type<sc_vector_subcore>, window_params = [{transform_indices = #map}, {transform_indices = #map}, {transform_indices = #map1}, {transform_indices = #map}, {transform_indices = #map}]} {
    %mul3A = arith.constant 2 : i32
    %mul3A_0 = arith.muli %arg1, %mul3A : i32
    %add3A = arith.addi %mul3A_0, %arg0 : i32
    %jit3A = arith.constant 8 : i32
    %div3A = arith.divsi %add3A, %jit3A : i32
    %sign3A = arith.constant 0 : i32
    %sign3A_1 = arith.cmpi sgt, %add3A, %sign3A : i32
    %sign3A_2 = arith.extui %sign3A_1 : i1 to i32
    %sign3A_3 = arith.constant 0 : i32
    %sign3A_4 = arith.cmpi slt, %add3A, %sign3A_3 : i32
    %sign3A_5 = arith.extui %sign3A_4 : i1 to i32
    %sign3A_6 = arith.subi %sign3A_2, %sign3A_5 : i32
    %sign3A_7 = arith.constant 0 : i32
    %sign3A_8 = arith.cmpi sgt, %jit3A, %sign3A_7 : i32
    %sign3A_9 = arith.extui %sign3A_8 : i1 to i32
    %sign3A_10 = arith.constant 0 : i32
    %sign3A_11 = arith.cmpi slt, %jit3A, %sign3A_10 : i32
    %sign3A_12 = arith.extui %sign3A_11 : i1 to i32
    %sign3A_13 = arith.subi %sign3A_9, %sign3A_12 : i32
    %ne3A = arith.cmpi ne, %sign3A_6, %sign3A_13 : i32
    %rem3A = arith.remsi %add3A, %jit3A : i32
    %ne3A_14 = arith.constant 0 : i32
    %ne3A_15 = arith.cmpi ne, %rem3A, %ne3A_14 : i32
    %and3A = arith.andi %ne3A, %ne3A_15 : i1
    %sub3A = arith.constant 1 : i32
    %sub3A_16 = arith.subi %div3A, %sub3A : i32
    %select_n3A = arith.select %and3A, %sub3A_16, %div3A : i32
    %mul3A_17 = arith.constant 128 : i32
    %mul3A_18 = arith.muli %add3A, %mul3A_17 : i32
    %jit3A_19 = arith.constant 8 : i32
    %eq3A = arith.constant 0 : i32
    %eq3A_20 = arith.cmpi eq, %jit3A_19, %eq3A : i32
    %jit3A_21 = arith.constant 1 : i32
    %select_n3A_22 = arith.select %eq3A_20, %jit3A_21, %jit3A_19 : i32
    %rem3A_23 = arith.remsi %add3A, %select_n3A_22 : i32
    %ne3A_24 = arith.constant 0 : i32
    %ne3A_25 = arith.cmpi ne, %rem3A_23, %ne3A_24 : i32
    %lt3A = arith.constant 0 : i32
    %lt3A_26 = arith.cmpi slt, %rem3A_23, %lt3A : i32
    %lt3A_27 = arith.constant 0 : i32
    %lt3A_28 = arith.cmpi slt, %select_n3A_22, %lt3A_27 : i32
    %ne3A_29 = arith.xori %lt3A_26, %lt3A_28 : i1
    %and3A_30 = arith.andi %ne3A_29, %ne3A_25 : i1
    %add3A_31 = arith.addi %rem3A_23, %select_n3A_22 : i32
    %select_n3A_32 = arith.select %and3A_30, %add3A_31, %rem3A_23 : i32
    %mul3A_33 = arith.constant 128 : i32
    %mul3A_34 = arith.muli %select_n3A_32, %mul3A_33 : i32
    "tpu.region"() ({
      %run_scoped3A = tpu.sem_alloc : memref<!tpu.dma_semaphore, #tpu.memory_space<semaphore_mem>>
      %dma_start3A_93 = tpu.memref_slice %arg4[%mul3A_34] : memref<1024xi32, #tpu.memory_space<hbm>> -> memref<128xi32, #tpu.memory_space<hbm>>
      %dma_start3A_94 = tpu.memref_slice %arg4[%mul3A_34] : memref<1024xi32, #tpu.memory_space<hbm>> -> memref<128xi32, #tpu.memory_space<hbm>>
      tpu.enqueue_dma source(%dma_start3A_94 : memref<128xi32, #tpu.memory_space<hbm>>) target(%arg7 : memref<128xi32, #tpu.memory_space<vmem>>) target_semaphore(%run_scoped3A : memref<!tpu.dma_semaphore, #tpu.memory_space<semaphore_mem>>)
      %dma_wait3A_95 = tpu.memref_slice %arg4[%mul3A_34] : memref<1024xi32, #tpu.memory_space<hbm>> -> memref<128xi32, #tpu.memory_space<hbm>>
      %dma_wait3A_96 = tpu.memref_slice %arg4[%mul3A_34] : memref<1024xi32, #tpu.memory_space<hbm>> -> memref<128xi32, #tpu.memory_space<hbm>>
      tpu.wait_dma2 semaphore(%run_scoped3A : memref<!tpu.dma_semaphore, #tpu.memory_space<semaphore_mem>>) src(%dma_wait3A_96 : memref<128xi32, #tpu.memory_space<hbm>>) dst(%arg7 : memref<128xi32, #tpu.memory_space<vmem>>)
      tpu.yield
    }) : () -> ()
    %mul3A_35 = arith.constant 10000 : i32
    %mul3A_36 = arith.muli %select_n3A, %mul3A_35 : i32
    %get3A = arith.constant 0 : index
    %get3A_37 = tpu.vector_load %arg7[%get3A] {strides = array<i32>} : memref<128xi32, #tpu.memory_space<vmem>>, vector<16xi32>,
    %add3A_38 = vector.broadcast %mul3A_36 : i32 to vector<16xi32>
    %add3A_39 = arith.addi %get3A_37, %add3A_38 : vector<16xi32>
    %swap3A = arith.constant 0 : index
    %swap3A_40 = tpu.vector_load %arg7[%swap3A] {strides = array<i32>} : memref<128xi32, #tpu.memory_space<vmem>>, vector<16xi32>,
    tpu.vector_store %arg7[%swap3A], %add3A_39 {strides = array<i32>} : memref<128xi32, #tpu.memory_space<vmem>>, vector<16xi32>,
    %get3A_41 = arith.constant 16 : index
    %get3A_42 = tpu.vector_load %arg7[%get3A_41] {strides = array<i32>} : memref<128xi32, #tpu.memory_space<vmem>>, vector<16xi32>,
    %add3A_43 = vector.broadcast %mul3A_36 : i32 to vector<16xi32>
    %add3A_44 = arith.addi %get3A_42, %add3A_43 : vector<16xi32>
    %swap3A_45 = arith.constant 16 : index
    %swap3A_46 = tpu.vector_load %arg7[%swap3A_45] {strides = array<i32>} : memref<128xi32, #tpu.memory_space<vmem>>, vector<16xi32>,
    tpu.vector_store %arg7[%swap3A_45], %add3A_44 {strides = array<i32>} : memref<128xi32, #tpu.memory_space<vmem>>, vector<16xi32>,
    %get3A_47 = arith.constant 32 : index
    %get3A_48 = tpu.vector_load %arg7[%get3A_47] {strides = array<i32>} : memref<128xi32, #tpu.memory_space<vmem>>, vector<16xi32>,
    %add3A_49 = vector.broadcast %mul3A_36 : i32 to vector<16xi32>
    %add3A_50 = arith.addi %get3A_48, %add3A_49 : vector<16xi32>
    %swap3A_51 = arith.constant 32 : index
    %swap3A_52 = tpu.vector_load %arg7[%swap3A_51] {strides = array<i32>} : memref<128xi32, #tpu.memory_space<vmem>>, vector<16xi32>,
    tpu.vector_store %arg7[%swap3A_51], %add3A_50 {strides = array<i32>} : memref<128xi32, #tpu.memory_space<vmem>>, vector<16xi32>,
    %get3A_53 = arith.constant 48 : index
    %get3A_54 = tpu.vector_load %arg7[%get3A_53] {strides = array<i32>} : memref<128xi32, #tpu.memory_space<vmem>>, vector<16xi32>,
    %add3A_55 = vector.broadcast %mul3A_36 : i32 to vector<16xi32>
    %add3A_56 = arith.addi %get3A_54, %add3A_55 : vector<16xi32>
    %swap3A_57 = arith.constant 48 : index
    %swap3A_58 = tpu.vector_load %arg7[%swap3A_57] {strides = array<i32>} : memref<128xi32, #tpu.memory_space<vmem>>, vector<16xi32>,
    tpu.vector_store %arg7[%swap3A_57], %add3A_56 {strides = array<i32>} : memref<128xi32, #tpu.memory_space<vmem>>, vector<16xi32>,
    %get3A_59 = arith.constant 64 : index
    %get3A_60 = tpu.vector_load %arg7[%get3A_59] {strides = array<i32>} : memref<128xi32, #tpu.memory_space<vmem>>, vector<16xi32>,
    %add3A_61 = vector.broadcast %mul3A_36 : i32 to vector<16xi32>
    %add3A_62 = arith.addi %get3A_60, %add3A_61 : vector<16xi32>
    %swap3A_63 = arith.constant 64 : index
    %swap3A_64 = tpu.vector_load %arg7[%swap3A_63] {strides = array<i32>} : memref<128xi32, #tpu.memory_space<vmem>>, vector<16xi32>,
    tpu.vector_store %arg7[%swap3A_63], %add3A_62 {strides = array<i32>} : memref<128xi32, #tpu.memory_space<vmem>>, vector<16xi32>,
    %get3A_65 = arith.constant 80 : index
    %get3A_66 = tpu.vector_load %arg7[%get3A_65] {strides = array<i32>} : memref<128xi32, #tpu.memory_space<vmem>>, vector<16xi32>,
    %add3A_67 = vector.broadcast %mul3A_36 : i32 to vector<16xi32>
    %add3A_68 = arith.addi %get3A_66, %add3A_67 : vector<16xi32>
    %swap3A_69 = arith.constant 80 : index
    %swap3A_70 = tpu.vector_load %arg7[%swap3A_69] {strides = array<i32>} : memref<128xi32, #tpu.memory_space<vmem>>, vector<16xi32>,
    tpu.vector_store %arg7[%swap3A_69], %add3A_68 {strides = array<i32>} : memref<128xi32, #tpu.memory_space<vmem>>, vector<16xi32>,
    %get3A_71 = arith.constant 96 : index
    %get3A_72 = tpu.vector_load %arg7[%get3A_71] {strides = array<i32>} : memref<128xi32, #tpu.memory_space<vmem>>, vector<16xi32>,
    %add3A_73 = vector.broadcast %mul3A_36 : i32 to vector<16xi32>
    %add3A_74 = arith.addi %get3A_72, %add3A_73 : vector<16xi32>
    %swap3A_75 = arith.constant 96 : index
    %swap3A_76 = tpu.vector_load %arg7[%swap3A_75] {strides = array<i32>} : memref<128xi32, #tpu.memory_space<vmem>>, vector<16xi32>,
    tpu.vector_store %arg7[%swap3A_75], %add3A_74 {strides = array<i32>} : memref<128xi32, #tpu.memory_space<vmem>>, vector<16xi32>,
    %get3A_77 = arith.constant 112 : index
    %get3A_78 = tpu.vector_load %arg7[%get3A_77] {strides = array<i32>} : memref<128xi32, #tpu.memory_space<vmem>>, vector<16xi32>,
    %add3A_79 = vector.broadcast %mul3A_36 : i32 to vector<16xi32>
    %add3A_80 = arith.addi %get3A_78, %add3A_79 : vector<16xi32>
    %swap3A_81 = arith.constant 112 : index
    %swap3A_82 = tpu.vector_load %arg7[%swap3A_81] {strides = array<i32>} : memref<128xi32, #tpu.memory_space<vmem>>, vector<16xi32>,
    tpu.vector_store %arg7[%swap3A_81], %add3A_80 {strides = array<i32>} : memref<128xi32, #tpu.memory_space<vmem>>, vector<16xi32>,
    %dma_start3A = arith.constant 0 : i32
    %dma_start3A_83 = arith.constant 0 : i32
    %dma_start3A_84 = tpu.memref_slice %arg2[%dma_start3A, %dma_start3A_83] : memref<40000x128xf32, #tpu.memory_space<hbm>> -> memref<40000x128xf32, #tpu.memory_space<hbm>>
    tpu.enqueue_indirect_dma source(%dma_start3A_84 : memref<40000x128xf32, #tpu.memory_space<hbm>>) target(%arg8 : memref<128x128xf32, #tpu.memory_space<vmem>>) offsets(%arg7 : memref<128xi32, #tpu.memory_space<vmem>>) semaphore(%arg10 : memref<!tpu.dma_semaphore, #tpu.memory_space<semaphore_mem>>)
    %dma_wait3A = arith.constant 0 : i32
    %dma_wait3A_85 = arith.constant 0 : i32
    %dma_wait3A_86 = tpu.memref_slice %arg2[%dma_wait3A, %dma_wait3A_85] : memref<40000x128xf32, #tpu.memory_space<hbm>> -> memref<40000x128xf32, #tpu.memory_space<hbm>>
    tpu.wait_indirect_dma semaphore(%arg10 : memref<!tpu.dma_semaphore, #tpu.memory_space<semaphore_mem>>) src(%dma_wait3A_86 : memref<40000x128xf32, #tpu.memory_space<hbm>>) dst(%arg8 : memref<128x128xf32, #tpu.memory_space<vmem>>)
    "tpu.region"() ({
      %run_scoped3A = tpu.sem_alloc : memref<!tpu.dma_semaphore, #tpu.memory_space<semaphore_mem>>
      %dma_start3A_93 = arith.constant 0 : i32
      %dma_start3A_94 = tpu.memref_slice %arg5[%mul3A_18, %dma_start3A_93] : memref<4096x128xf32, #tpu.memory_space<hbm>> -> memref<128x128xf32, #tpu.memory_space<hbm>>
      %dma_start3A_95 = arith.constant 0 : i32
      %dma_start3A_96 = tpu.memref_slice %arg5[%mul3A_18, %dma_start3A_95] : memref<4096x128xf32, #tpu.memory_space<hbm>> -> memref<128x128xf32, #tpu.memory_space<hbm>>
      tpu.enqueue_dma source(%arg8 : memref<128x128xf32, #tpu.memory_space<vmem>>) target(%dma_start3A_96 : memref<128x128xf32, #tpu.memory_space<hbm>>) target_semaphore(%run_scoped3A : memref<!tpu.dma_semaphore, #tpu.memory_space<semaphore_mem>>)
      %dma_wait3A_97 = arith.constant 0 : i32
      %dma_wait3A_98 = tpu.memref_slice %arg5[%mul3A_18, %dma_wait3A_97] : memref<4096x128xf32, #tpu.memory_space<hbm>> -> memref<128x128xf32, #tpu.memory_space<hbm>>
      %dma_wait3A_99 = arith.constant 0 : i32
      %dma_wait3A_100 = tpu.memref_slice %arg5[%mul3A_18, %dma_wait3A_99] : memref<4096x128xf32, #tpu.memory_space<hbm>> -> memref<128x128xf32, #tpu.memory_space<hbm>>
      tpu.wait_dma2 semaphore(%run_scoped3A : memref<!tpu.dma_semaphore, #tpu.memory_space<semaphore_mem>>) src(%arg8 : memref<128x128xf32, #tpu.memory_space<vmem>>) dst(%dma_wait3A_100 : memref<128x128xf32, #tpu.memory_space<hbm>>)
      tpu.yield
    }) : () -> ()
    %dma_start3A_87 = arith.constant 0 : i32
    %dma_start3A_88 = arith.constant 0 : i32
    %dma_start3A_89 = tpu.memref_slice %arg3[%dma_start3A_87, %dma_start3A_88] : memref<40000x128xf32, #tpu.memory_space<hbm>> -> memref<40000x128xf32, #tpu.memory_space<hbm>>
    tpu.enqueue_indirect_dma source(%dma_start3A_89 : memref<40000x128xf32, #tpu.memory_space<hbm>>) target(%arg9 : memref<128x128xf32, #tpu.memory_space<vmem>>) offsets(%arg7 : memref<128xi32, #tpu.memory_space<vmem>>) semaphore(%arg10 : memref<!tpu.dma_semaphore, #tpu.memory_space<semaphore_mem>>)
    %dma_wait3A_90 = arith.constant 0 : i32
    %dma_wait3A_91 = arith.constant 0 : i32
    %dma_wait3A_92 = tpu.memref_slice %arg3[%dma_wait3A_90, %dma_wait3A_91] : memref<40000x128xf32, #tpu.memory_space<hbm>> -> memref<40000x128xf32, #tpu.memory_space<hbm>>
    tpu.wait_indirect_dma semaphore(%arg10 : memref<!tpu.dma_semaphore, #tpu.memory_space<semaphore_mem>>) src(%dma_wait3A_92 : memref<40000x128xf32, #tpu.memory_space<hbm>>) dst(%arg9 : memref<128x128xf32, #tpu.memory_space<vmem>>)
    "tpu.region"() ({
      %run_scoped3A = tpu.sem_alloc : memref<!tpu.dma_semaphore, #tpu.memory_space<semaphore_mem>>
      %dma_start3A_93 = arith.constant 0 : i32
      %dma_start3A_94 = tpu.memref_slice %arg6[%mul3A_18, %dma_start3A_93] : memref<4096x128xf32, #tpu.memory_space<hbm>> -> memref<128x128xf32, #tpu.memory_space<hbm>>
      %dma_start3A_95 = arith.constant 0 : i32
      %dma_start3A_96 = tpu.memref_slice %arg6[%mul3A_18, %dma_start3A_95] : memref<4096x128xf32, #tpu.memory_space<hbm>> -> memref<128x128xf32, #tpu.memory_space<hbm>>
      tpu.enqueue_dma source(%arg9 : memref<128x128xf32, #tpu.memory_space<vmem>>) target(%dma_start3A_96 : memref<128x128xf32, #tpu.memory_space<hbm>>) target_semaphore(%run_scoped3A : memref<!tpu.dma_semaphore, #tpu.memory_space<semaphore_mem>>)
      %dma_wait3A_97 = arith.constant 0 : i32
      %dma_wait3A_98 = tpu.memref_slice %arg6[%mul3A_18, %dma_wait3A_97] : memref<4096x128xf32, #tpu.memory_space<hbm>> -> memref<128x128xf32, #tpu.memory_space<hbm>>
      %dma_wait3A_99 = arith.constant 0 : i32
      %dma_wait3A_100 = tpu.memref_slice %arg6[%mul3A_18, %dma_wait3A_99] : memref<4096x128xf32, #tpu.memory_space<hbm>> -> memref<128x128xf32, #tpu.memory_space<hbm>>
      tpu.wait_dma2 semaphore(%run_scoped3A : memref<!tpu.dma_semaphore, #tpu.memory_space<semaphore_mem>>) src(%arg9 : memref<128x128xf32, #tpu.memory_space<vmem>>) dst(%dma_wait3A_100 : memref<128x128xf32, #tpu.memory_space<hbm>>)
      tpu.yield
    }) : () -> ()
    return
  }
}

#map = affine_map<(d0, d1) -> (0, 0)>
#map1 = affine_map<(d0, d1) -> (0)>
module attributes {stable_mosaic.version = 14 : i64} {
  func.func @k(%arg0: i32, %arg1: i32, %arg2: memref<40000x128xf32, #tpu.memory_space<hbm>>, %arg3: memref<4096x128xf32, #tpu.memory_space<hbm>>, %arg4: memref<4096x128xf32, #tpu.memory_space<hbm>>, %arg5: memref<32768xi32, #tpu.memory_space<hbm>>, %arg6: memref<32768xf32, #tpu.memory_space<hbm>>, %arg7: memref<32768xf32, #tpu.memory_space<hbm>>, %arg8: memref<256xi32, #tpu.memory_space<vmem>>, %arg9: memref<32x128xf32, #tpu.memory_space<vmem>>, %arg10: memref<32x128xf32, #tpu.memory_space<vmem>>, %arg11: memref<256x128xf32, #tpu.memory_space<vmem>>, %arg12: memref<256xf32, #tpu.memory_space<vmem>>, %arg13: memref<256xf32, #tpu.memory_space<vmem>>, %arg14: memref<!tpu.dma_semaphore, #tpu.memory_space<semaphore_mem>>) attributes {dimension_semantics = [#tpu.dimension_semantics<core_parallel>, #tpu.dimension_semantics<subcore_parallel>], iteration_bounds = array<i64: 2, 16>, scalar_prefetch = 0 : i64, scratch_operands = 7 : i64, tpu.core_type = #tpu.core_type<sc_vector_subcore>, window_params = [{transform_indices = #map}, {transform_indices = #map}, {transform_indices = #map}, {transform_indices = #map1}, {transform_indices = #map1}, {transform_indices = #map1}]} {
    %mul3A = arith.constant 2 : i32
    %mul3A_0 = arith.muli %arg1, %mul3A : i32
    %add3A = arith.addi %mul3A_0, %arg0 : i32
    %jit3A = arith.constant 8 : i32
    %div3A = arith.divsi %add3A, %jit3A : i32
    %sign3A = arith.constant 0 : i32
    %sign3A_1 = arith.cmpi sgt, %add3A, %sign3A : i32
    %sign3A_2 = arith.extui %sign3A_1 : i1 to i32
    %sign3A_3 = arith.constant 0 : i32
    %sign3A_4 = arith.cmpi slt, %add3A, %sign3A_3 : i32
    %sign3A_5 = arith.extui %sign3A_4 : i1 to i32
    %sign3A_6 = arith.subi %sign3A_2, %sign3A_5 : i32
    %sign3A_7 = arith.constant 0 : i32
    %sign3A_8 = arith.cmpi sgt, %jit3A, %sign3A_7 : i32
    %sign3A_9 = arith.extui %sign3A_8 : i1 to i32
    %sign3A_10 = arith.constant 0 : i32
    %sign3A_11 = arith.cmpi slt, %jit3A, %sign3A_10 : i32
    %sign3A_12 = arith.extui %sign3A_11 : i1 to i32
    %sign3A_13 = arith.subi %sign3A_9, %sign3A_12 : i32
    %ne3A = arith.cmpi ne, %sign3A_6, %sign3A_13 : i32
    %rem3A = arith.remsi %add3A, %jit3A : i32
    %ne3A_14 = arith.constant 0 : i32
    %ne3A_15 = arith.cmpi ne, %rem3A, %ne3A_14 : i32
    %and3A = arith.andi %ne3A, %ne3A_15 : i1
    %sub3A = arith.constant 1 : i32
    %sub3A_16 = arith.subi %div3A, %sub3A : i32
    %select_n3A = arith.select %and3A, %sub3A_16, %div3A : i32
    %mul3A_17 = arith.constant 10000 : i32
    %mul3A_18 = arith.muli %select_n3A, %mul3A_17 : i32
    %iota3A = tpu.iota {dimensions = array<i32: 0>} : vector<16xi32>
    %scan3A = arith.constant 0 : i32
    %scan3A_19 = arith.constant 0 : i32
    %scan3A_20 = arith.constant 4 : i32
    %scan3A_21 = arith.addi %scan3A_19, %scan3A_20 : i32
    %scan3A_22 = arith.constant 1 : i32
    scf.for %scan3A_24 = %scan3A_19 to %scan3A_21 step %scan3A_22  : i32 {
      %mul3A_25 = arith.constant 128 : i32
      %mul3A_26 = arith.muli %add3A, %mul3A_25 : i32
      %mul3A_27 = arith.constant 32 : i32
      %mul3A_28 = arith.muli %scan3A_24, %mul3A_27 : i32
      %add3A_29 = arith.addi %mul3A_26, %mul3A_28 : i32
      "tpu.region"() ({
        %run_scoped3A = tpu.sem_alloc : memref<!tpu.dma_semaphore, #tpu.memory_space<semaphore_mem>>
        %dma_start3A_140 = arith.constant 0 : i32
        %dma_start3A_141 = tpu.memref_slice %arg3[%add3A_29, %dma_start3A_140] : memref<4096x128xf32, #tpu.memory_space<hbm>> -> memref<32x128xf32, #tpu.memory_space<hbm>>
        %dma_start3A_142 = arith.constant 0 : i32
        %dma_start3A_143 = tpu.memref_slice %arg3[%add3A_29, %dma_start3A_142] : memref<4096x128xf32, #tpu.memory_space<hbm>> -> memref<32x128xf32, #tpu.memory_space<hbm>>
        tpu.enqueue_dma source(%dma_start3A_143 : memref<32x128xf32, #tpu.memory_space<hbm>>) target(%arg9 : memref<32x128xf32, #tpu.memory_space<vmem>>) target_semaphore(%run_scoped3A : memref<!tpu.dma_semaphore, #tpu.memory_space<semaphore_mem>>)
        %dma_wait3A_144 = arith.constant 0 : i32
        %dma_wait3A_145 = tpu.memref_slice %arg3[%add3A_29, %dma_wait3A_144] : memref<4096x128xf32, #tpu.memory_space<hbm>> -> memref<32x128xf32, #tpu.memory_space<hbm>>
        %dma_wait3A_146 = arith.constant 0 : i32
        %dma_wait3A_147 = tpu.memref_slice %arg3[%add3A_29, %dma_wait3A_146] : memref<4096x128xf32, #tpu.memory_space<hbm>> -> memref<32x128xf32, #tpu.memory_space<hbm>>
        tpu.wait_dma2 semaphore(%run_scoped3A : memref<!tpu.dma_semaphore, #tpu.memory_space<semaphore_mem>>) src(%dma_wait3A_147 : memref<32x128xf32, #tpu.memory_space<hbm>>) dst(%arg9 : memref<32x128xf32, #tpu.memory_space<vmem>>)
        tpu.yield
      }) : () -> ()
      "tpu.region"() ({
        %run_scoped3A = tpu.sem_alloc : memref<!tpu.dma_semaphore, #tpu.memory_space<semaphore_mem>>
        %dma_start3A_140 = arith.constant 0 : i32
        %dma_start3A_141 = tpu.memref_slice %arg4[%add3A_29, %dma_start3A_140] : memref<4096x128xf32, #tpu.memory_space<hbm>> -> memref<32x128xf32, #tpu.memory_space<hbm>>
        %dma_start3A_142 = arith.constant 0 : i32
        %dma_start3A_143 = tpu.memref_slice %arg4[%add3A_29, %dma_start3A_142] : memref<4096x128xf32, #tpu.memory_space<hbm>> -> memref<32x128xf32, #tpu.memory_space<hbm>>
        tpu.enqueue_dma source(%dma_start3A_143 : memref<32x128xf32, #tpu.memory_space<hbm>>) target(%arg10 : memref<32x128xf32, #tpu.memory_space<vmem>>) target_semaphore(%run_scoped3A : memref<!tpu.dma_semaphore, #tpu.memory_space<semaphore_mem>>)
        %dma_wait3A_144 = arith.constant 0 : i32
        %dma_wait3A_145 = tpu.memref_slice %arg4[%add3A_29, %dma_wait3A_144] : memref<4096x128xf32, #tpu.memory_space<hbm>> -> memref<32x128xf32, #tpu.memory_space<hbm>>
        %dma_wait3A_146 = arith.constant 0 : i32
        %dma_wait3A_147 = tpu.memref_slice %arg4[%add3A_29, %dma_wait3A_146] : memref<4096x128xf32, #tpu.memory_space<hbm>> -> memref<32x128xf32, #tpu.memory_space<hbm>>
        tpu.wait_dma2 semaphore(%run_scoped3A : memref<!tpu.dma_semaphore, #tpu.memory_space<semaphore_mem>>) src(%dma_wait3A_147 : memref<32x128xf32, #tpu.memory_space<hbm>>) dst(%arg10 : memref<32x128xf32, #tpu.memory_space<vmem>>)
        tpu.yield
      }) : () -> ()
      %mul3A_30 = arith.constant 8 : i32
      %mul3A_31 = arith.muli %add3A_29, %mul3A_30 : i32
      "tpu.region"() ({
        %run_scoped3A = tpu.sem_alloc : memref<!tpu.dma_semaphore, #tpu.memory_space<semaphore_mem>>
        %dma_start3A_140 = tpu.memref_slice %arg5[%mul3A_31] : memref<32768xi32, #tpu.memory_space<hbm>> -> memref<256xi32, #tpu.memory_space<hbm>>
        %dma_start3A_141 = tpu.memref_slice %arg5[%mul3A_31] : memref<32768xi32, #tpu.memory_space<hbm>> -> memref<256xi32, #tpu.memory_space<hbm>>
        tpu.enqueue_dma source(%dma_start3A_141 : memref<256xi32, #tpu.memory_space<hbm>>) target(%arg8 : memref<256xi32, #tpu.memory_space<vmem>>) target_semaphore(%run_scoped3A : memref<!tpu.dma_semaphore, #tpu.memory_space<semaphore_mem>>)
        %dma_wait3A_142 = tpu.memref_slice %arg5[%mul3A_31] : memref<32768xi32, #tpu.memory_space<hbm>> -> memref<256xi32, #tpu.memory_space<hbm>>
        %dma_wait3A_143 = tpu.memref_slice %arg5[%mul3A_31] : memref<32768xi32, #tpu.memory_space<hbm>> -> memref<256xi32, #tpu.memory_space<hbm>>
        tpu.wait_dma2 semaphore(%run_scoped3A : memref<!tpu.dma_semaphore, #tpu.memory_space<semaphore_mem>>) src(%dma_wait3A_143 : memref<256xi32, #tpu.memory_space<hbm>>) dst(%arg8 : memref<256xi32, #tpu.memory_space<vmem>>)
        tpu.yield
      }) : () -> ()
      %get3A = arith.constant 0 : index
      %get3A_32 = tpu.vector_load %arg8[%get3A] {strides = array<i32>} : memref<256xi32, #tpu.memory_space<vmem>>, vector<16xi32>,
      %add3A_33 = vector.broadcast %mul3A_18 : i32 to vector<16xi32>
      %add3A_34 = arith.addi %get3A_32, %add3A_33 : vector<16xi32>
      %swap3A = arith.constant 0 : index
      %swap3A_35 = tpu.vector_load %arg8[%swap3A] {strides = array<i32>} : memref<256xi32, #tpu.memory_space<vmem>>, vector<16xi32>,
      tpu.vector_store %arg8[%swap3A], %add3A_34 {strides = array<i32>} : memref<256xi32, #tpu.memory_space<vmem>>, vector<16xi32>,
      %get3A_36 = arith.constant 16 : index
      %get3A_37 = tpu.vector_load %arg8[%get3A_36] {strides = array<i32>} : memref<256xi32, #tpu.memory_space<vmem>>, vector<16xi32>,
      %add3A_38 = vector.broadcast %mul3A_18 : i32 to vector<16xi32>
      %add3A_39 = arith.addi %get3A_37, %add3A_38 : vector<16xi32>
      %swap3A_40 = arith.constant 16 : index
      %swap3A_41 = tpu.vector_load %arg8[%swap3A_40] {strides = array<i32>} : memref<256xi32, #tpu.memory_space<vmem>>, vector<16xi32>,
      tpu.vector_store %arg8[%swap3A_40], %add3A_39 {strides = array<i32>} : memref<256xi32, #tpu.memory_space<vmem>>, vector<16xi32>,
      %get3A_42 = arith.constant 32 : index
      %get3A_43 = tpu.vector_load %arg8[%get3A_42] {strides = array<i32>} : memref<256xi32, #tpu.memory_space<vmem>>, vector<16xi32>,
      %add3A_44 = vector.broadcast %mul3A_18 : i32 to vector<16xi32>
      %add3A_45 = arith.addi %get3A_43, %add3A_44 : vector<16xi32>
      %swap3A_46 = arith.constant 32 : index
      %swap3A_47 = tpu.vector_load %arg8[%swap3A_46] {strides = array<i32>} : memref<256xi32, #tpu.memory_space<vmem>>, vector<16xi32>,
      tpu.vector_store %arg8[%swap3A_46], %add3A_45 {strides = array<i32>} : memref<256xi32, #tpu.memory_space<vmem>>, vector<16xi32>,
      %get3A_48 = arith.constant 48 : index
      %get3A_49 = tpu.vector_load %arg8[%get3A_48] {strides = array<i32>} : memref<256xi32, #tpu.memory_space<vmem>>, vector<16xi32>,
      %add3A_50 = vector.broadcast %mul3A_18 : i32 to vector<16xi32>
      %add3A_51 = arith.addi %get3A_49, %add3A_50 : vector<16xi32>
      %swap3A_52 = arith.constant 48 : index
      %swap3A_53 = tpu.vector_load %arg8[%swap3A_52] {strides = array<i32>} : memref<256xi32, #tpu.memory_space<vmem>>, vector<16xi32>,
      tpu.vector_store %arg8[%swap3A_52], %add3A_51 {strides = array<i32>} : memref<256xi32, #tpu.memory_space<vmem>>, vector<16xi32>,
      %get3A_54 = arith.constant 64 : index
      %get3A_55 = tpu.vector_load %arg8[%get3A_54] {strides = array<i32>} : memref<256xi32, #tpu.memory_space<vmem>>, vector<16xi32>,
      %add3A_56 = vector.broadcast %mul3A_18 : i32 to vector<16xi32>
      %add3A_57 = arith.addi %get3A_55, %add3A_56 : vector<16xi32>
      %swap3A_58 = arith.constant 64 : index
      %swap3A_59 = tpu.vector_load %arg8[%swap3A_58] {strides = array<i32>} : memref<256xi32, #tpu.memory_space<vmem>>, vector<16xi32>,
      tpu.vector_store %arg8[%swap3A_58], %add3A_57 {strides = array<i32>} : memref<256xi32, #tpu.memory_space<vmem>>, vector<16xi32>,
      %get3A_60 = arith.constant 80 : index
      %get3A_61 = tpu.vector_load %arg8[%get3A_60] {strides = array<i32>} : memref<256xi32, #tpu.memory_space<vmem>>, vector<16xi32>,
      %add3A_62 = vector.broadcast %mul3A_18 : i32 to vector<16xi32>
      %add3A_63 = arith.addi %get3A_61, %add3A_62 : vector<16xi32>
      %swap3A_64 = arith.constant 80 : index
      %swap3A_65 = tpu.vector_load %arg8[%swap3A_64] {strides = array<i32>} : memref<256xi32, #tpu.memory_space<vmem>>, vector<16xi32>,
      tpu.vector_store %arg8[%swap3A_64], %add3A_63 {strides = array<i32>} : memref<256xi32, #tpu.memory_space<vmem>>, vector<16xi32>,
      %get3A_66 = arith.constant 96 : index
      %get3A_67 = tpu.vector_load %arg8[%get3A_66] {strides = array<i32>} : memref<256xi32, #tpu.memory_space<vmem>>, vector<16xi32>,
      %add3A_68 = vector.broadcast %mul3A_18 : i32 to vector<16xi32>
      %add3A_69 = arith.addi %get3A_67, %add3A_68 : vector<16xi32>
      %swap3A_70 = arith.constant 96 : index
      %swap3A_71 = tpu.vector_load %arg8[%swap3A_70] {strides = array<i32>} : memref<256xi32, #tpu.memory_space<vmem>>, vector<16xi32>,
      tpu.vector_store %arg8[%swap3A_70], %add3A_69 {strides = array<i32>} : memref<256xi32, #tpu.memory_space<vmem>>, vector<16xi32>,
      %get3A_72 = arith.constant 112 : index
      %get3A_73 = tpu.vector_load %arg8[%get3A_72] {strides = array<i32>} : memref<256xi32, #tpu.memory_space<vmem>>, vector<16xi32>,
      %add3A_74 = vector.broadcast %mul3A_18 : i32 to vector<16xi32>
      %add3A_75 = arith.addi %get3A_73, %add3A_74 : vector<16xi32>
      %swap3A_76 = arith.constant 112 : index
      %swap3A_77 = tpu.vector_load %arg8[%swap3A_76] {strides = array<i32>} : memref<256xi32, #tpu.memory_space<vmem>>, vector<16xi32>,
      tpu.vector_store %arg8[%swap3A_76], %add3A_75 {strides = array<i32>} : memref<256xi32, #tpu.memory_space<vmem>>, vector<16xi32>,
      %get3A_78 = arith.constant 128 : index
      %get3A_79 = tpu.vector_load %arg8[%get3A_78] {strides = array<i32>} : memref<256xi32, #tpu.memory_space<vmem>>, vector<16xi32>,
      %add3A_80 = vector.broadcast %mul3A_18 : i32 to vector<16xi32>
      %add3A_81 = arith.addi %get3A_79, %add3A_80 : vector<16xi32>
      %swap3A_82 = arith.constant 128 : index
      %swap3A_83 = tpu.vector_load %arg8[%swap3A_82] {strides = array<i32>} : memref<256xi32, #tpu.memory_space<vmem>>, vector<16xi32>,
      tpu.vector_store %arg8[%swap3A_82], %add3A_81 {strides = array<i32>} : memref<256xi32, #tpu.memory_space<vmem>>, vector<16xi32>,
      %get3A_84 = arith.constant 144 : index
      %get3A_85 = tpu.vector_load %arg8[%get3A_84] {strides = array<i32>} : memref<256xi32, #tpu.memory_space<vmem>>, vector<16xi32>,
      %add3A_86 = vector.broadcast %mul3A_18 : i32 to vector<16xi32>
      %add3A_87 = arith.addi %get3A_85, %add3A_86 : vector<16xi32>
      %swap3A_88 = arith.constant 144 : index
      %swap3A_89 = tpu.vector_load %arg8[%swap3A_88] {strides = array<i32>} : memref<256xi32, #tpu.memory_space<vmem>>, vector<16xi32>,
      tpu.vector_store %arg8[%swap3A_88], %add3A_87 {strides = array<i32>} : memref<256xi32, #tpu.memory_space<vmem>>, vector<16xi32>,
      %get3A_90 = arith.constant 160 : index
      %get3A_91 = tpu.vector_load %arg8[%get3A_90] {strides = array<i32>} : memref<256xi32, #tpu.memory_space<vmem>>, vector<16xi32>,
      %add3A_92 = vector.broadcast %mul3A_18 : i32 to vector<16xi32>
      %add3A_93 = arith.addi %get3A_91, %add3A_92 : vector<16xi32>
      %swap3A_94 = arith.constant 160 : index
      %swap3A_95 = tpu.vector_load %arg8[%swap3A_94] {strides = array<i32>} : memref<256xi32, #tpu.memory_space<vmem>>, vector<16xi32>,
      tpu.vector_store %arg8[%swap3A_94], %add3A_93 {strides = array<i32>} : memref<256xi32, #tpu.memory_space<vmem>>, vector<16xi32>,
      %get3A_96 = arith.constant 176 : index
      %get3A_97 = tpu.vector_load %arg8[%get3A_96] {strides = array<i32>} : memref<256xi32, #tpu.memory_space<vmem>>, vector<16xi32>,
      %add3A_98 = vector.broadcast %mul3A_18 : i32 to vector<16xi32>
      %add3A_99 = arith.addi %get3A_97, %add3A_98 : vector<16xi32>
      %swap3A_100 = arith.constant 176 : index
      %swap3A_101 = tpu.vector_load %arg8[%swap3A_100] {strides = array<i32>} : memref<256xi32, #tpu.memory_space<vmem>>, vector<16xi32>,
      tpu.vector_store %arg8[%swap3A_100], %add3A_99 {strides = array<i32>} : memref<256xi32, #tpu.memory_space<vmem>>, vector<16xi32>,
      %get3A_102 = arith.constant 192 : index
      %get3A_103 = tpu.vector_load %arg8[%get3A_102] {strides = array<i32>} : memref<256xi32, #tpu.memory_space<vmem>>, vector<16xi32>,
      %add3A_104 = vector.broadcast %mul3A_18 : i32 to vector<16xi32>
      %add3A_105 = arith.addi %get3A_103, %add3A_104 : vector<16xi32>
      %swap3A_106 = arith.constant 192 : index
      %swap3A_107 = tpu.vector_load %arg8[%swap3A_106] {strides = array<i32>} : memref<256xi32, #tpu.memory_space<vmem>>, vector<16xi32>,
      tpu.vector_store %arg8[%swap3A_106], %add3A_105 {strides = array<i32>} : memref<256xi32, #tpu.memory_space<vmem>>, vector<16xi32>,
      %get3A_108 = arith.constant 208 : index
      %get3A_109 = tpu.vector_load %arg8[%get3A_108] {strides = array<i32>} : memref<256xi32, #tpu.memory_space<vmem>>, vector<16xi32>,
      %add3A_110 = vector.broadcast %mul3A_18 : i32 to vector<16xi32>
      %add3A_111 = arith.addi %get3A_109, %add3A_110 : vector<16xi32>
      %swap3A_112 = arith.constant 208 : index
      %swap3A_113 = tpu.vector_load %arg8[%swap3A_112] {strides = array<i32>} : memref<256xi32, #tpu.memory_space<vmem>>, vector<16xi32>,
      tpu.vector_store %arg8[%swap3A_112], %add3A_111 {strides = array<i32>} : memref<256xi32, #tpu.memory_space<vmem>>, vector<16xi32>,
      %get3A_114 = arith.constant 224 : index
      %get3A_115 = tpu.vector_load %arg8[%get3A_114] {strides = array<i32>} : memref<256xi32, #tpu.memory_space<vmem>>, vector<16xi32>,
      %add3A_116 = vector.broadcast %mul3A_18 : i32 to vector<16xi32>
      %add3A_117 = arith.addi %get3A_115, %add3A_116 : vector<16xi32>
      %swap3A_118 = arith.constant 224 : index
      %swap3A_119 = tpu.vector_load %arg8[%swap3A_118] {strides = array<i32>} : memref<256xi32, #tpu.memory_space<vmem>>, vector<16xi32>,
      tpu.vector_store %arg8[%swap3A_118], %add3A_117 {strides = array<i32>} : memref<256xi32, #tpu.memory_space<vmem>>, vector<16xi32>,
      %get3A_120 = arith.constant 240 : index
      %get3A_121 = tpu.vector_load %arg8[%get3A_120] {strides = array<i32>} : memref<256xi32, #tpu.memory_space<vmem>>, vector<16xi32>,
      %add3A_122 = vector.broadcast %mul3A_18 : i32 to vector<16xi32>
      %add3A_123 = arith.addi %get3A_121, %add3A_122 : vector<16xi32>
      %swap3A_124 = arith.constant 240 : index
      %swap3A_125 = tpu.vector_load %arg8[%swap3A_124] {strides = array<i32>} : memref<256xi32, #tpu.memory_space<vmem>>, vector<16xi32>,
      tpu.vector_store %arg8[%swap3A_124], %add3A_123 {strides = array<i32>} : memref<256xi32, #tpu.memory_space<vmem>>, vector<16xi32>,
      %dma_start3A = arith.constant 0 : i32
      %dma_start3A_126 = arith.constant 0 : i32
      %dma_start3A_127 = tpu.memref_slice %arg2[%dma_start3A, %dma_start3A_126] : memref<40000x128xf32, #tpu.memory_space<hbm>> -> memref<40000x128xf32, #tpu.memory_space<hbm>>
      tpu.enqueue_indirect_dma source(%dma_start3A_127 : memref<40000x128xf32, #tpu.memory_space<hbm>>) target(%arg11 : memref<256x128xf32, #tpu.memory_space<vmem>>) offsets(%arg8 : memref<256xi32, #tpu.memory_space<vmem>>) semaphore(%arg14 : memref<!tpu.dma_semaphore, #tpu.memory_space<semaphore_mem>>)
      %dma_wait3A = arith.constant 0 : i32
      %dma_wait3A_128 = arith.constant 0 : i32
      %dma_wait3A_129 = tpu.memref_slice %arg2[%dma_wait3A, %dma_wait3A_128] : memref<40000x128xf32, #tpu.memory_space<hbm>> -> memref<40000x128xf32, #tpu.memory_space<hbm>>
      tpu.wait_indirect_dma semaphore(%arg14 : memref<!tpu.dma_semaphore, #tpu.memory_space<semaphore_mem>>) src(%dma_wait3A_129 : memref<40000x128xf32, #tpu.memory_space<hbm>>) dst(%arg11 : memref<256x128xf32, #tpu.memory_space<vmem>>)
      %scan3A_130 = arith.constant 0 : i32
      %scan3A_131 = arith.constant 0 : i32
      %scan3A_132 = arith.constant 16 : i32
      %scan3A_133 = arith.addi %scan3A_131, %scan3A_132 : i32
      %scan3A_134 = arith.constant 1 : i32
      scf.for %scan3A_140 = %scan3A_131 to %scan3A_133 step %scan3A_134  : i32 {
        %broadcast_in_dim3A = arith.constant 0.000000e+00 : f32
        %broadcast_in_dim3A_141 = vector.broadcast %broadcast_in_dim3A : f32 to vector<16xf32>
        %broadcast_in_dim3A_142 = arith.constant 0.000000e+00 : f32
        %broadcast_in_dim3A_143 = vector.broadcast %broadcast_in_dim3A_142 : f32 to vector<16xf32>
        %mul3A_144 = arith.constant 2 : i32
        %mul3A_145 = arith.muli %mul3A_144, %scan3A_140 : i32
        %add3A_146 = arith.constant 0 : i32
        %add3A_147 = arith.addi %mul3A_145, %add3A_146 : i32
        %get3A_148 = arith.index_cast %add3A_147 : i32 to index
        %get3A_149 = arith.constant 0 : index
        %get3A_150 = tpu.vector_load %arg9[%get3A_148, %get3A_149] {strides = array<i32>} : memref<32x128xf32, #tpu.memory_space<vmem>>, vector<16xf32>,
        %get3A_151 = arith.index_cast %add3A_147 : i32 to index
        %get3A_152 = arith.constant 16 : index
        %get3A_153 = tpu.vector_load %arg9[%get3A_151, %get3A_152] {strides = array<i32>} : memref<32x128xf32, #tpu.memory_space<vmem>>, vector<16xf32>,
        %get3A_154 = arith.index_cast %add3A_147 : i32 to index
        %get3A_155 = arith.constant 32 : index
        %get3A_156 = tpu.vector_load %arg9[%get3A_154, %get3A_155] {strides = array<i32>} : memref<32x128xf32, #tpu.memory_space<vmem>>, vector<16xf32>,
        %get3A_157 = arith.index_cast %add3A_147 : i32 to index
        %get3A_158 = arith.constant 48 : index
        %get3A_159 = tpu.vector_load %arg9[%get3A_157, %get3A_158] {strides = array<i32>} : memref<32x128xf32, #tpu.memory_space<vmem>>, vector<16xf32>,
        %get3A_160 = arith.index_cast %add3A_147 : i32 to index
        %get3A_161 = arith.constant 64 : index
        %get3A_162 = tpu.vector_load %arg9[%get3A_160, %get3A_161] {strides = array<i32>} : memref<32x128xf32, #tpu.memory_space<vmem>>, vector<16xf32>,
        %get3A_163 = arith.index_cast %add3A_147 : i32 to index
        %get3A_164 = arith.constant 80 : index
        %get3A_165 = tpu.vector_load %arg9[%get3A_163, %get3A_164] {strides = array<i32>} : memref<32x128xf32, #tpu.memory_space<vmem>>, vector<16xf32>,
        %get3A_166 = arith.index_cast %add3A_147 : i32 to index
        %get3A_167 = arith.constant 96 : index
        %get3A_168 = tpu.vector_load %arg9[%get3A_166, %get3A_167] {strides = array<i32>} : memref<32x128xf32, #tpu.memory_space<vmem>>, vector<16xf32>,
        %get3A_169 = arith.index_cast %add3A_147 : i32 to index
        %get3A_170 = arith.constant 112 : index
        %get3A_171 = tpu.vector_load %arg9[%get3A_169, %get3A_170] {strides = array<i32>} : memref<32x128xf32, #tpu.memory_space<vmem>>, vector<16xf32>,
        %get3A_172 = arith.index_cast %add3A_147 : i32 to index
        %get3A_173 = arith.constant 0 : index
        %get3A_174 = tpu.vector_load %arg10[%get3A_172, %get3A_173] {strides = array<i32>} : memref<32x128xf32, #tpu.memory_space<vmem>>, vector<16xf32>,
        %get3A_175 = arith.index_cast %add3A_147 : i32 to index
        %get3A_176 = arith.constant 16 : index
        %get3A_177 = tpu.vector_load %arg10[%get3A_175, %get3A_176] {strides = array<i32>} : memref<32x128xf32, #tpu.memory_space<vmem>>, vector<16xf32>,
        %get3A_178 = arith.index_cast %add3A_147 : i32 to index
        %get3A_179 = arith.constant 32 : index
        %get3A_180 = tpu.vector_load %arg10[%get3A_178, %get3A_179] {strides = array<i32>} : memref<32x128xf32, #tpu.memory_space<vmem>>, vector<16xf32>,
        %get3A_181 = arith.index_cast %add3A_147 : i32 to index
        %get3A_182 = arith.constant 48 : index
        %get3A_183 = tpu.vector_load %arg10[%get3A_181, %get3A_182] {strides = array<i32>} : memref<32x128xf32, #tpu.memory_space<vmem>>, vector<16xf32>,
        %get3A_184 = arith.index_cast %add3A_147 : i32 to index
        %get3A_185 = arith.constant 64 : index
        %get3A_186 = tpu.vector_load %arg10[%get3A_184, %get3A_185] {strides = array<i32>} : memref<32x128xf32, #tpu.memory_space<vmem>>, vector<16xf32>,
        %get3A_187 = arith.index_cast %add3A_147 : i32 to index
        %get3A_188 = arith.constant 80 : index
        %get3A_189 = tpu.vector_load %arg10[%get3A_187, %get3A_188] {strides = array<i32>} : memref<32x128xf32, #tpu.memory_space<vmem>>, vector<16xf32>,
        %get3A_190 = arith.index_cast %add3A_147 : i32 to index
        %get3A_191 = arith.constant 96 : index
        %get3A_192 = tpu.vector_load %arg10[%get3A_190, %get3A_191] {strides = array<i32>} : memref<32x128xf32, #tpu.memory_space<vmem>>, vector<16xf32>,
        %get3A_193 = arith.index_cast %add3A_147 : i32 to index
        %get3A_194 = arith.constant 112 : index
        %get3A_195 = tpu.vector_load %arg10[%get3A_193, %get3A_194] {strides = array<i32>} : memref<32x128xf32, #tpu.memory_space<vmem>>, vector<16xf32>,
        %mul3A_196 = arith.constant 8 : i32
        %mul3A_197 = arith.muli %add3A_147, %mul3A_196 : i32
        %add3A_198 = arith.constant 0 : i32
        %add3A_199 = arith.addi %mul3A_197, %add3A_198 : i32
        %broadcast_in_dim3A_200 = arith.constant 0.000000e+00 : f32
        %broadcast_in_dim3A_201 = vector.broadcast %broadcast_in_dim3A_200 : f32 to vector<16xf32>
        %broadcast_in_dim3A_202 = arith.constant 0.000000e+00 : f32
        %broadcast_in_dim3A_203 = vector.broadcast %broadcast_in_dim3A_202 : f32 to vector<16xf32>
        %get3A_204 = arith.index_cast %add3A_199 : i32 to index
        %get3A_205 = arith.constant 0 : index
        %get3A_206 = tpu.vector_load %arg11[%get3A_204, %get3A_205] {strides = array<i32>} : memref<256x128xf32, #tpu.memory_space<vmem>>, vector<16xf32>,
        %sub3A_207 = arith.subf %get3A_150, %get3A_206 : vector<16xf32>
        %mul3A_208 = arith.mulf %sub3A_207, %sub3A_207 : vector<16xf32>
        %add3A_209 = arith.addf %broadcast_in_dim3A_201, %mul3A_208 : vector<16xf32>
        %mul3A_210 = arith.mulf %sub3A_207, %get3A_174 : vector<16xf32>
        %add3A_211 = arith.addf %broadcast_in_dim3A_203, %mul3A_210 : vector<16xf32>
        %get3A_212 = arith.index_cast %add3A_199 : i32 to index
        %get3A_213 = arith.constant 16 : index
        %get3A_214 = tpu.vector_load %arg11[%get3A_212, %get3A_213] {strides = array<i32>} : memref<256x128xf32, #tpu.memory_space<vmem>>, vector<16xf32>,
        %sub3A_215 = arith.subf %get3A_153, %get3A_214 : vector<16xf32>
        %mul3A_216 = arith.mulf %sub3A_215, %sub3A_215 : vector<16xf32>
        %add3A_217 = arith.addf %add3A_209, %mul3A_216 : vector<16xf32>
        %mul3A_218 = arith.mulf %sub3A_215, %get3A_177 : vector<16xf32>
        %add3A_219 = arith.addf %add3A_211, %mul3A_218 : vector<16xf32>
        %get3A_220 = arith.index_cast %add3A_199 : i32 to index
        %get3A_221 = arith.constant 32 : index
        %get3A_222 = tpu.vector_load %arg11[%get3A_220, %get3A_221] {strides = array<i32>} : memref<256x128xf32, #tpu.memory_space<vmem>>, vector<16xf32>,
        %sub3A_223 = arith.subf %get3A_156, %get3A_222 : vector<16xf32>
        %mul3A_224 = arith.mulf %sub3A_223, %sub3A_223 : vector<16xf32>
        %add3A_225 = arith.addf %add3A_217, %mul3A_224 : vector<16xf32>
        %mul3A_226 = arith.mulf %sub3A_223, %get3A_180 : vector<16xf32>
        %add3A_227 = arith.addf %add3A_219, %mul3A_226 : vector<16xf32>
        %get3A_228 = arith.index_cast %add3A_199 : i32 to index
        %get3A_229 = arith.constant 48 : index
        %get3A_230 = tpu.vector_load %arg11[%get3A_228, %get3A_229] {strides = array<i32>} : memref<256x128xf32, #tpu.memory_space<vmem>>, vector<16xf32>,
        %sub3A_231 = arith.subf %get3A_159, %get3A_230 : vector<16xf32>
        %mul3A_232 = arith.mulf %sub3A_231, %sub3A_231 : vector<16xf32>
        %add3A_233 = arith.addf %add3A_225, %mul3A_232 : vector<16xf32>
        %mul3A_234 = arith.mulf %sub3A_231, %get3A_183 : vector<16xf32>
        %add3A_235 = arith.addf %add3A_227, %mul3A_234 : vector<16xf32>
        %get3A_236 = arith.index_cast %add3A_199 : i32 to index
        %get3A_237 = arith.constant 64 : index
        %get3A_238 = tpu.vector_load %arg11[%get3A_236, %get3A_237] {strides = array<i32>} : memref<256x128xf32, #tpu.memory_space<vmem>>, vector<16xf32>,
        %sub3A_239 = arith.subf %get3A_162, %get3A_238 : vector<16xf32>
        %mul3A_240 = arith.mulf %sub3A_239, %sub3A_239 : vector<16xf32>
        %add3A_241 = arith.addf %add3A_233, %mul3A_240 : vector<16xf32>
        %mul3A_242 = arith.mulf %sub3A_239, %get3A_186 : vector<16xf32>
        %add3A_243 = arith.addf %add3A_235, %mul3A_242 : vector<16xf32>
        %get3A_244 = arith.index_cast %add3A_199 : i32 to index
        %get3A_245 = arith.constant 80 : index
        %get3A_246 = tpu.vector_load %arg11[%get3A_244, %get3A_245] {strides = array<i32>} : memref<256x128xf32, #tpu.memory_space<vmem>>, vector<16xf32>,
        %sub3A_247 = arith.subf %get3A_165, %get3A_246 : vector<16xf32>
        %mul3A_248 = arith.mulf %sub3A_247, %sub3A_247 : vector<16xf32>
        %add3A_249 = arith.addf %add3A_241, %mul3A_248 : vector<16xf32>
        %mul3A_250 = arith.mulf %sub3A_247, %get3A_189 : vector<16xf32>
        %add3A_251 = arith.addf %add3A_243, %mul3A_250 : vector<16xf32>
        %get3A_252 = arith.index_cast %add3A_199 : i32 to index
        %get3A_253 = arith.constant 96 : index
        %get3A_254 = tpu.vector_load %arg11[%get3A_252, %get3A_253] {strides = array<i32>} : memref<256x128xf32, #tpu.memory_space<vmem>>, vector<16xf32>,
        %sub3A_255 = arith.subf %get3A_168, %get3A_254 : vector<16xf32>
        %mul3A_256 = arith.mulf %sub3A_255, %sub3A_255 : vector<16xf32>
        %add3A_257 = arith.addf %add3A_249, %mul3A_256 : vector<16xf32>
        %mul3A_258 = arith.mulf %sub3A_255, %get3A_192 : vector<16xf32>
        %add3A_259 = arith.addf %add3A_251, %mul3A_258 : vector<16xf32>
        %get3A_260 = arith.index_cast %add3A_199 : i32 to index
        %get3A_261 = arith.constant 112 : index
        %get3A_262 = tpu.vector_load %arg11[%get3A_260, %get3A_261] {strides = array<i32>} : memref<256x128xf32, #tpu.memory_space<vmem>>, vector<16xf32>,
        %sub3A_263 = arith.subf %get3A_171, %get3A_262 : vector<16xf32>
        %mul3A_264 = arith.mulf %sub3A_263, %sub3A_263 : vector<16xf32>
        %add3A_265 = arith.addf %add3A_257, %mul3A_264 : vector<16xf32>
        %mul3A_266 = arith.mulf %sub3A_263, %get3A_195 : vector<16xf32>
        %add3A_267 = arith.addf %add3A_259, %mul3A_266 : vector<16xf32>
        %eq3A = arith.constant 0 : i32
        %eq3A_268 = vector.broadcast %eq3A : i32 to vector<16xi32>
        %eq3A_269 = arith.cmpi eq, %iota3A, %eq3A_268 : vector<16xi32>
        %reduce_sum3A = arith.constant true
        %reduce_sum3A_270 = vector.broadcast %reduce_sum3A : i1 to vector<16xi1>
        %reduce_sum3A_271 = tpu.scan <sum>, %add3A_265 masked %reduce_sum3A_270 : vector<16xf32>, vector<16xi1> -> vector<16xf32>
        %reduce_sum3A_272 = vector.extract %reduce_sum3A_271[15] : f32 from vector<16xf32>
        %broadcast_in_dim3A_273 = vector.broadcast %reduce_sum3A_272 : f32 to vector<16xf32>
        %select_n3A_274 = arith.select %eq3A_269, %broadcast_in_dim3A_273, %broadcast_in_dim3A_141 : vector<16xi1>, vector<16xf32>
        %reduce_sum3A_275 = arith.constant true
        %reduce_sum3A_276 = vector.broadcast %reduce_sum3A_275 : i1 to vector<16xi1>
        %reduce_sum3A_277 = tpu.scan <sum>, %add3A_267 masked %reduce_sum3A_276 : vector<16xf32>, vector<16xi1> -> vector<16xf32>
        %reduce_sum3A_278 = vector.extract %reduce_sum3A_277[15] : f32 from vector<16xf32>
        %broadcast_in_dim3A_279 = vector.broadcast %reduce_sum3A_278 : f32 to vector<16xf32>
        %select_n3A_280 = arith.select %eq3A_269, %broadcast_in_dim3A_279, %broadcast_in_dim3A_143 : vector<16xi1>, vector<16xf32>
        %mul3A_281 = arith.constant 8 : i32
        %mul3A_282 = arith.muli %add3A_147, %mul3A_281 : i32
        %add3A_283 = arith.constant 1 : i32
        %add3A_284 = arith.addi %mul3A_282, %add3A_283 : i32
        %broadcast_in_dim3A_285 = arith.constant 0.000000e+00 : f32
        %broadcast_in_dim3A_286 = vector.broadcast %broadcast_in_dim3A_285 : f32 to vector<16xf32>
        %broadcast_in_dim3A_287 = arith.constant 0.000000e+00 : f32
        %broadcast_in_dim3A_288 = vector.broadcast %broadcast_in_dim3A_287 : f32 to vector<16xf32>
        %get3A_289 = arith.index_cast %add3A_284 : i32 to index
        %get3A_290 = arith.constant 0 : index
        %get3A_291 = tpu.vector_load %arg11[%get3A_289, %get3A_290] {strides = array<i32>} : memref<256x128xf32, #tpu.memory_space<vmem>>, vector<16xf32>,
        %sub3A_292 = arith.subf %get3A_150, %get3A_291 : vector<16xf32>
        %mul3A_293 = arith.mulf %sub3A_292, %sub3A_292 : vector<16xf32>
        %add3A_294 = arith.addf %broadcast_in_dim3A_286, %mul3A_293 : vector<16xf32>
        %mul3A_295 = arith.mulf %sub3A_292, %get3A_174 : vector<16xf32>
        %add3A_296 = arith.addf %broadcast_in_dim3A_288, %mul3A_295 : vector<16xf32>
        %get3A_297 = arith.index_cast %add3A_284 : i32 to index
        %get3A_298 = arith.constant 16 : index
        %get3A_299 = tpu.vector_load %arg11[%get3A_297, %get3A_298] {strides = array<i32>} : memref<256x128xf32, #tpu.memory_space<vmem>>, vector<16xf32>,
        %sub3A_300 = arith.subf %get3A_153, %get3A_299 : vector<16xf32>
        %mul3A_301 = arith.mulf %sub3A_300, %sub3A_300 : vector<16xf32>
        %add3A_302 = arith.addf %add3A_294, %mul3A_301 : vector<16xf32>
        %mul3A_303 = arith.mulf %sub3A_300, %get3A_177 : vector<16xf32>
        %add3A_304 = arith.addf %add3A_296, %mul3A_303 : vector<16xf32>
        %get3A_305 = arith.index_cast %add3A_284 : i32 to index
        %get3A_306 = arith.constant 32 : index
        %get3A_307 = tpu.vector_load %arg11[%get3A_305, %get3A_306] {strides = array<i32>} : memref<256x128xf32, #tpu.memory_space<vmem>>, vector<16xf32>,
        %sub3A_308 = arith.subf %get3A_156, %get3A_307 : vector<16xf32>
        %mul3A_309 = arith.mulf %sub3A_308, %sub3A_308 : vector<16xf32>
        %add3A_310 = arith.addf %add3A_302, %mul3A_309 : vector<16xf32>
        %mul3A_311 = arith.mulf %sub3A_308, %get3A_180 : vector<16xf32>
        %add3A_312 = arith.addf %add3A_304, %mul3A_311 : vector<16xf32>
        %get3A_313 = arith.index_cast %add3A_284 : i32 to index
        %get3A_314 = arith.constant 48 : index
        %get3A_315 = tpu.vector_load %arg11[%get3A_313, %get3A_314] {strides = array<i32>} : memref<256x128xf32, #tpu.memory_space<vmem>>, vector<16xf32>,
        %sub3A_316 = arith.subf %get3A_159, %get3A_315 : vector<16xf32>
        %mul3A_317 = arith.mulf %sub3A_316, %sub3A_316 : vector<16xf32>
        %add3A_318 = arith.addf %add3A_310, %mul3A_317 : vector<16xf32>
        %mul3A_319 = arith.mulf %sub3A_316, %get3A_183 : vector<16xf32>
        %add3A_320 = arith.addf %add3A_312, %mul3A_319 : vector<16xf32>
        %get3A_321 = arith.index_cast %add3A_284 : i32 to index
        %get3A_322 = arith.constant 64 : index
        %get3A_323 = tpu.vector_load %arg11[%get3A_321, %get3A_322] {strides = array<i32>} : memref<256x128xf32, #tpu.memory_space<vmem>>, vector<16xf32>,
        %sub3A_324 = arith.subf %get3A_162, %get3A_323 : vector<16xf32>
        %mul3A_325 = arith.mulf %sub3A_324, %sub3A_324 : vector<16xf32>
        %add3A_326 = arith.addf %add3A_318, %mul3A_325 : vector<16xf32>
        %mul3A_327 = arith.mulf %sub3A_324, %get3A_186 : vector<16xf32>
        %add3A_328 = arith.addf %add3A_320, %mul3A_327 : vector<16xf32>
        %get3A_329 = arith.index_cast %add3A_284 : i32 to index
        %get3A_330 = arith.constant 80 : index
        %get3A_331 = tpu.vector_load %arg11[%get3A_329, %get3A_330] {strides = array<i32>} : memref<256x128xf32, #tpu.memory_space<vmem>>, vector<16xf32>,
        %sub3A_332 = arith.subf %get3A_165, %get3A_331 : vector<16xf32>
        %mul3A_333 = arith.mulf %sub3A_332, %sub3A_332 : vector<16xf32>
        %add3A_334 = arith.addf %add3A_326, %mul3A_333 : vector<16xf32>
        %mul3A_335 = arith.mulf %sub3A_332, %get3A_189 : vector<16xf32>
        %add3A_336 = arith.addf %add3A_328, %mul3A_335 : vector<16xf32>
        %get3A_337 = arith.index_cast %add3A_284 : i32 to index
        %get3A_338 = arith.constant 96 : index
        %get3A_339 = tpu.vector_load %arg11[%get3A_337, %get3A_338] {strides = array<i32>} : memref<256x128xf32, #tpu.memory_space<vmem>>, vector<16xf32>,
        %sub3A_340 = arith.subf %get3A_168, %get3A_339 : vector<16xf32>
        %mul3A_341 = arith.mulf %sub3A_340, %sub3A_340 : vector<16xf32>
        %add3A_342 = arith.addf %add3A_334, %mul3A_341 : vector<16xf32>
        %mul3A_343 = arith.mulf %sub3A_340, %get3A_192 : vector<16xf32>
        %add3A_344 = arith.addf %add3A_336, %mul3A_343 : vector<16xf32>
        %get3A_345 = arith.index_cast %add3A_284 : i32 to index
        %get3A_346 = arith.constant 112 : index
        %get3A_347 = tpu.vector_load %arg11[%get3A_345, %get3A_346] {strides = array<i32>} : memref<256x128xf32, #tpu.memory_space<vmem>>, vector<16xf32>,
        %sub3A_348 = arith.subf %get3A_171, %get3A_347 : vector<16xf32>
        %mul3A_349 = arith.mulf %sub3A_348, %sub3A_348 : vector<16xf32>
        %add3A_350 = arith.addf %add3A_342, %mul3A_349 : vector<16xf32>
        %mul3A_351 = arith.mulf %sub3A_348, %get3A_195 : vector<16xf32>
        %add3A_352 = arith.addf %add3A_344, %mul3A_351 : vector<16xf32>
        %eq3A_353 = arith.constant 1 : i32
        %eq3A_354 = vector.broadcast %eq3A_353 : i32 to vector<16xi32>
        %eq3A_355 = arith.cmpi eq, %iota3A, %eq3A_354 : vector<16xi32>
        %reduce_sum3A_356 = arith.constant true
        %reduce_sum3A_357 = vector.broadcast %reduce_sum3A_356 : i1 to vector<16xi1>
        %reduce_sum3A_358 = tpu.scan <sum>, %add3A_350 masked %reduce_sum3A_357 : vector<16xf32>, vector<16xi1> -> vector<16xf32>
        %reduce_sum3A_359 = vector.extract %reduce_sum3A_358[15] : f32 from vector<16xf32>
        %broadcast_in_dim3A_360 = vector.broadcast %reduce_sum3A_359 : f32 to vector<16xf32>
        %select_n3A_361 = arith.select %eq3A_355, %broadcast_in_dim3A_360, %select_n3A_274 : vector<16xi1>, vector<16xf32>
        %reduce_sum3A_362 = arith.constant true
        %reduce_sum3A_363 = vector.broadcast %reduce_sum3A_362 : i1 to vector<16xi1>
        %reduce_sum3A_364 = tpu.scan <sum>, %add3A_352 masked %reduce_sum3A_363 : vector<16xf32>, vector<16xi1> -> vector<16xf32>
        %reduce_sum3A_365 = vector.extract %reduce_sum3A_364[15] : f32 from vector<16xf32>
        %broadcast_in_dim3A_366 = vector.broadcast %reduce_sum3A_365 : f32 to vector<16xf32>
        %select_n3A_367 = arith.select %eq3A_355, %broadcast_in_dim3A_366, %select_n3A_280 : vector<16xi1>, vector<16xf32>
        %mul3A_368 = arith.constant 8 : i32
        %mul3A_369 = arith.muli %add3A_147, %mul3A_368 : i32
        %add3A_370 = arith.constant 2 : i32
        %add3A_371 = arith.addi %mul3A_369, %add3A_370 : i32
        %broadcast_in_dim3A_372 = arith.constant 0.000000e+00 : f32
        %broadcast_in_dim3A_373 = vector.broadcast %broadcast_in_dim3A_372 : f32 to vector<16xf32>
        %broadcast_in_dim3A_374 = arith.constant 0.000000e+00 : f32
        %broadcast_in_dim3A_375 = vector.broadcast %broadcast_in_dim3A_374 : f32 to vector<16xf32>
        %get3A_376 = arith.index_cast %add3A_371 : i32 to index
        %get3A_377 = arith.constant 0 : index
        %get3A_378 = tpu.vector_load %arg11[%get3A_376, %get3A_377] {strides = array<i32>} : memref<256x128xf32, #tpu.memory_space<vmem>>, vector<16xf32>,
        %sub3A_379 = arith.subf %get3A_150, %get3A_378 : vector<16xf32>
        %mul3A_380 = arith.mulf %sub3A_379, %sub3A_379 : vector<16xf32>
        %add3A_381 = arith.addf %broadcast_in_dim3A_373, %mul3A_380 : vector<16xf32>
        %mul3A_382 = arith.mulf %sub3A_379, %get3A_174 : vector<16xf32>
        %add3A_383 = arith.addf %broadcast_in_dim3A_375, %mul3A_382 : vector<16xf32>
        %get3A_384 = arith.index_cast %add3A_371 : i32 to index
        %get3A_385 = arith.constant 16 : index
        %get3A_386 = tpu.vector_load %arg11[%get3A_384, %get3A_385] {strides = array<i32>} : memref<256x128xf32, #tpu.memory_space<vmem>>, vector<16xf32>,
        %sub3A_387 = arith.subf %get3A_153, %get3A_386 : vector<16xf32>
        %mul3A_388 = arith.mulf %sub3A_387, %sub3A_387 : vector<16xf32>
        %add3A_389 = arith.addf %add3A_381, %mul3A_388 : vector<16xf32>
        %mul3A_390 = arith.mulf %sub3A_387, %get3A_177 : vector<16xf32>
        %add3A_391 = arith.addf %add3A_383, %mul3A_390 : vector<16xf32>
        %get3A_392 = arith.index_cast %add3A_371 : i32 to index
        %get3A_393 = arith.constant 32 : index
        %get3A_394 = tpu.vector_load %arg11[%get3A_392, %get3A_393] {strides = array<i32>} : memref<256x128xf32, #tpu.memory_space<vmem>>, vector<16xf32>,
        %sub3A_395 = arith.subf %get3A_156, %get3A_394 : vector<16xf32>
        %mul3A_396 = arith.mulf %sub3A_395, %sub3A_395 : vector<16xf32>
        %add3A_397 = arith.addf %add3A_389, %mul3A_396 : vector<16xf32>
        %mul3A_398 = arith.mulf %sub3A_395, %get3A_180 : vector<16xf32>
        %add3A_399 = arith.addf %add3A_391, %mul3A_398 : vector<16xf32>
        %get3A_400 = arith.index_cast %add3A_371 : i32 to index
        %get3A_401 = arith.constant 48 : index
        %get3A_402 = tpu.vector_load %arg11[%get3A_400, %get3A_401] {strides = array<i32>} : memref<256x128xf32, #tpu.memory_space<vmem>>, vector<16xf32>,
        %sub3A_403 = arith.subf %get3A_159, %get3A_402 : vector<16xf32>
        %mul3A_404 = arith.mulf %sub3A_403, %sub3A_403 : vector<16xf32>
        %add3A_405 = arith.addf %add3A_397, %mul3A_404 : vector<16xf32>
        %mul3A_406 = arith.mulf %sub3A_403, %get3A_183 : vector<16xf32>
        %add3A_407 = arith.addf %add3A_399, %mul3A_406 : vector<16xf32>
        %get3A_408 = arith.index_cast %add3A_371 : i32 to index
        %get3A_409 = arith.constant 64 : index
        %get3A_410 = tpu.vector_load %arg11[%get3A_408, %get3A_409] {strides = array<i32>} : memref<256x128xf32, #tpu.memory_space<vmem>>, vector<16xf32>,
        %sub3A_411 = arith.subf %get3A_162, %get3A_410 : vector<16xf32>
        %mul3A_412 = arith.mulf %sub3A_411, %sub3A_411 : vector<16xf32>
        %add3A_413 = arith.addf %add3A_405, %mul3A_412 : vector<16xf32>
        %mul3A_414 = arith.mulf %sub3A_411, %get3A_186 : vector<16xf32>
        %add3A_415 = arith.addf %add3A_407, %mul3A_414 : vector<16xf32>
        %get3A_416 = arith.index_cast %add3A_371 : i32 to index
        %get3A_417 = arith.constant 80 : index
        %get3A_418 = tpu.vector_load %arg11[%get3A_416, %get3A_417] {strides = array<i32>} : memref<256x128xf32, #tpu.memory_space<vmem>>, vector<16xf32>,
        %sub3A_419 = arith.subf %get3A_165, %get3A_418 : vector<16xf32>
        %mul3A_420 = arith.mulf %sub3A_419, %sub3A_419 : vector<16xf32>
        %add3A_421 = arith.addf %add3A_413, %mul3A_420 : vector<16xf32>
        %mul3A_422 = arith.mulf %sub3A_419, %get3A_189 : vector<16xf32>
        %add3A_423 = arith.addf %add3A_415, %mul3A_422 : vector<16xf32>
        %get3A_424 = arith.index_cast %add3A_371 : i32 to index
        %get3A_425 = arith.constant 96 : index
        %get3A_426 = tpu.vector_load %arg11[%get3A_424, %get3A_425] {strides = array<i32>} : memref<256x128xf32, #tpu.memory_space<vmem>>, vector<16xf32>,
        %sub3A_427 = arith.subf %get3A_168, %get3A_426 : vector<16xf32>
        %mul3A_428 = arith.mulf %sub3A_427, %sub3A_427 : vector<16xf32>
        %add3A_429 = arith.addf %add3A_421, %mul3A_428 : vector<16xf32>
        %mul3A_430 = arith.mulf %sub3A_427, %get3A_192 : vector<16xf32>
        %add3A_431 = arith.addf %add3A_423, %mul3A_430 : vector<16xf32>
        %get3A_432 = arith.index_cast %add3A_371 : i32 to index
        %get3A_433 = arith.constant 112 : index
        %get3A_434 = tpu.vector_load %arg11[%get3A_432, %get3A_433] {strides = array<i32>} : memref<256x128xf32, #tpu.memory_space<vmem>>, vector<16xf32>,
        %sub3A_435 = arith.subf %get3A_171, %get3A_434 : vector<16xf32>
        %mul3A_436 = arith.mulf %sub3A_435, %sub3A_435 : vector<16xf32>
        %add3A_437 = arith.addf %add3A_429, %mul3A_436 : vector<16xf32>
        %mul3A_438 = arith.mulf %sub3A_435, %get3A_195 : vector<16xf32>
        %add3A_439 = arith.addf %add3A_431, %mul3A_438 : vector<16xf32>
        %eq3A_440 = arith.constant 2 : i32
        %eq3A_441 = vector.broadcast %eq3A_440 : i32 to vector<16xi32>
        %eq3A_442 = arith.cmpi eq, %iota3A, %eq3A_441 : vector<16xi32>
        %reduce_sum3A_443 = arith.constant true
        %reduce_sum3A_444 = vector.broadcast %reduce_sum3A_443 : i1 to vector<16xi1>
        %reduce_sum3A_445 = tpu.scan <sum>, %add3A_437 masked %reduce_sum3A_444 : vector<16xf32>, vector<16xi1> -> vector<16xf32>
        %reduce_sum3A_446 = vector.extract %reduce_sum3A_445[15] : f32 from vector<16xf32>
        %broadcast_in_dim3A_447 = vector.broadcast %reduce_sum3A_446 : f32 to vector<16xf32>
        %select_n3A_448 = arith.select %eq3A_442, %broadcast_in_dim3A_447, %select_n3A_361 : vector<16xi1>, vector<16xf32>
        %reduce_sum3A_449 = arith.constant true
        %reduce_sum3A_450 = vector.broadcast %reduce_sum3A_449 : i1 to vector<16xi1>
        %reduce_sum3A_451 = tpu.scan <sum>, %add3A_439 masked %reduce_sum3A_450 : vector<16xf32>, vector<16xi1> -> vector<16xf32>
        %reduce_sum3A_452 = vector.extract %reduce_sum3A_451[15] : f32 from vector<16xf32>
        %broadcast_in_dim3A_453 = vector.broadcast %reduce_sum3A_452 : f32 to vector<16xf32>
        %select_n3A_454 = arith.select %eq3A_442, %broadcast_in_dim3A_453, %select_n3A_367 : vector<16xi1>, vector<16xf32>
        %mul3A_455 = arith.constant 8 : i32
        %mul3A_456 = arith.muli %add3A_147, %mul3A_455 : i32
        %add3A_457 = arith.constant 3 : i32
        %add3A_458 = arith.addi %mul3A_456, %add3A_457 : i32
        %broadcast_in_dim3A_459 = arith.constant 0.000000e+00 : f32
        %broadcast_in_dim3A_460 = vector.broadcast %broadcast_in_dim3A_459 : f32 to vector<16xf32>
        %broadcast_in_dim3A_461 = arith.constant 0.000000e+00 : f32
        %broadcast_in_dim3A_462 = vector.broadcast %broadcast_in_dim3A_461 : f32 to vector<16xf32>
        %get3A_463 = arith.index_cast %add3A_458 : i32 to index
        %get3A_464 = arith.constant 0 : index
        %get3A_465 = tpu.vector_load %arg11[%get3A_463, %get3A_464] {strides = array<i32>} : memref<256x128xf32, #tpu.memory_space<vmem>>, vector<16xf32>,
        %sub3A_466 = arith.subf %get3A_150, %get3A_465 : vector<16xf32>
        %mul3A_467 = arith.mulf %sub3A_466, %sub3A_466 : vector<16xf32>
        %add3A_468 = arith.addf %broadcast_in_dim3A_460, %mul3A_467 : vector<16xf32>
        %mul3A_469 = arith.mulf %sub3A_466, %get3A_174 : vector<16xf32>
        %add3A_470 = arith.addf %broadcast_in_dim3A_462, %mul3A_469 : vector<16xf32>
        %get3A_471 = arith.index_cast %add3A_458 : i32 to index
        %get3A_472 = arith.constant 16 : index
        %get3A_473 = tpu.vector_load %arg11[%get3A_471, %get3A_472] {strides = array<i32>} : memref<256x128xf32, #tpu.memory_space<vmem>>, vector<16xf32>,
        %sub3A_474 = arith.subf %get3A_153, %get3A_473 : vector<16xf32>
        %mul3A_475 = arith.mulf %sub3A_474, %sub3A_474 : vector<16xf32>
        %add3A_476 = arith.addf %add3A_468, %mul3A_475 : vector<16xf32>
        %mul3A_477 = arith.mulf %sub3A_474, %get3A_177 : vector<16xf32>
        %add3A_478 = arith.addf %add3A_470, %mul3A_477 : vector<16xf32>
        %get3A_479 = arith.index_cast %add3A_458 : i32 to index
        %get3A_480 = arith.constant 32 : index
        %get3A_481 = tpu.vector_load %arg11[%get3A_479, %get3A_480] {strides = array<i32>} : memref<256x128xf32, #tpu.memory_space<vmem>>, vector<16xf32>,
        %sub3A_482 = arith.subf %get3A_156, %get3A_481 : vector<16xf32>
        %mul3A_483 = arith.mulf %sub3A_482, %sub3A_482 : vector<16xf32>
        %add3A_484 = arith.addf %add3A_476, %mul3A_483 : vector<16xf32>
        %mul3A_485 = arith.mulf %sub3A_482, %get3A_180 : vector<16xf32>
        %add3A_486 = arith.addf %add3A_478, %mul3A_485 : vector<16xf32>
        %get3A_487 = arith.index_cast %add3A_458 : i32 to index
        %get3A_488 = arith.constant 48 : index
        %get3A_489 = tpu.vector_load %arg11[%get3A_487, %get3A_488] {strides = array<i32>} : memref<256x128xf32, #tpu.memory_space<vmem>>, vector<16xf32>,
        %sub3A_490 = arith.subf %get3A_159, %get3A_489 : vector<16xf32>
        %mul3A_491 = arith.mulf %sub3A_490, %sub3A_490 : vector<16xf32>
        %add3A_492 = arith.addf %add3A_484, %mul3A_491 : vector<16xf32>
        %mul3A_493 = arith.mulf %sub3A_490, %get3A_183 : vector<16xf32>
        %add3A_494 = arith.addf %add3A_486, %mul3A_493 : vector<16xf32>
        %get3A_495 = arith.index_cast %add3A_458 : i32 to index
        %get3A_496 = arith.constant 64 : index
        %get3A_497 = tpu.vector_load %arg11[%get3A_495, %get3A_496] {strides = array<i32>} : memref<256x128xf32, #tpu.memory_space<vmem>>, vector<16xf32>,
        %sub3A_498 = arith.subf %get3A_162, %get3A_497 : vector<16xf32>
        %mul3A_499 = arith.mulf %sub3A_498, %sub3A_498 : vector<16xf32>
        %add3A_500 = arith.addf %add3A_492, %mul3A_499 : vector<16xf32>
        %mul3A_501 = arith.mulf %sub3A_498, %get3A_186 : vector<16xf32>
        %add3A_502 = arith.addf %add3A_494, %mul3A_501 : vector<16xf32>
        %get3A_503 = arith.index_cast %add3A_458 : i32 to index
        %get3A_504 = arith.constant 80 : index
        %get3A_505 = tpu.vector_load %arg11[%get3A_503, %get3A_504] {strides = array<i32>} : memref<256x128xf32, #tpu.memory_space<vmem>>, vector<16xf32>,
        %sub3A_506 = arith.subf %get3A_165, %get3A_505 : vector<16xf32>
        %mul3A_507 = arith.mulf %sub3A_506, %sub3A_506 : vector<16xf32>
        %add3A_508 = arith.addf %add3A_500, %mul3A_507 : vector<16xf32>
        %mul3A_509 = arith.mulf %sub3A_506, %get3A_189 : vector<16xf32>
        %add3A_510 = arith.addf %add3A_502, %mul3A_509 : vector<16xf32>
        %get3A_511 = arith.index_cast %add3A_458 : i32 to index
        %get3A_512 = arith.constant 96 : index
        %get3A_513 = tpu.vector_load %arg11[%get3A_511, %get3A_512] {strides = array<i32>} : memref<256x128xf32, #tpu.memory_space<vmem>>, vector<16xf32>,
        %sub3A_514 = arith.subf %get3A_168, %get3A_513 : vector<16xf32>
        %mul3A_515 = arith.mulf %sub3A_514, %sub3A_514 : vector<16xf32>
        %add3A_516 = arith.addf %add3A_508, %mul3A_515 : vector<16xf32>
        %mul3A_517 = arith.mulf %sub3A_514, %get3A_192 : vector<16xf32>
        %add3A_518 = arith.addf %add3A_510, %mul3A_517 : vector<16xf32>
        %get3A_519 = arith.index_cast %add3A_458 : i32 to index
        %get3A_520 = arith.constant 112 : index
        %get3A_521 = tpu.vector_load %arg11[%get3A_519, %get3A_520] {strides = array<i32>} : memref<256x128xf32, #tpu.memory_space<vmem>>, vector<16xf32>,
        %sub3A_522 = arith.subf %get3A_171, %get3A_521 : vector<16xf32>
        %mul3A_523 = arith.mulf %sub3A_522, %sub3A_522 : vector<16xf32>
        %add3A_524 = arith.addf %add3A_516, %mul3A_523 : vector<16xf32>
        %mul3A_525 = arith.mulf %sub3A_522, %get3A_195 : vector<16xf32>
        %add3A_526 = arith.addf %add3A_518, %mul3A_525 : vector<16xf32>
        %eq3A_527 = arith.constant 3 : i32
        %eq3A_528 = vector.broadcast %eq3A_527 : i32 to vector<16xi32>
        %eq3A_529 = arith.cmpi eq, %iota3A, %eq3A_528 : vector<16xi32>
        %reduce_sum3A_530 = arith.constant true
        %reduce_sum3A_531 = vector.broadcast %reduce_sum3A_530 : i1 to vector<16xi1>
        %reduce_sum3A_532 = tpu.scan <sum>, %add3A_524 masked %reduce_sum3A_531 : vector<16xf32>, vector<16xi1> -> vector<16xf32>
        %reduce_sum3A_533 = vector.extract %reduce_sum3A_532[15] : f32 from vector<16xf32>
        %broadcast_in_dim3A_534 = vector.broadcast %reduce_sum3A_533 : f32 to vector<16xf32>
        %select_n3A_535 = arith.select %eq3A_529, %broadcast_in_dim3A_534, %select_n3A_448 : vector<16xi1>, vector<16xf32>
        %reduce_sum3A_536 = arith.constant true
        %reduce_sum3A_537 = vector.broadcast %reduce_sum3A_536 : i1 to vector<16xi1>
        %reduce_sum3A_538 = tpu.scan <sum>, %add3A_526 masked %reduce_sum3A_537 : vector<16xf32>, vector<16xi1> -> vector<16xf32>
        %reduce_sum3A_539 = vector.extract %reduce_sum3A_538[15] : f32 from vector<16xf32>
        %broadcast_in_dim3A_540 = vector.broadcast %reduce_sum3A_539 : f32 to vector<16xf32>
        %select_n3A_541 = arith.select %eq3A_529, %broadcast_in_dim3A_540, %select_n3A_454 : vector<16xi1>, vector<16xf32>
        %mul3A_542 = arith.constant 8 : i32
        %mul3A_543 = arith.muli %add3A_147, %mul3A_542 : i32
        %add3A_544 = arith.constant 4 : i32
        %add3A_545 = arith.addi %mul3A_543, %add3A_544 : i32
        %broadcast_in_dim3A_546 = arith.constant 0.000000e+00 : f32
        %broadcast_in_dim3A_547 = vector.broadcast %broadcast_in_dim3A_546 : f32 to vector<16xf32>
        %broadcast_in_dim3A_548 = arith.constant 0.000000e+00 : f32
        %broadcast_in_dim3A_549 = vector.broadcast %broadcast_in_dim3A_548 : f32 to vector<16xf32>
        %get3A_550 = arith.index_cast %add3A_545 : i32 to index
        %get3A_551 = arith.constant 0 : index
        %get3A_552 = tpu.vector_load %arg11[%get3A_550, %get3A_551] {strides = array<i32>} : memref<256x128xf32, #tpu.memory_space<vmem>>, vector<16xf32>,
        %sub3A_553 = arith.subf %get3A_150, %get3A_552 : vector<16xf32>
        %mul3A_554 = arith.mulf %sub3A_553, %sub3A_553 : vector<16xf32>
        %add3A_555 = arith.addf %broadcast_in_dim3A_547, %mul3A_554 : vector<16xf32>
        %mul3A_556 = arith.mulf %sub3A_553, %get3A_174 : vector<16xf32>
        %add3A_557 = arith.addf %broadcast_in_dim3A_549, %mul3A_556 : vector<16xf32>
        %get3A_558 = arith.index_cast %add3A_545 : i32 to index
        %get3A_559 = arith.constant 16 : index
        %get3A_560 = tpu.vector_load %arg11[%get3A_558, %get3A_559] {strides = array<i32>} : memref<256x128xf32, #tpu.memory_space<vmem>>, vector<16xf32>,
        %sub3A_561 = arith.subf %get3A_153, %get3A_560 : vector<16xf32>
        %mul3A_562 = arith.mulf %sub3A_561, %sub3A_561 : vector<16xf32>
        %add3A_563 = arith.addf %add3A_555, %mul3A_562 : vector<16xf32>
        %mul3A_564 = arith.mulf %sub3A_561, %get3A_177 : vector<16xf32>
        %add3A_565 = arith.addf %add3A_557, %mul3A_564 : vector<16xf32>
        %get3A_566 = arith.index_cast %add3A_545 : i32 to index
        %get3A_567 = arith.constant 32 : index
        %get3A_568 = tpu.vector_load %arg11[%get3A_566, %get3A_567] {strides = array<i32>} : memref<256x128xf32, #tpu.memory_space<vmem>>, vector<16xf32>,
        %sub3A_569 = arith.subf %get3A_156, %get3A_568 : vector<16xf32>
        %mul3A_570 = arith.mulf %sub3A_569, %sub3A_569 : vector<16xf32>
        %add3A_571 = arith.addf %add3A_563, %mul3A_570 : vector<16xf32>
        %mul3A_572 = arith.mulf %sub3A_569, %get3A_180 : vector<16xf32>
        %add3A_573 = arith.addf %add3A_565, %mul3A_572 : vector<16xf32>
        %get3A_574 = arith.index_cast %add3A_545 : i32 to index
        %get3A_575 = arith.constant 48 : index
        %get3A_576 = tpu.vector_load %arg11[%get3A_574, %get3A_575] {strides = array<i32>} : memref<256x128xf32, #tpu.memory_space<vmem>>, vector<16xf32>,
        %sub3A_577 = arith.subf %get3A_159, %get3A_576 : vector<16xf32>
        %mul3A_578 = arith.mulf %sub3A_577, %sub3A_577 : vector<16xf32>
        %add3A_579 = arith.addf %add3A_571, %mul3A_578 : vector<16xf32>
        %mul3A_580 = arith.mulf %sub3A_577, %get3A_183 : vector<16xf32>
        %add3A_581 = arith.addf %add3A_573, %mul3A_580 : vector<16xf32>
        %get3A_582 = arith.index_cast %add3A_545 : i32 to index
        %get3A_583 = arith.constant 64 : index
        %get3A_584 = tpu.vector_load %arg11[%get3A_582, %get3A_583] {strides = array<i32>} : memref<256x128xf32, #tpu.memory_space<vmem>>, vector<16xf32>,
        %sub3A_585 = arith.subf %get3A_162, %get3A_584 : vector<16xf32>
        %mul3A_586 = arith.mulf %sub3A_585, %sub3A_585 : vector<16xf32>
        %add3A_587 = arith.addf %add3A_579, %mul3A_586 : vector<16xf32>
        %mul3A_588 = arith.mulf %sub3A_585, %get3A_186 : vector<16xf32>
        %add3A_589 = arith.addf %add3A_581, %mul3A_588 : vector<16xf32>
        %get3A_590 = arith.index_cast %add3A_545 : i32 to index
        %get3A_591 = arith.constant 80 : index
        %get3A_592 = tpu.vector_load %arg11[%get3A_590, %get3A_591] {strides = array<i32>} : memref<256x128xf32, #tpu.memory_space<vmem>>, vector<16xf32>,
        %sub3A_593 = arith.subf %get3A_165, %get3A_592 : vector<16xf32>
        %mul3A_594 = arith.mulf %sub3A_593, %sub3A_593 : vector<16xf32>
        %add3A_595 = arith.addf %add3A_587, %mul3A_594 : vector<16xf32>
        %mul3A_596 = arith.mulf %sub3A_593, %get3A_189 : vector<16xf32>
        %add3A_597 = arith.addf %add3A_589, %mul3A_596 : vector<16xf32>
        %get3A_598 = arith.index_cast %add3A_545 : i32 to index
        %get3A_599 = arith.constant 96 : index
        %get3A_600 = tpu.vector_load %arg11[%get3A_598, %get3A_599] {strides = array<i32>} : memref<256x128xf32, #tpu.memory_space<vmem>>, vector<16xf32>,
        %sub3A_601 = arith.subf %get3A_168, %get3A_600 : vector<16xf32>
        %mul3A_602 = arith.mulf %sub3A_601, %sub3A_601 : vector<16xf32>
        %add3A_603 = arith.addf %add3A_595, %mul3A_602 : vector<16xf32>
        %mul3A_604 = arith.mulf %sub3A_601, %get3A_192 : vector<16xf32>
        %add3A_605 = arith.addf %add3A_597, %mul3A_604 : vector<16xf32>
        %get3A_606 = arith.index_cast %add3A_545 : i32 to index
        %get3A_607 = arith.constant 112 : index
        %get3A_608 = tpu.vector_load %arg11[%get3A_606, %get3A_607] {strides = array<i32>} : memref<256x128xf32, #tpu.memory_space<vmem>>, vector<16xf32>,
        %sub3A_609 = arith.subf %get3A_171, %get3A_608 : vector<16xf32>
        %mul3A_610 = arith.mulf %sub3A_609, %sub3A_609 : vector<16xf32>
        %add3A_611 = arith.addf %add3A_603, %mul3A_610 : vector<16xf32>
        %mul3A_612 = arith.mulf %sub3A_609, %get3A_195 : vector<16xf32>
        %add3A_613 = arith.addf %add3A_605, %mul3A_612 : vector<16xf32>
        %eq3A_614 = arith.constant 4 : i32
        %eq3A_615 = vector.broadcast %eq3A_614 : i32 to vector<16xi32>
        %eq3A_616 = arith.cmpi eq, %iota3A, %eq3A_615 : vector<16xi32>
        %reduce_sum3A_617 = arith.constant true
        %reduce_sum3A_618 = vector.broadcast %reduce_sum3A_617 : i1 to vector<16xi1>
        %reduce_sum3A_619 = tpu.scan <sum>, %add3A_611 masked %reduce_sum3A_618 : vector<16xf32>, vector<16xi1> -> vector<16xf32>
        %reduce_sum3A_620 = vector.extract %reduce_sum3A_619[15] : f32 from vector<16xf32>
        %broadcast_in_dim3A_621 = vector.broadcast %reduce_sum3A_620 : f32 to vector<16xf32>
        %select_n3A_622 = arith.select %eq3A_616, %broadcast_in_dim3A_621, %select_n3A_535 : vector<16xi1>, vector<16xf32>
        %reduce_sum3A_623 = arith.constant true
        %reduce_sum3A_624 = vector.broadcast %reduce_sum3A_623 : i1 to vector<16xi1>
        %reduce_sum3A_625 = tpu.scan <sum>, %add3A_613 masked %reduce_sum3A_624 : vector<16xf32>, vector<16xi1> -> vector<16xf32>
        %reduce_sum3A_626 = vector.extract %reduce_sum3A_625[15] : f32 from vector<16xf32>
        %broadcast_in_dim3A_627 = vector.broadcast %reduce_sum3A_626 : f32 to vector<16xf32>
        %select_n3A_628 = arith.select %eq3A_616, %broadcast_in_dim3A_627, %select_n3A_541 : vector<16xi1>, vector<16xf32>
        %mul3A_629 = arith.constant 8 : i32
        %mul3A_630 = arith.muli %add3A_147, %mul3A_629 : i32
        %add3A_631 = arith.constant 5 : i32
        %add3A_632 = arith.addi %mul3A_630, %add3A_631 : i32
        %broadcast_in_dim3A_633 = arith.constant 0.000000e+00 : f32
        %broadcast_in_dim3A_634 = vector.broadcast %broadcast_in_dim3A_633 : f32 to vector<16xf32>
        %broadcast_in_dim3A_635 = arith.constant 0.000000e+00 : f32
        %broadcast_in_dim3A_636 = vector.broadcast %broadcast_in_dim3A_635 : f32 to vector<16xf32>
        %get3A_637 = arith.index_cast %add3A_632 : i32 to index
        %get3A_638 = arith.constant 0 : index
        %get3A_639 = tpu.vector_load %arg11[%get3A_637, %get3A_638] {strides = array<i32>} : memref<256x128xf32, #tpu.memory_space<vmem>>, vector<16xf32>,
        %sub3A_640 = arith.subf %get3A_150, %get3A_639 : vector<16xf32>
        %mul3A_641 = arith.mulf %sub3A_640, %sub3A_640 : vector<16xf32>
        %add3A_642 = arith.addf %broadcast_in_dim3A_634, %mul3A_641 : vector<16xf32>
        %mul3A_643 = arith.mulf %sub3A_640, %get3A_174 : vector<16xf32>
        %add3A_644 = arith.addf %broadcast_in_dim3A_636, %mul3A_643 : vector<16xf32>
        %get3A_645 = arith.index_cast %add3A_632 : i32 to index
        %get3A_646 = arith.constant 16 : index
        %get3A_647 = tpu.vector_load %arg11[%get3A_645, %get3A_646] {strides = array<i32>} : memref<256x128xf32, #tpu.memory_space<vmem>>, vector<16xf32>,
        %sub3A_648 = arith.subf %get3A_153, %get3A_647 : vector<16xf32>
        %mul3A_649 = arith.mulf %sub3A_648, %sub3A_648 : vector<16xf32>
        %add3A_650 = arith.addf %add3A_642, %mul3A_649 : vector<16xf32>
        %mul3A_651 = arith.mulf %sub3A_648, %get3A_177 : vector<16xf32>
        %add3A_652 = arith.addf %add3A_644, %mul3A_651 : vector<16xf32>
        %get3A_653 = arith.index_cast %add3A_632 : i32 to index
        %get3A_654 = arith.constant 32 : index
        %get3A_655 = tpu.vector_load %arg11[%get3A_653, %get3A_654] {strides = array<i32>} : memref<256x128xf32, #tpu.memory_space<vmem>>, vector<16xf32>,
        %sub3A_656 = arith.subf %get3A_156, %get3A_655 : vector<16xf32>
        %mul3A_657 = arith.mulf %sub3A_656, %sub3A_656 : vector<16xf32>
        %add3A_658 = arith.addf %add3A_650, %mul3A_657 : vector<16xf32>
        %mul3A_659 = arith.mulf %sub3A_656, %get3A_180 : vector<16xf32>
        %add3A_660 = arith.addf %add3A_652, %mul3A_659 : vector<16xf32>
        %get3A_661 = arith.index_cast %add3A_632 : i32 to index
        %get3A_662 = arith.constant 48 : index
        %get3A_663 = tpu.vector_load %arg11[%get3A_661, %get3A_662] {strides = array<i32>} : memref<256x128xf32, #tpu.memory_space<vmem>>, vector<16xf32>,
        %sub3A_664 = arith.subf %get3A_159, %get3A_663 : vector<16xf32>
        %mul3A_665 = arith.mulf %sub3A_664, %sub3A_664 : vector<16xf32>
        %add3A_666 = arith.addf %add3A_658, %mul3A_665 : vector<16xf32>
        %mul3A_667 = arith.mulf %sub3A_664, %get3A_183 : vector<16xf32>
        %add3A_668 = arith.addf %add3A_660, %mul3A_667 : vector<16xf32>
        %get3A_669 = arith.index_cast %add3A_632 : i32 to index
        %get3A_670 = arith.constant 64 : index
        %get3A_671 = tpu.vector_load %arg11[%get3A_669, %get3A_670] {strides = array<i32>} : memref<256x128xf32, #tpu.memory_space<vmem>>, vector<16xf32>,
        %sub3A_672 = arith.subf %get3A_162, %get3A_671 : vector<16xf32>
        %mul3A_673 = arith.mulf %sub3A_672, %sub3A_672 : vector<16xf32>
        %add3A_674 = arith.addf %add3A_666, %mul3A_673 : vector<16xf32>
        %mul3A_675 = arith.mulf %sub3A_672, %get3A_186 : vector<16xf32>
        %add3A_676 = arith.addf %add3A_668, %mul3A_675 : vector<16xf32>
        %get3A_677 = arith.index_cast %add3A_632 : i32 to index
        %get3A_678 = arith.constant 80 : index
        %get3A_679 = tpu.vector_load %arg11[%get3A_677, %get3A_678] {strides = array<i32>} : memref<256x128xf32, #tpu.memory_space<vmem>>, vector<16xf32>,
        %sub3A_680 = arith.subf %get3A_165, %get3A_679 : vector<16xf32>
        %mul3A_681 = arith.mulf %sub3A_680, %sub3A_680 : vector<16xf32>
        %add3A_682 = arith.addf %add3A_674, %mul3A_681 : vector<16xf32>
        %mul3A_683 = arith.mulf %sub3A_680, %get3A_189 : vector<16xf32>
        %add3A_684 = arith.addf %add3A_676, %mul3A_683 : vector<16xf32>
        %get3A_685 = arith.index_cast %add3A_632 : i32 to index
        %get3A_686 = arith.constant 96 : index
        %get3A_687 = tpu.vector_load %arg11[%get3A_685, %get3A_686] {strides = array<i32>} : memref<256x128xf32, #tpu.memory_space<vmem>>, vector<16xf32>,
        %sub3A_688 = arith.subf %get3A_168, %get3A_687 : vector<16xf32>
        %mul3A_689 = arith.mulf %sub3A_688, %sub3A_688 : vector<16xf32>
        %add3A_690 = arith.addf %add3A_682, %mul3A_689 : vector<16xf32>
        %mul3A_691 = arith.mulf %sub3A_688, %get3A_192 : vector<16xf32>
        %add3A_692 = arith.addf %add3A_684, %mul3A_691 : vector<16xf32>
        %get3A_693 = arith.index_cast %add3A_632 : i32 to index
        %get3A_694 = arith.constant 112 : index
        %get3A_695 = tpu.vector_load %arg11[%get3A_693, %get3A_694] {strides = array<i32>} : memref<256x128xf32, #tpu.memory_space<vmem>>, vector<16xf32>,
        %sub3A_696 = arith.subf %get3A_171, %get3A_695 : vector<16xf32>
        %mul3A_697 = arith.mulf %sub3A_696, %sub3A_696 : vector<16xf32>
        %add3A_698 = arith.addf %add3A_690, %mul3A_697 : vector<16xf32>
        %mul3A_699 = arith.mulf %sub3A_696, %get3A_195 : vector<16xf32>
        %add3A_700 = arith.addf %add3A_692, %mul3A_699 : vector<16xf32>
        %eq3A_701 = arith.constant 5 : i32
        %eq3A_702 = vector.broadcast %eq3A_701 : i32 to vector<16xi32>
        %eq3A_703 = arith.cmpi eq, %iota3A, %eq3A_702 : vector<16xi32>
        %reduce_sum3A_704 = arith.constant true
        %reduce_sum3A_705 = vector.broadcast %reduce_sum3A_704 : i1 to vector<16xi1>
        %reduce_sum3A_706 = tpu.scan <sum>, %add3A_698 masked %reduce_sum3A_705 : vector<16xf32>, vector<16xi1> -> vector<16xf32>
        %reduce_sum3A_707 = vector.extract %reduce_sum3A_706[15] : f32 from vector<16xf32>
        %broadcast_in_dim3A_708 = vector.broadcast %reduce_sum3A_707 : f32 to vector<16xf32>
        %select_n3A_709 = arith.select %eq3A_703, %broadcast_in_dim3A_708, %select_n3A_622 : vector<16xi1>, vector<16xf32>
        %reduce_sum3A_710 = arith.constant true
        %reduce_sum3A_711 = vector.broadcast %reduce_sum3A_710 : i1 to vector<16xi1>
        %reduce_sum3A_712 = tpu.scan <sum>, %add3A_700 masked %reduce_sum3A_711 : vector<16xf32>, vector<16xi1> -> vector<16xf32>
        %reduce_sum3A_713 = vector.extract %reduce_sum3A_712[15] : f32 from vector<16xf32>
        %broadcast_in_dim3A_714 = vector.broadcast %reduce_sum3A_713 : f32 to vector<16xf32>
        %select_n3A_715 = arith.select %eq3A_703, %broadcast_in_dim3A_714, %select_n3A_628 : vector<16xi1>, vector<16xf32>
        %mul3A_716 = arith.constant 8 : i32
        %mul3A_717 = arith.muli %add3A_147, %mul3A_716 : i32
        %add3A_718 = arith.constant 6 : i32
        %add3A_719 = arith.addi %mul3A_717, %add3A_718 : i32
        %broadcast_in_dim3A_720 = arith.constant 0.000000e+00 : f32
        %broadcast_in_dim3A_721 = vector.broadcast %broadcast_in_dim3A_720 : f32 to vector<16xf32>
        %broadcast_in_dim3A_722 = arith.constant 0.000000e+00 : f32
        %broadcast_in_dim3A_723 = vector.broadcast %broadcast_in_dim3A_722 : f32 to vector<16xf32>
        %get3A_724 = arith.index_cast %add3A_719 : i32 to index
        %get3A_725 = arith.constant 0 : index
        %get3A_726 = tpu.vector_load %arg11[%get3A_724, %get3A_725] {strides = array<i32>} : memref<256x128xf32, #tpu.memory_space<vmem>>, vector<16xf32>,
        %sub3A_727 = arith.subf %get3A_150, %get3A_726 : vector<16xf32>
        %mul3A_728 = arith.mulf %sub3A_727, %sub3A_727 : vector<16xf32>
        %add3A_729 = arith.addf %broadcast_in_dim3A_721, %mul3A_728 : vector<16xf32>
        %mul3A_730 = arith.mulf %sub3A_727, %get3A_174 : vector<16xf32>
        %add3A_731 = arith.addf %broadcast_in_dim3A_723, %mul3A_730 : vector<16xf32>
        %get3A_732 = arith.index_cast %add3A_719 : i32 to index
        %get3A_733 = arith.constant 16 : index
        %get3A_734 = tpu.vector_load %arg11[%get3A_732, %get3A_733] {strides = array<i32>} : memref<256x128xf32, #tpu.memory_space<vmem>>, vector<16xf32>,
        %sub3A_735 = arith.subf %get3A_153, %get3A_734 : vector<16xf32>
        %mul3A_736 = arith.mulf %sub3A_735, %sub3A_735 : vector<16xf32>
        %add3A_737 = arith.addf %add3A_729, %mul3A_736 : vector<16xf32>
        %mul3A_738 = arith.mulf %sub3A_735, %get3A_177 : vector<16xf32>
        %add3A_739 = arith.addf %add3A_731, %mul3A_738 : vector<16xf32>
        %get3A_740 = arith.index_cast %add3A_719 : i32 to index
        %get3A_741 = arith.constant 32 : index
        %get3A_742 = tpu.vector_load %arg11[%get3A_740, %get3A_741] {strides = array<i32>} : memref<256x128xf32, #tpu.memory_space<vmem>>, vector<16xf32>,
        %sub3A_743 = arith.subf %get3A_156, %get3A_742 : vector<16xf32>
        %mul3A_744 = arith.mulf %sub3A_743, %sub3A_743 : vector<16xf32>
        %add3A_745 = arith.addf %add3A_737, %mul3A_744 : vector<16xf32>
        %mul3A_746 = arith.mulf %sub3A_743, %get3A_180 : vector<16xf32>
        %add3A_747 = arith.addf %add3A_739, %mul3A_746 : vector<16xf32>
        %get3A_748 = arith.index_cast %add3A_719 : i32 to index
        %get3A_749 = arith.constant 48 : index
        %get3A_750 = tpu.vector_load %arg11[%get3A_748, %get3A_749] {strides = array<i32>} : memref<256x128xf32, #tpu.memory_space<vmem>>, vector<16xf32>,
        %sub3A_751 = arith.subf %get3A_159, %get3A_750 : vector<16xf32>
        %mul3A_752 = arith.mulf %sub3A_751, %sub3A_751 : vector<16xf32>
        %add3A_753 = arith.addf %add3A_745, %mul3A_752 : vector<16xf32>
        %mul3A_754 = arith.mulf %sub3A_751, %get3A_183 : vector<16xf32>
        %add3A_755 = arith.addf %add3A_747, %mul3A_754 : vector<16xf32>
        %get3A_756 = arith.index_cast %add3A_719 : i32 to index
        %get3A_757 = arith.constant 64 : index
        %get3A_758 = tpu.vector_load %arg11[%get3A_756, %get3A_757] {strides = array<i32>} : memref<256x128xf32, #tpu.memory_space<vmem>>, vector<16xf32>,
        %sub3A_759 = arith.subf %get3A_162, %get3A_758 : vector<16xf32>
        %mul3A_760 = arith.mulf %sub3A_759, %sub3A_759 : vector<16xf32>
        %add3A_761 = arith.addf %add3A_753, %mul3A_760 : vector<16xf32>
        %mul3A_762 = arith.mulf %sub3A_759, %get3A_186 : vector<16xf32>
        %add3A_763 = arith.addf %add3A_755, %mul3A_762 : vector<16xf32>
        %get3A_764 = arith.index_cast %add3A_719 : i32 to index
        %get3A_765 = arith.constant 80 : index
        %get3A_766 = tpu.vector_load %arg11[%get3A_764, %get3A_765] {strides = array<i32>} : memref<256x128xf32, #tpu.memory_space<vmem>>, vector<16xf32>,
        %sub3A_767 = arith.subf %get3A_165, %get3A_766 : vector<16xf32>
        %mul3A_768 = arith.mulf %sub3A_767, %sub3A_767 : vector<16xf32>
        %add3A_769 = arith.addf %add3A_761, %mul3A_768 : vector<16xf32>
        %mul3A_770 = arith.mulf %sub3A_767, %get3A_189 : vector<16xf32>
        %add3A_771 = arith.addf %add3A_763, %mul3A_770 : vector<16xf32>
        %get3A_772 = arith.index_cast %add3A_719 : i32 to index
        %get3A_773 = arith.constant 96 : index
        %get3A_774 = tpu.vector_load %arg11[%get3A_772, %get3A_773] {strides = array<i32>} : memref<256x128xf32, #tpu.memory_space<vmem>>, vector<16xf32>,
        %sub3A_775 = arith.subf %get3A_168, %get3A_774 : vector<16xf32>
        %mul3A_776 = arith.mulf %sub3A_775, %sub3A_775 : vector<16xf32>
        %add3A_777 = arith.addf %add3A_769, %mul3A_776 : vector<16xf32>
        %mul3A_778 = arith.mulf %sub3A_775, %get3A_192 : vector<16xf32>
        %add3A_779 = arith.addf %add3A_771, %mul3A_778 : vector<16xf32>
        %get3A_780 = arith.index_cast %add3A_719 : i32 to index
        %get3A_781 = arith.constant 112 : index
        %get3A_782 = tpu.vector_load %arg11[%get3A_780, %get3A_781] {strides = array<i32>} : memref<256x128xf32, #tpu.memory_space<vmem>>, vector<16xf32>,
        %sub3A_783 = arith.subf %get3A_171, %get3A_782 : vector<16xf32>
        %mul3A_784 = arith.mulf %sub3A_783, %sub3A_783 : vector<16xf32>
        %add3A_785 = arith.addf %add3A_777, %mul3A_784 : vector<16xf32>
        %mul3A_786 = arith.mulf %sub3A_783, %get3A_195 : vector<16xf32>
        %add3A_787 = arith.addf %add3A_779, %mul3A_786 : vector<16xf32>
        %eq3A_788 = arith.constant 6 : i32
        %eq3A_789 = vector.broadcast %eq3A_788 : i32 to vector<16xi32>
        %eq3A_790 = arith.cmpi eq, %iota3A, %eq3A_789 : vector<16xi32>
        %reduce_sum3A_791 = arith.constant true
        %reduce_sum3A_792 = vector.broadcast %reduce_sum3A_791 : i1 to vector<16xi1>
        %reduce_sum3A_793 = tpu.scan <sum>, %add3A_785 masked %reduce_sum3A_792 : vector<16xf32>, vector<16xi1> -> vector<16xf32>
        %reduce_sum3A_794 = vector.extract %reduce_sum3A_793[15] : f32 from vector<16xf32>
        %broadcast_in_dim3A_795 = vector.broadcast %reduce_sum3A_794 : f32 to vector<16xf32>
        %select_n3A_796 = arith.select %eq3A_790, %broadcast_in_dim3A_795, %select_n3A_709 : vector<16xi1>, vector<16xf32>
        %reduce_sum3A_797 = arith.constant true
        %reduce_sum3A_798 = vector.broadcast %reduce_sum3A_797 : i1 to vector<16xi1>
        %reduce_sum3A_799 = tpu.scan <sum>, %add3A_787 masked %reduce_sum3A_798 : vector<16xf32>, vector<16xi1> -> vector<16xf32>
        %reduce_sum3A_800 = vector.extract %reduce_sum3A_799[15] : f32 from vector<16xf32>
        %broadcast_in_dim3A_801 = vector.broadcast %reduce_sum3A_800 : f32 to vector<16xf32>
        %select_n3A_802 = arith.select %eq3A_790, %broadcast_in_dim3A_801, %select_n3A_715 : vector<16xi1>, vector<16xf32>
        %mul3A_803 = arith.constant 8 : i32
        %mul3A_804 = arith.muli %add3A_147, %mul3A_803 : i32
        %add3A_805 = arith.constant 7 : i32
        %add3A_806 = arith.addi %mul3A_804, %add3A_805 : i32
        %broadcast_in_dim3A_807 = arith.constant 0.000000e+00 : f32
        %broadcast_in_dim3A_808 = vector.broadcast %broadcast_in_dim3A_807 : f32 to vector<16xf32>
        %broadcast_in_dim3A_809 = arith.constant 0.000000e+00 : f32
        %broadcast_in_dim3A_810 = vector.broadcast %broadcast_in_dim3A_809 : f32 to vector<16xf32>
        %get3A_811 = arith.index_cast %add3A_806 : i32 to index
        %get3A_812 = arith.constant 0 : index
        %get3A_813 = tpu.vector_load %arg11[%get3A_811, %get3A_812] {strides = array<i32>} : memref<256x128xf32, #tpu.memory_space<vmem>>, vector<16xf32>,
        %sub3A_814 = arith.subf %get3A_150, %get3A_813 : vector<16xf32>
        %mul3A_815 = arith.mulf %sub3A_814, %sub3A_814 : vector<16xf32>
        %add3A_816 = arith.addf %broadcast_in_dim3A_808, %mul3A_815 : vector<16xf32>
        %mul3A_817 = arith.mulf %sub3A_814, %get3A_174 : vector<16xf32>
        %add3A_818 = arith.addf %broadcast_in_dim3A_810, %mul3A_817 : vector<16xf32>
        %get3A_819 = arith.index_cast %add3A_806 : i32 to index
        %get3A_820 = arith.constant 16 : index
        %get3A_821 = tpu.vector_load %arg11[%get3A_819, %get3A_820] {strides = array<i32>} : memref<256x128xf32, #tpu.memory_space<vmem>>, vector<16xf32>,
        %sub3A_822 = arith.subf %get3A_153, %get3A_821 : vector<16xf32>
        %mul3A_823 = arith.mulf %sub3A_822, %sub3A_822 : vector<16xf32>
        %add3A_824 = arith.addf %add3A_816, %mul3A_823 : vector<16xf32>
        %mul3A_825 = arith.mulf %sub3A_822, %get3A_177 : vector<16xf32>
        %add3A_826 = arith.addf %add3A_818, %mul3A_825 : vector<16xf32>
        %get3A_827 = arith.index_cast %add3A_806 : i32 to index
        %get3A_828 = arith.constant 32 : index
        %get3A_829 = tpu.vector_load %arg11[%get3A_827, %get3A_828] {strides = array<i32>} : memref<256x128xf32, #tpu.memory_space<vmem>>, vector<16xf32>,
        %sub3A_830 = arith.subf %get3A_156, %get3A_829 : vector<16xf32>
        %mul3A_831 = arith.mulf %sub3A_830, %sub3A_830 : vector<16xf32>
        %add3A_832 = arith.addf %add3A_824, %mul3A_831 : vector<16xf32>
        %mul3A_833 = arith.mulf %sub3A_830, %get3A_180 : vector<16xf32>
        %add3A_834 = arith.addf %add3A_826, %mul3A_833 : vector<16xf32>
        %get3A_835 = arith.index_cast %add3A_806 : i32 to index
        %get3A_836 = arith.constant 48 : index
        %get3A_837 = tpu.vector_load %arg11[%get3A_835, %get3A_836] {strides = array<i32>} : memref<256x128xf32, #tpu.memory_space<vmem>>, vector<16xf32>,
        %sub3A_838 = arith.subf %get3A_159, %get3A_837 : vector<16xf32>
        %mul3A_839 = arith.mulf %sub3A_838, %sub3A_838 : vector<16xf32>
        %add3A_840 = arith.addf %add3A_832, %mul3A_839 : vector<16xf32>
        %mul3A_841 = arith.mulf %sub3A_838, %get3A_183 : vector<16xf32>
        %add3A_842 = arith.addf %add3A_834, %mul3A_841 : vector<16xf32>
        %get3A_843 = arith.index_cast %add3A_806 : i32 to index
        %get3A_844 = arith.constant 64 : index
        %get3A_845 = tpu.vector_load %arg11[%get3A_843, %get3A_844] {strides = array<i32>} : memref<256x128xf32, #tpu.memory_space<vmem>>, vector<16xf32>,
        %sub3A_846 = arith.subf %get3A_162, %get3A_845 : vector<16xf32>
        %mul3A_847 = arith.mulf %sub3A_846, %sub3A_846 : vector<16xf32>
        %add3A_848 = arith.addf %add3A_840, %mul3A_847 : vector<16xf32>
        %mul3A_849 = arith.mulf %sub3A_846, %get3A_186 : vector<16xf32>
        %add3A_850 = arith.addf %add3A_842, %mul3A_849 : vector<16xf32>
        %get3A_851 = arith.index_cast %add3A_806 : i32 to index
        %get3A_852 = arith.constant 80 : index
        %get3A_853 = tpu.vector_load %arg11[%get3A_851, %get3A_852] {strides = array<i32>} : memref<256x128xf32, #tpu.memory_space<vmem>>, vector<16xf32>,
        %sub3A_854 = arith.subf %get3A_165, %get3A_853 : vector<16xf32>
        %mul3A_855 = arith.mulf %sub3A_854, %sub3A_854 : vector<16xf32>
        %add3A_856 = arith.addf %add3A_848, %mul3A_855 : vector<16xf32>
        %mul3A_857 = arith.mulf %sub3A_854, %get3A_189 : vector<16xf32>
        %add3A_858 = arith.addf %add3A_850, %mul3A_857 : vector<16xf32>
        %get3A_859 = arith.index_cast %add3A_806 : i32 to index
        %get3A_860 = arith.constant 96 : index
        %get3A_861 = tpu.vector_load %arg11[%get3A_859, %get3A_860] {strides = array<i32>} : memref<256x128xf32, #tpu.memory_space<vmem>>, vector<16xf32>,
        %sub3A_862 = arith.subf %get3A_168, %get3A_861 : vector<16xf32>
        %mul3A_863 = arith.mulf %sub3A_862, %sub3A_862 : vector<16xf32>
        %add3A_864 = arith.addf %add3A_856, %mul3A_863 : vector<16xf32>
        %mul3A_865 = arith.mulf %sub3A_862, %get3A_192 : vector<16xf32>
        %add3A_866 = arith.addf %add3A_858, %mul3A_865 : vector<16xf32>
        %get3A_867 = arith.index_cast %add3A_806 : i32 to index
        %get3A_868 = arith.constant 112 : index
        %get3A_869 = tpu.vector_load %arg11[%get3A_867, %get3A_868] {strides = array<i32>} : memref<256x128xf32, #tpu.memory_space<vmem>>, vector<16xf32>,
        %sub3A_870 = arith.subf %get3A_171, %get3A_869 : vector<16xf32>
        %mul3A_871 = arith.mulf %sub3A_870, %sub3A_870 : vector<16xf32>
        %add3A_872 = arith.addf %add3A_864, %mul3A_871 : vector<16xf32>
        %mul3A_873 = arith.mulf %sub3A_870, %get3A_195 : vector<16xf32>
        %add3A_874 = arith.addf %add3A_866, %mul3A_873 : vector<16xf32>
        %eq3A_875 = arith.constant 7 : i32
        %eq3A_876 = vector.broadcast %eq3A_875 : i32 to vector<16xi32>
        %eq3A_877 = arith.cmpi eq, %iota3A, %eq3A_876 : vector<16xi32>
        %reduce_sum3A_878 = arith.constant true
        %reduce_sum3A_879 = vector.broadcast %reduce_sum3A_878 : i1 to vector<16xi1>
        %reduce_sum3A_880 = tpu.scan <sum>, %add3A_872 masked %reduce_sum3A_879 : vector<16xf32>, vector<16xi1> -> vector<16xf32>
        %reduce_sum3A_881 = vector.extract %reduce_sum3A_880[15] : f32 from vector<16xf32>
        %broadcast_in_dim3A_882 = vector.broadcast %reduce_sum3A_881 : f32 to vector<16xf32>
        %select_n3A_883 = arith.select %eq3A_877, %broadcast_in_dim3A_882, %select_n3A_796 : vector<16xi1>, vector<16xf32>
        %reduce_sum3A_884 = arith.constant true
        %reduce_sum3A_885 = vector.broadcast %reduce_sum3A_884 : i1 to vector<16xi1>
        %reduce_sum3A_886 = tpu.scan <sum>, %add3A_874 masked %reduce_sum3A_885 : vector<16xf32>, vector<16xi1> -> vector<16xf32>
        %reduce_sum3A_887 = vector.extract %reduce_sum3A_886[15] : f32 from vector<16xf32>
        %broadcast_in_dim3A_888 = vector.broadcast %reduce_sum3A_887 : f32 to vector<16xf32>
        %select_n3A_889 = arith.select %eq3A_877, %broadcast_in_dim3A_888, %select_n3A_802 : vector<16xi1>, vector<16xf32>
        %mul3A_890 = arith.constant 2 : i32
        %mul3A_891 = arith.muli %mul3A_890, %scan3A_140 : i32
        %add3A_892 = arith.constant 1 : i32
        %add3A_893 = arith.addi %mul3A_891, %add3A_892 : i32
        %get3A_894 = arith.index_cast %add3A_893 : i32 to index
        %get3A_895 = arith.constant 0 : index
        %get3A_896 = tpu.vector_load %arg9[%get3A_894, %get3A_895] {strides = array<i32>} : memref<32x128xf32, #tpu.memory_space<vmem>>, vector<16xf32>,
        %get3A_897 = arith.index_cast %add3A_893 : i32 to index
        %get3A_898 = arith.constant 16 : index
        %get3A_899 = tpu.vector_load %arg9[%get3A_897, %get3A_898] {strides = array<i32>} : memref<32x128xf32, #tpu.memory_space<vmem>>, vector<16xf32>,
        %get3A_900 = arith.index_cast %add3A_893 : i32 to index
        %get3A_901 = arith.constant 32 : index
        %get3A_902 = tpu.vector_load %arg9[%get3A_900, %get3A_901] {strides = array<i32>} : memref<32x128xf32, #tpu.memory_space<vmem>>, vector<16xf32>,
        %get3A_903 = arith.index_cast %add3A_893 : i32 to index
        %get3A_904 = arith.constant 48 : index
        %get3A_905 = tpu.vector_load %arg9[%get3A_903, %get3A_904] {strides = array<i32>} : memref<32x128xf32, #tpu.memory_space<vmem>>, vector<16xf32>,
        %get3A_906 = arith.index_cast %add3A_893 : i32 to index
        %get3A_907 = arith.constant 64 : index
        %get3A_908 = tpu.vector_load %arg9[%get3A_906, %get3A_907] {strides = array<i32>} : memref<32x128xf32, #tpu.memory_space<vmem>>, vector<16xf32>,
        %get3A_909 = arith.index_cast %add3A_893 : i32 to index
        %get3A_910 = arith.constant 80 : index
        %get3A_911 = tpu.vector_load %arg9[%get3A_909, %get3A_910] {strides = array<i32>} : memref<32x128xf32, #tpu.memory_space<vmem>>, vector<16xf32>,
        %get3A_912 = arith.index_cast %add3A_893 : i32 to index
        %get3A_913 = arith.constant 96 : index
        %get3A_914 = tpu.vector_load %arg9[%get3A_912, %get3A_913] {strides = array<i32>} : memref<32x128xf32, #tpu.memory_space<vmem>>, vector<16xf32>,
        %get3A_915 = arith.index_cast %add3A_893 : i32 to index
        %get3A_916 = arith.constant 112 : index
        %get3A_917 = tpu.vector_load %arg9[%get3A_915, %get3A_916] {strides = array<i32>} : memref<32x128xf32, #tpu.memory_space<vmem>>, vector<16xf32>,
        %get3A_918 = arith.index_cast %add3A_893 : i32 to index
        %get3A_919 = arith.constant 0 : index
        %get3A_920 = tpu.vector_load %arg10[%get3A_918, %get3A_919] {strides = array<i32>} : memref<32x128xf32, #tpu.memory_space<vmem>>, vector<16xf32>,
        %get3A_921 = arith.index_cast %add3A_893 : i32 to index
        %get3A_922 = arith.constant 16 : index
        %get3A_923 = tpu.vector_load %arg10[%get3A_921, %get3A_922] {strides = array<i32>} : memref<32x128xf32, #tpu.memory_space<vmem>>, vector<16xf32>,
        %get3A_924 = arith.index_cast %add3A_893 : i32 to index
        %get3A_925 = arith.constant 32 : index
        %get3A_926 = tpu.vector_load %arg10[%get3A_924, %get3A_925] {strides = array<i32>} : memref<32x128xf32, #tpu.memory_space<vmem>>, vector<16xf32>,
        %get3A_927 = arith.index_cast %add3A_893 : i32 to index
        %get3A_928 = arith.constant 48 : index
        %get3A_929 = tpu.vector_load %arg10[%get3A_927, %get3A_928] {strides = array<i32>} : memref<32x128xf32, #tpu.memory_space<vmem>>, vector<16xf32>,
        %get3A_930 = arith.index_cast %add3A_893 : i32 to index
        %get3A_931 = arith.constant 64 : index
        %get3A_932 = tpu.vector_load %arg10[%get3A_930, %get3A_931] {strides = array<i32>} : memref<32x128xf32, #tpu.memory_space<vmem>>, vector<16xf32>,
        %get3A_933 = arith.index_cast %add3A_893 : i32 to index
        %get3A_934 = arith.constant 80 : index
        %get3A_935 = tpu.vector_load %arg10[%get3A_933, %get3A_934] {strides = array<i32>} : memref<32x128xf32, #tpu.memory_space<vmem>>, vector<16xf32>,
        %get3A_936 = arith.index_cast %add3A_893 : i32 to index
        %get3A_937 = arith.constant 96 : index
        %get3A_938 = tpu.vector_load %arg10[%get3A_936, %get3A_937] {strides = array<i32>} : memref<32x128xf32, #tpu.memory_space<vmem>>, vector<16xf32>,
        %get3A_939 = arith.index_cast %add3A_893 : i32 to index
        %get3A_940 = arith.constant 112 : index
        %get3A_941 = tpu.vector_load %arg10[%get3A_939, %get3A_940] {strides = array<i32>} : memref<32x128xf32, #tpu.memory_space<vmem>>, vector<16xf32>,
        %mul3A_942 = arith.constant 8 : i32
        %mul3A_943 = arith.muli %add3A_893, %mul3A_942 : i32
        %add3A_944 = arith.constant 0 : i32
        %add3A_945 = arith.addi %mul3A_943, %add3A_944 : i32
        %broadcast_in_dim3A_946 = arith.constant 0.000000e+00 : f32
        %broadcast_in_dim3A_947 = vector.broadcast %broadcast_in_dim3A_946 : f32 to vector<16xf32>
        %broadcast_in_dim3A_948 = arith.constant 0.000000e+00 : f32
        %broadcast_in_dim3A_949 = vector.broadcast %broadcast_in_dim3A_948 : f32 to vector<16xf32>
        %get3A_950 = arith.index_cast %add3A_945 : i32 to index
        %get3A_951 = arith.constant 0 : index
        %get3A_952 = tpu.vector_load %arg11[%get3A_950, %get3A_951] {strides = array<i32>} : memref<256x128xf32, #tpu.memory_space<vmem>>, vector<16xf32>,
        %sub3A_953 = arith.subf %get3A_896, %get3A_952 : vector<16xf32>
        %mul3A_954 = arith.mulf %sub3A_953, %sub3A_953 : vector<16xf32>
        %add3A_955 = arith.addf %broadcast_in_dim3A_947, %mul3A_954 : vector<16xf32>
        %mul3A_956 = arith.mulf %sub3A_953, %get3A_920 : vector<16xf32>
        %add3A_957 = arith.addf %broadcast_in_dim3A_949, %mul3A_956 : vector<16xf32>
        %get3A_958 = arith.index_cast %add3A_945 : i32 to index
        %get3A_959 = arith.constant 16 : index
        %get3A_960 = tpu.vector_load %arg11[%get3A_958, %get3A_959] {strides = array<i32>} : memref<256x128xf32, #tpu.memory_space<vmem>>, vector<16xf32>,
        %sub3A_961 = arith.subf %get3A_899, %get3A_960 : vector<16xf32>
        %mul3A_962 = arith.mulf %sub3A_961, %sub3A_961 : vector<16xf32>
        %add3A_963 = arith.addf %add3A_955, %mul3A_962 : vector<16xf32>
        %mul3A_964 = arith.mulf %sub3A_961, %get3A_923 : vector<16xf32>
        %add3A_965 = arith.addf %add3A_957, %mul3A_964 : vector<16xf32>
        %get3A_966 = arith.index_cast %add3A_945 : i32 to index
        %get3A_967 = arith.constant 32 : index
        %get3A_968 = tpu.vector_load %arg11[%get3A_966, %get3A_967] {strides = array<i32>} : memref<256x128xf32, #tpu.memory_space<vmem>>, vector<16xf32>,
        %sub3A_969 = arith.subf %get3A_902, %get3A_968 : vector<16xf32>
        %mul3A_970 = arith.mulf %sub3A_969, %sub3A_969 : vector<16xf32>
        %add3A_971 = arith.addf %add3A_963, %mul3A_970 : vector<16xf32>
        %mul3A_972 = arith.mulf %sub3A_969, %get3A_926 : vector<16xf32>
        %add3A_973 = arith.addf %add3A_965, %mul3A_972 : vector<16xf32>
        %get3A_974 = arith.index_cast %add3A_945 : i32 to index
        %get3A_975 = arith.constant 48 : index
        %get3A_976 = tpu.vector_load %arg11[%get3A_974, %get3A_975] {strides = array<i32>} : memref<256x128xf32, #tpu.memory_space<vmem>>, vector<16xf32>,
        %sub3A_977 = arith.subf %get3A_905, %get3A_976 : vector<16xf32>
        %mul3A_978 = arith.mulf %sub3A_977, %sub3A_977 : vector<16xf32>
        %add3A_979 = arith.addf %add3A_971, %mul3A_978 : vector<16xf32>
        %mul3A_980 = arith.mulf %sub3A_977, %get3A_929 : vector<16xf32>
        %add3A_981 = arith.addf %add3A_973, %mul3A_980 : vector<16xf32>
        %get3A_982 = arith.index_cast %add3A_945 : i32 to index
        %get3A_983 = arith.constant 64 : index
        %get3A_984 = tpu.vector_load %arg11[%get3A_982, %get3A_983] {strides = array<i32>} : memref<256x128xf32, #tpu.memory_space<vmem>>, vector<16xf32>,
        %sub3A_985 = arith.subf %get3A_908, %get3A_984 : vector<16xf32>
        %mul3A_986 = arith.mulf %sub3A_985, %sub3A_985 : vector<16xf32>
        %add3A_987 = arith.addf %add3A_979, %mul3A_986 : vector<16xf32>
        %mul3A_988 = arith.mulf %sub3A_985, %get3A_932 : vector<16xf32>
        %add3A_989 = arith.addf %add3A_981, %mul3A_988 : vector<16xf32>
        %get3A_990 = arith.index_cast %add3A_945 : i32 to index
        %get3A_991 = arith.constant 80 : index
        %get3A_992 = tpu.vector_load %arg11[%get3A_990, %get3A_991] {strides = array<i32>} : memref<256x128xf32, #tpu.memory_space<vmem>>, vector<16xf32>,
        %sub3A_993 = arith.subf %get3A_911, %get3A_992 : vector<16xf32>
        %mul3A_994 = arith.mulf %sub3A_993, %sub3A_993 : vector<16xf32>
        %add3A_995 = arith.addf %add3A_987, %mul3A_994 : vector<16xf32>
        %mul3A_996 = arith.mulf %sub3A_993, %get3A_935 : vector<16xf32>
        %add3A_997 = arith.addf %add3A_989, %mul3A_996 : vector<16xf32>
        %get3A_998 = arith.index_cast %add3A_945 : i32 to index
        %get3A_999 = arith.constant 96 : index
        %get3A_1000 = tpu.vector_load %arg11[%get3A_998, %get3A_999] {strides = array<i32>} : memref<256x128xf32, #tpu.memory_space<vmem>>, vector<16xf32>,
        %sub3A_1001 = arith.subf %get3A_914, %get3A_1000 : vector<16xf32>
        %mul3A_1002 = arith.mulf %sub3A_1001, %sub3A_1001 : vector<16xf32>
        %add3A_1003 = arith.addf %add3A_995, %mul3A_1002 : vector<16xf32>
        %mul3A_1004 = arith.mulf %sub3A_1001, %get3A_938 : vector<16xf32>
        %add3A_1005 = arith.addf %add3A_997, %mul3A_1004 : vector<16xf32>
        %get3A_1006 = arith.index_cast %add3A_945 : i32 to index
        %get3A_1007 = arith.constant 112 : index
        %get3A_1008 = tpu.vector_load %arg11[%get3A_1006, %get3A_1007] {strides = array<i32>} : memref<256x128xf32, #tpu.memory_space<vmem>>, vector<16xf32>,
        %sub3A_1009 = arith.subf %get3A_917, %get3A_1008 : vector<16xf32>
        %mul3A_1010 = arith.mulf %sub3A_1009, %sub3A_1009 : vector<16xf32>
        %add3A_1011 = arith.addf %add3A_1003, %mul3A_1010 : vector<16xf32>
        %mul3A_1012 = arith.mulf %sub3A_1009, %get3A_941 : vector<16xf32>
        %add3A_1013 = arith.addf %add3A_1005, %mul3A_1012 : vector<16xf32>
        %eq3A_1014 = arith.constant 8 : i32
        %eq3A_1015 = vector.broadcast %eq3A_1014 : i32 to vector<16xi32>
        %eq3A_1016 = arith.cmpi eq, %iota3A, %eq3A_1015 : vector<16xi32>
        %reduce_sum3A_1017 = arith.constant true
        %reduce_sum3A_1018 = vector.broadcast %reduce_sum3A_1017 : i1 to vector<16xi1>
        %reduce_sum3A_1019 = tpu.scan <sum>, %add3A_1011 masked %reduce_sum3A_1018 : vector<16xf32>, vector<16xi1> -> vector<16xf32>
        %reduce_sum3A_1020 = vector.extract %reduce_sum3A_1019[15] : f32 from vector<16xf32>
        %broadcast_in_dim3A_1021 = vector.broadcast %reduce_sum3A_1020 : f32 to vector<16xf32>
        %select_n3A_1022 = arith.select %eq3A_1016, %broadcast_in_dim3A_1021, %select_n3A_883 : vector<16xi1>, vector<16xf32>
        %reduce_sum3A_1023 = arith.constant true
        %reduce_sum3A_1024 = vector.broadcast %reduce_sum3A_1023 : i1 to vector<16xi1>
        %reduce_sum3A_1025 = tpu.scan <sum>, %add3A_1013 masked %reduce_sum3A_1024 : vector<16xf32>, vector<16xi1> -> vector<16xf32>
        %reduce_sum3A_1026 = vector.extract %reduce_sum3A_1025[15] : f32 from vector<16xf32>
        %broadcast_in_dim3A_1027 = vector.broadcast %reduce_sum3A_1026 : f32 to vector<16xf32>
        %select_n3A_1028 = arith.select %eq3A_1016, %broadcast_in_dim3A_1027, %select_n3A_889 : vector<16xi1>, vector<16xf32>
        %mul3A_1029 = arith.constant 8 : i32
        %mul3A_1030 = arith.muli %add3A_893, %mul3A_1029 : i32
        %add3A_1031 = arith.constant 1 : i32
        %add3A_1032 = arith.addi %mul3A_1030, %add3A_1031 : i32
        %broadcast_in_dim3A_1033 = arith.constant 0.000000e+00 : f32
        %broadcast_in_dim3A_1034 = vector.broadcast %broadcast_in_dim3A_1033 : f32 to vector<16xf32>
        %broadcast_in_dim3A_1035 = arith.constant 0.000000e+00 : f32
        %broadcast_in_dim3A_1036 = vector.broadcast %broadcast_in_dim3A_1035 : f32 to vector<16xf32>
        %get3A_1037 = arith.index_cast %add3A_1032 : i32 to index
        %get3A_1038 = arith.constant 0 : index
        %get3A_1039 = tpu.vector_load %arg11[%get3A_1037, %get3A_1038] {strides = array<i32>} : memref<256x128xf32, #tpu.memory_space<vmem>>, vector<16xf32>,
        %sub3A_1040 = arith.subf %get3A_896, %get3A_1039 : vector<16xf32>
        %mul3A_1041 = arith.mulf %sub3A_1040, %sub3A_1040 : vector<16xf32>
        %add3A_1042 = arith.addf %broadcast_in_dim3A_1034, %mul3A_1041 : vector<16xf32>
        %mul3A_1043 = arith.mulf %sub3A_1040, %get3A_920 : vector<16xf32>
        %add3A_1044 = arith.addf %broadcast_in_dim3A_1036, %mul3A_1043 : vector<16xf32>
        %get3A_1045 = arith.index_cast %add3A_1032 : i32 to index
        %get3A_1046 = arith.constant 16 : index
        %get3A_1047 = tpu.vector_load %arg11[%get3A_1045, %get3A_1046] {strides = array<i32>} : memref<256x128xf32, #tpu.memory_space<vmem>>, vector<16xf32>,
        %sub3A_1048 = arith.subf %get3A_899, %get3A_1047 : vector<16xf32>
        %mul3A_1049 = arith.mulf %sub3A_1048, %sub3A_1048 : vector<16xf32>
        %add3A_1050 = arith.addf %add3A_1042, %mul3A_1049 : vector<16xf32>
        %mul3A_1051 = arith.mulf %sub3A_1048, %get3A_923 : vector<16xf32>
        %add3A_1052 = arith.addf %add3A_1044, %mul3A_1051 : vector<16xf32>
        %get3A_1053 = arith.index_cast %add3A_1032 : i32 to index
        %get3A_1054 = arith.constant 32 : index
        %get3A_1055 = tpu.vector_load %arg11[%get3A_1053, %get3A_1054] {strides = array<i32>} : memref<256x128xf32, #tpu.memory_space<vmem>>, vector<16xf32>,
        %sub3A_1056 = arith.subf %get3A_902, %get3A_1055 : vector<16xf32>
        %mul3A_1057 = arith.mulf %sub3A_1056, %sub3A_1056 : vector<16xf32>
        %add3A_1058 = arith.addf %add3A_1050, %mul3A_1057 : vector<16xf32>
        %mul3A_1059 = arith.mulf %sub3A_1056, %get3A_926 : vector<16xf32>
        %add3A_1060 = arith.addf %add3A_1052, %mul3A_1059 : vector<16xf32>
        %get3A_1061 = arith.index_cast %add3A_1032 : i32 to index
        %get3A_1062 = arith.constant 48 : index
        %get3A_1063 = tpu.vector_load %arg11[%get3A_1061, %get3A_1062] {strides = array<i32>} : memref<256x128xf32, #tpu.memory_space<vmem>>, vector<16xf32>,
        %sub3A_1064 = arith.subf %get3A_905, %get3A_1063 : vector<16xf32>
        %mul3A_1065 = arith.mulf %sub3A_1064, %sub3A_1064 : vector<16xf32>
        %add3A_1066 = arith.addf %add3A_1058, %mul3A_1065 : vector<16xf32>
        %mul3A_1067 = arith.mulf %sub3A_1064, %get3A_929 : vector<16xf32>
        %add3A_1068 = arith.addf %add3A_1060, %mul3A_1067 : vector<16xf32>
        %get3A_1069 = arith.index_cast %add3A_1032 : i32 to index
        %get3A_1070 = arith.constant 64 : index
        %get3A_1071 = tpu.vector_load %arg11[%get3A_1069, %get3A_1070] {strides = array<i32>} : memref<256x128xf32, #tpu.memory_space<vmem>>, vector<16xf32>,
        %sub3A_1072 = arith.subf %get3A_908, %get3A_1071 : vector<16xf32>
        %mul3A_1073 = arith.mulf %sub3A_1072, %sub3A_1072 : vector<16xf32>
        %add3A_1074 = arith.addf %add3A_1066, %mul3A_1073 : vector<16xf32>
        %mul3A_1075 = arith.mulf %sub3A_1072, %get3A_932 : vector<16xf32>
        %add3A_1076 = arith.addf %add3A_1068, %mul3A_1075 : vector<16xf32>
        %get3A_1077 = arith.index_cast %add3A_1032 : i32 to index
        %get3A_1078 = arith.constant 80 : index
        %get3A_1079 = tpu.vector_load %arg11[%get3A_1077, %get3A_1078] {strides = array<i32>} : memref<256x128xf32, #tpu.memory_space<vmem>>, vector<16xf32>,
        %sub3A_1080 = arith.subf %get3A_911, %get3A_1079 : vector<16xf32>
        %mul3A_1081 = arith.mulf %sub3A_1080, %sub3A_1080 : vector<16xf32>
        %add3A_1082 = arith.addf %add3A_1074, %mul3A_1081 : vector<16xf32>
        %mul3A_1083 = arith.mulf %sub3A_1080, %get3A_935 : vector<16xf32>
        %add3A_1084 = arith.addf %add3A_1076, %mul3A_1083 : vector<16xf32>
        %get3A_1085 = arith.index_cast %add3A_1032 : i32 to index
        %get3A_1086 = arith.constant 96 : index
        %get3A_1087 = tpu.vector_load %arg11[%get3A_1085, %get3A_1086] {strides = array<i32>} : memref<256x128xf32, #tpu.memory_space<vmem>>, vector<16xf32>,
        %sub3A_1088 = arith.subf %get3A_914, %get3A_1087 : vector<16xf32>
        %mul3A_1089 = arith.mulf %sub3A_1088, %sub3A_1088 : vector<16xf32>
        %add3A_1090 = arith.addf %add3A_1082, %mul3A_1089 : vector<16xf32>
        %mul3A_1091 = arith.mulf %sub3A_1088, %get3A_938 : vector<16xf32>
        %add3A_1092 = arith.addf %add3A_1084, %mul3A_1091 : vector<16xf32>
        %get3A_1093 = arith.index_cast %add3A_1032 : i32 to index
        %get3A_1094 = arith.constant 112 : index
        %get3A_1095 = tpu.vector_load %arg11[%get3A_1093, %get3A_1094] {strides = array<i32>} : memref<256x128xf32, #tpu.memory_space<vmem>>, vector<16xf32>,
        %sub3A_1096 = arith.subf %get3A_917, %get3A_1095 : vector<16xf32>
        %mul3A_1097 = arith.mulf %sub3A_1096, %sub3A_1096 : vector<16xf32>
        %add3A_1098 = arith.addf %add3A_1090, %mul3A_1097 : vector<16xf32>
        %mul3A_1099 = arith.mulf %sub3A_1096, %get3A_941 : vector<16xf32>
        %add3A_1100 = arith.addf %add3A_1092, %mul3A_1099 : vector<16xf32>
        %eq3A_1101 = arith.constant 9 : i32
        %eq3A_1102 = vector.broadcast %eq3A_1101 : i32 to vector<16xi32>
        %eq3A_1103 = arith.cmpi eq, %iota3A, %eq3A_1102 : vector<16xi32>
        %reduce_sum3A_1104 = arith.constant true
        %reduce_sum3A_1105 = vector.broadcast %reduce_sum3A_1104 : i1 to vector<16xi1>
        %reduce_sum3A_1106 = tpu.scan <sum>, %add3A_1098 masked %reduce_sum3A_1105 : vector<16xf32>, vector<16xi1> -> vector<16xf32>
        %reduce_sum3A_1107 = vector.extract %reduce_sum3A_1106[15] : f32 from vector<16xf32>
        %broadcast_in_dim3A_1108 = vector.broadcast %reduce_sum3A_1107 : f32 to vector<16xf32>
        %select_n3A_1109 = arith.select %eq3A_1103, %broadcast_in_dim3A_1108, %select_n3A_1022 : vector<16xi1>, vector<16xf32>
        %reduce_sum3A_1110 = arith.constant true
        %reduce_sum3A_1111 = vector.broadcast %reduce_sum3A_1110 : i1 to vector<16xi1>
        %reduce_sum3A_1112 = tpu.scan <sum>, %add3A_1100 masked %reduce_sum3A_1111 : vector<16xf32>, vector<16xi1> -> vector<16xf32>
        %reduce_sum3A_1113 = vector.extract %reduce_sum3A_1112[15] : f32 from vector<16xf32>
        %broadcast_in_dim3A_1114 = vector.broadcast %reduce_sum3A_1113 : f32 to vector<16xf32>
        %select_n3A_1115 = arith.select %eq3A_1103, %broadcast_in_dim3A_1114, %select_n3A_1028 : vector<16xi1>, vector<16xf32>
        %mul3A_1116 = arith.constant 8 : i32
        %mul3A_1117 = arith.muli %add3A_893, %mul3A_1116 : i32
        %add3A_1118 = arith.constant 2 : i32
        %add3A_1119 = arith.addi %mul3A_1117, %add3A_1118 : i32
        %broadcast_in_dim3A_1120 = arith.constant 0.000000e+00 : f32
        %broadcast_in_dim3A_1121 = vector.broadcast %broadcast_in_dim3A_1120 : f32 to vector<16xf32>
        %broadcast_in_dim3A_1122 = arith.constant 0.000000e+00 : f32
        %broadcast_in_dim3A_1123 = vector.broadcast %broadcast_in_dim3A_1122 : f32 to vector<16xf32>
        %get3A_1124 = arith.index_cast %add3A_1119 : i32 to index
        %get3A_1125 = arith.constant 0 : index
        %get3A_1126 = tpu.vector_load %arg11[%get3A_1124, %get3A_1125] {strides = array<i32>} : memref<256x128xf32, #tpu.memory_space<vmem>>, vector<16xf32>,
        %sub3A_1127 = arith.subf %get3A_896, %get3A_1126 : vector<16xf32>
        %mul3A_1128 = arith.mulf %sub3A_1127, %sub3A_1127 : vector<16xf32>
        %add3A_1129 = arith.addf %broadcast_in_dim3A_1121, %mul3A_1128 : vector<16xf32>
        %mul3A_1130 = arith.mulf %sub3A_1127, %get3A_920 : vector<16xf32>
        %add3A_1131 = arith.addf %broadcast_in_dim3A_1123, %mul3A_1130 : vector<16xf32>
        %get3A_1132 = arith.index_cast %add3A_1119 : i32 to index
        %get3A_1133 = arith.constant 16 : index
        %get3A_1134 = tpu.vector_load %arg11[%get3A_1132, %get3A_1133] {strides = array<i32>} : memref<256x128xf32, #tpu.memory_space<vmem>>, vector<16xf32>,
        %sub3A_1135 = arith.subf %get3A_899, %get3A_1134 : vector<16xf32>
        %mul3A_1136 = arith.mulf %sub3A_1135, %sub3A_1135 : vector<16xf32>
        %add3A_1137 = arith.addf %add3A_1129, %mul3A_1136 : vector<16xf32>
        %mul3A_1138 = arith.mulf %sub3A_1135, %get3A_923 : vector<16xf32>
        %add3A_1139 = arith.addf %add3A_1131, %mul3A_1138 : vector<16xf32>
        %get3A_1140 = arith.index_cast %add3A_1119 : i32 to index
        %get3A_1141 = arith.constant 32 : index
        %get3A_1142 = tpu.vector_load %arg11[%get3A_1140, %get3A_1141] {strides = array<i32>} : memref<256x128xf32, #tpu.memory_space<vmem>>, vector<16xf32>,
        %sub3A_1143 = arith.subf %get3A_902, %get3A_1142 : vector<16xf32>
        %mul3A_1144 = arith.mulf %sub3A_1143, %sub3A_1143 : vector<16xf32>
        %add3A_1145 = arith.addf %add3A_1137, %mul3A_1144 : vector<16xf32>
        %mul3A_1146 = arith.mulf %sub3A_1143, %get3A_926 : vector<16xf32>
        %add3A_1147 = arith.addf %add3A_1139, %mul3A_1146 : vector<16xf32>
        %get3A_1148 = arith.index_cast %add3A_1119 : i32 to index
        %get3A_1149 = arith.constant 48 : index
        %get3A_1150 = tpu.vector_load %arg11[%get3A_1148, %get3A_1149] {strides = array<i32>} : memref<256x128xf32, #tpu.memory_space<vmem>>, vector<16xf32>,
        %sub3A_1151 = arith.subf %get3A_905, %get3A_1150 : vector<16xf32>
        %mul3A_1152 = arith.mulf %sub3A_1151, %sub3A_1151 : vector<16xf32>
        %add3A_1153 = arith.addf %add3A_1145, %mul3A_1152 : vector<16xf32>
        %mul3A_1154 = arith.mulf %sub3A_1151, %get3A_929 : vector<16xf32>
        %add3A_1155 = arith.addf %add3A_1147, %mul3A_1154 : vector<16xf32>
        %get3A_1156 = arith.index_cast %add3A_1119 : i32 to index
        %get3A_1157 = arith.constant 64 : index
        %get3A_1158 = tpu.vector_load %arg11[%get3A_1156, %get3A_1157] {strides = array<i32>} : memref<256x128xf32, #tpu.memory_space<vmem>>, vector<16xf32>,
        %sub3A_1159 = arith.subf %get3A_908, %get3A_1158 : vector<16xf32>
        %mul3A_1160 = arith.mulf %sub3A_1159, %sub3A_1159 : vector<16xf32>
        %add3A_1161 = arith.addf %add3A_1153, %mul3A_1160 : vector<16xf32>
        %mul3A_1162 = arith.mulf %sub3A_1159, %get3A_932 : vector<16xf32>
        %add3A_1163 = arith.addf %add3A_1155, %mul3A_1162 : vector<16xf32>
        %get3A_1164 = arith.index_cast %add3A_1119 : i32 to index
        %get3A_1165 = arith.constant 80 : index
        %get3A_1166 = tpu.vector_load %arg11[%get3A_1164, %get3A_1165] {strides = array<i32>} : memref<256x128xf32, #tpu.memory_space<vmem>>, vector<16xf32>,
        %sub3A_1167 = arith.subf %get3A_911, %get3A_1166 : vector<16xf32>
        %mul3A_1168 = arith.mulf %sub3A_1167, %sub3A_1167 : vector<16xf32>
        %add3A_1169 = arith.addf %add3A_1161, %mul3A_1168 : vector<16xf32>
        %mul3A_1170 = arith.mulf %sub3A_1167, %get3A_935 : vector<16xf32>
        %add3A_1171 = arith.addf %add3A_1163, %mul3A_1170 : vector<16xf32>
        %get3A_1172 = arith.index_cast %add3A_1119 : i32 to index
        %get3A_1173 = arith.constant 96 : index
        %get3A_1174 = tpu.vector_load %arg11[%get3A_1172, %get3A_1173] {strides = array<i32>} : memref<256x128xf32, #tpu.memory_space<vmem>>, vector<16xf32>,
        %sub3A_1175 = arith.subf %get3A_914, %get3A_1174 : vector<16xf32>
        %mul3A_1176 = arith.mulf %sub3A_1175, %sub3A_1175 : vector<16xf32>
        %add3A_1177 = arith.addf %add3A_1169, %mul3A_1176 : vector<16xf32>
        %mul3A_1178 = arith.mulf %sub3A_1175, %get3A_938 : vector<16xf32>
        %add3A_1179 = arith.addf %add3A_1171, %mul3A_1178 : vector<16xf32>
        %get3A_1180 = arith.index_cast %add3A_1119 : i32 to index
        %get3A_1181 = arith.constant 112 : index
        %get3A_1182 = tpu.vector_load %arg11[%get3A_1180, %get3A_1181] {strides = array<i32>} : memref<256x128xf32, #tpu.memory_space<vmem>>, vector<16xf32>,
        %sub3A_1183 = arith.subf %get3A_917, %get3A_1182 : vector<16xf32>
        %mul3A_1184 = arith.mulf %sub3A_1183, %sub3A_1183 : vector<16xf32>
        %add3A_1185 = arith.addf %add3A_1177, %mul3A_1184 : vector<16xf32>
        %mul3A_1186 = arith.mulf %sub3A_1183, %get3A_941 : vector<16xf32>
        %add3A_1187 = arith.addf %add3A_1179, %mul3A_1186 : vector<16xf32>
        %eq3A_1188 = arith.constant 10 : i32
        %eq3A_1189 = vector.broadcast %eq3A_1188 : i32 to vector<16xi32>
        %eq3A_1190 = arith.cmpi eq, %iota3A, %eq3A_1189 : vector<16xi32>
        %reduce_sum3A_1191 = arith.constant true
        %reduce_sum3A_1192 = vector.broadcast %reduce_sum3A_1191 : i1 to vector<16xi1>
        %reduce_sum3A_1193 = tpu.scan <sum>, %add3A_1185 masked %reduce_sum3A_1192 : vector<16xf32>, vector<16xi1> -> vector<16xf32>
        %reduce_sum3A_1194 = vector.extract %reduce_sum3A_1193[15] : f32 from vector<16xf32>
        %broadcast_in_dim3A_1195 = vector.broadcast %reduce_sum3A_1194 : f32 to vector<16xf32>
        %select_n3A_1196 = arith.select %eq3A_1190, %broadcast_in_dim3A_1195, %select_n3A_1109 : vector<16xi1>, vector<16xf32>
        %reduce_sum3A_1197 = arith.constant true
        %reduce_sum3A_1198 = vector.broadcast %reduce_sum3A_1197 : i1 to vector<16xi1>
        %reduce_sum3A_1199 = tpu.scan <sum>, %add3A_1187 masked %reduce_sum3A_1198 : vector<16xf32>, vector<16xi1> -> vector<16xf32>
        %reduce_sum3A_1200 = vector.extract %reduce_sum3A_1199[15] : f32 from vector<16xf32>
        %broadcast_in_dim3A_1201 = vector.broadcast %reduce_sum3A_1200 : f32 to vector<16xf32>
        %select_n3A_1202 = arith.select %eq3A_1190, %broadcast_in_dim3A_1201, %select_n3A_1115 : vector<16xi1>, vector<16xf32>
        %mul3A_1203 = arith.constant 8 : i32
        %mul3A_1204 = arith.muli %add3A_893, %mul3A_1203 : i32
        %add3A_1205 = arith.constant 3 : i32
        %add3A_1206 = arith.addi %mul3A_1204, %add3A_1205 : i32
        %broadcast_in_dim3A_1207 = arith.constant 0.000000e+00 : f32
        %broadcast_in_dim3A_1208 = vector.broadcast %broadcast_in_dim3A_1207 : f32 to vector<16xf32>
        %broadcast_in_dim3A_1209 = arith.constant 0.000000e+00 : f32
        %broadcast_in_dim3A_1210 = vector.broadcast %broadcast_in_dim3A_1209 : f32 to vector<16xf32>
        %get3A_1211 = arith.index_cast %add3A_1206 : i32 to index
        %get3A_1212 = arith.constant 0 : index
        %get3A_1213 = tpu.vector_load %arg11[%get3A_1211, %get3A_1212] {strides = array<i32>} : memref<256x128xf32, #tpu.memory_space<vmem>>, vector<16xf32>,
        %sub3A_1214 = arith.subf %get3A_896, %get3A_1213 : vector<16xf32>
        %mul3A_1215 = arith.mulf %sub3A_1214, %sub3A_1214 : vector<16xf32>
        %add3A_1216 = arith.addf %broadcast_in_dim3A_1208, %mul3A_1215 : vector<16xf32>
        %mul3A_1217 = arith.mulf %sub3A_1214, %get3A_920 : vector<16xf32>
        %add3A_1218 = arith.addf %broadcast_in_dim3A_1210, %mul3A_1217 : vector<16xf32>
        %get3A_1219 = arith.index_cast %add3A_1206 : i32 to index
        %get3A_1220 = arith.constant 16 : index
        %get3A_1221 = tpu.vector_load %arg11[%get3A_1219, %get3A_1220] {strides = array<i32>} : memref<256x128xf32, #tpu.memory_space<vmem>>, vector<16xf32>,
        %sub3A_1222 = arith.subf %get3A_899, %get3A_1221 : vector<16xf32>
        %mul3A_1223 = arith.mulf %sub3A_1222, %sub3A_1222 : vector<16xf32>
        %add3A_1224 = arith.addf %add3A_1216, %mul3A_1223 : vector<16xf32>
        %mul3A_1225 = arith.mulf %sub3A_1222, %get3A_923 : vector<16xf32>
        %add3A_1226 = arith.addf %add3A_1218, %mul3A_1225 : vector<16xf32>
        %get3A_1227 = arith.index_cast %add3A_1206 : i32 to index
        %get3A_1228 = arith.constant 32 : index
        %get3A_1229 = tpu.vector_load %arg11[%get3A_1227, %get3A_1228] {strides = array<i32>} : memref<256x128xf32, #tpu.memory_space<vmem>>, vector<16xf32>,
        %sub3A_1230 = arith.subf %get3A_902, %get3A_1229 : vector<16xf32>
        %mul3A_1231 = arith.mulf %sub3A_1230, %sub3A_1230 : vector<16xf32>
        %add3A_1232 = arith.addf %add3A_1224, %mul3A_1231 : vector<16xf32>
        %mul3A_1233 = arith.mulf %sub3A_1230, %get3A_926 : vector<16xf32>
        %add3A_1234 = arith.addf %add3A_1226, %mul3A_1233 : vector<16xf32>
        %get3A_1235 = arith.index_cast %add3A_1206 : i32 to index
        %get3A_1236 = arith.constant 48 : index
        %get3A_1237 = tpu.vector_load %arg11[%get3A_1235, %get3A_1236] {strides = array<i32>} : memref<256x128xf32, #tpu.memory_space<vmem>>, vector<16xf32>,
        %sub3A_1238 = arith.subf %get3A_905, %get3A_1237 : vector<16xf32>
        %mul3A_1239 = arith.mulf %sub3A_1238, %sub3A_1238 : vector<16xf32>
        %add3A_1240 = arith.addf %add3A_1232, %mul3A_1239 : vector<16xf32>
        %mul3A_1241 = arith.mulf %sub3A_1238, %get3A_929 : vector<16xf32>
        %add3A_1242 = arith.addf %add3A_1234, %mul3A_1241 : vector<16xf32>
        %get3A_1243 = arith.index_cast %add3A_1206 : i32 to index
        %get3A_1244 = arith.constant 64 : index
        %get3A_1245 = tpu.vector_load %arg11[%get3A_1243, %get3A_1244] {strides = array<i32>} : memref<256x128xf32, #tpu.memory_space<vmem>>, vector<16xf32>,
        %sub3A_1246 = arith.subf %get3A_908, %get3A_1245 : vector<16xf32>
        %mul3A_1247 = arith.mulf %sub3A_1246, %sub3A_1246 : vector<16xf32>
        %add3A_1248 = arith.addf %add3A_1240, %mul3A_1247 : vector<16xf32>
        %mul3A_1249 = arith.mulf %sub3A_1246, %get3A_932 : vector<16xf32>
        %add3A_1250 = arith.addf %add3A_1242, %mul3A_1249 : vector<16xf32>
        %get3A_1251 = arith.index_cast %add3A_1206 : i32 to index
        %get3A_1252 = arith.constant 80 : index
        %get3A_1253 = tpu.vector_load %arg11[%get3A_1251, %get3A_1252] {strides = array<i32>} : memref<256x128xf32, #tpu.memory_space<vmem>>, vector<16xf32>,
        %sub3A_1254 = arith.subf %get3A_911, %get3A_1253 : vector<16xf32>
        %mul3A_1255 = arith.mulf %sub3A_1254, %sub3A_1254 : vector<16xf32>
        %add3A_1256 = arith.addf %add3A_1248, %mul3A_1255 : vector<16xf32>
        %mul3A_1257 = arith.mulf %sub3A_1254, %get3A_935 : vector<16xf32>
        %add3A_1258 = arith.addf %add3A_1250, %mul3A_1257 : vector<16xf32>
        %get3A_1259 = arith.index_cast %add3A_1206 : i32 to index
        %get3A_1260 = arith.constant 96 : index
        %get3A_1261 = tpu.vector_load %arg11[%get3A_1259, %get3A_1260] {strides = array<i32>} : memref<256x128xf32, #tpu.memory_space<vmem>>, vector<16xf32>,
        %sub3A_1262 = arith.subf %get3A_914, %get3A_1261 : vector<16xf32>
        %mul3A_1263 = arith.mulf %sub3A_1262, %sub3A_1262 : vector<16xf32>
        %add3A_1264 = arith.addf %add3A_1256, %mul3A_1263 : vector<16xf32>
        %mul3A_1265 = arith.mulf %sub3A_1262, %get3A_938 : vector<16xf32>
        %add3A_1266 = arith.addf %add3A_1258, %mul3A_1265 : vector<16xf32>
        %get3A_1267 = arith.index_cast %add3A_1206 : i32 to index
        %get3A_1268 = arith.constant 112 : index
        %get3A_1269 = tpu.vector_load %arg11[%get3A_1267, %get3A_1268] {strides = array<i32>} : memref<256x128xf32, #tpu.memory_space<vmem>>, vector<16xf32>,
        %sub3A_1270 = arith.subf %get3A_917, %get3A_1269 : vector<16xf32>
        %mul3A_1271 = arith.mulf %sub3A_1270, %sub3A_1270 : vector<16xf32>
        %add3A_1272 = arith.addf %add3A_1264, %mul3A_1271 : vector<16xf32>
        %mul3A_1273 = arith.mulf %sub3A_1270, %get3A_941 : vector<16xf32>
        %add3A_1274 = arith.addf %add3A_1266, %mul3A_1273 : vector<16xf32>
        %eq3A_1275 = arith.constant 11 : i32
        %eq3A_1276 = vector.broadcast %eq3A_1275 : i32 to vector<16xi32>
        %eq3A_1277 = arith.cmpi eq, %iota3A, %eq3A_1276 : vector<16xi32>
        %reduce_sum3A_1278 = arith.constant true
        %reduce_sum3A_1279 = vector.broadcast %reduce_sum3A_1278 : i1 to vector<16xi1>
        %reduce_sum3A_1280 = tpu.scan <sum>, %add3A_1272 masked %reduce_sum3A_1279 : vector<16xf32>, vector<16xi1> -> vector<16xf32>
        %reduce_sum3A_1281 = vector.extract %reduce_sum3A_1280[15] : f32 from vector<16xf32>
        %broadcast_in_dim3A_1282 = vector.broadcast %reduce_sum3A_1281 : f32 to vector<16xf32>
        %select_n3A_1283 = arith.select %eq3A_1277, %broadcast_in_dim3A_1282, %select_n3A_1196 : vector<16xi1>, vector<16xf32>
        %reduce_sum3A_1284 = arith.constant true
        %reduce_sum3A_1285 = vector.broadcast %reduce_sum3A_1284 : i1 to vector<16xi1>
        %reduce_sum3A_1286 = tpu.scan <sum>, %add3A_1274 masked %reduce_sum3A_1285 : vector<16xf32>, vector<16xi1> -> vector<16xf32>
        %reduce_sum3A_1287 = vector.extract %reduce_sum3A_1286[15] : f32 from vector<16xf32>
        %broadcast_in_dim3A_1288 = vector.broadcast %reduce_sum3A_1287 : f32 to vector<16xf32>
        %select_n3A_1289 = arith.select %eq3A_1277, %broadcast_in_dim3A_1288, %select_n3A_1202 : vector<16xi1>, vector<16xf32>
        %mul3A_1290 = arith.constant 8 : i32
        %mul3A_1291 = arith.muli %add3A_893, %mul3A_1290 : i32
        %add3A_1292 = arith.constant 4 : i32
        %add3A_1293 = arith.addi %mul3A_1291, %add3A_1292 : i32
        %broadcast_in_dim3A_1294 = arith.constant 0.000000e+00 : f32
        %broadcast_in_dim3A_1295 = vector.broadcast %broadcast_in_dim3A_1294 : f32 to vector<16xf32>
        %broadcast_in_dim3A_1296 = arith.constant 0.000000e+00 : f32
        %broadcast_in_dim3A_1297 = vector.broadcast %broadcast_in_dim3A_1296 : f32 to vector<16xf32>
        %get3A_1298 = arith.index_cast %add3A_1293 : i32 to index
        %get3A_1299 = arith.constant 0 : index
        %get3A_1300 = tpu.vector_load %arg11[%get3A_1298, %get3A_1299] {strides = array<i32>} : memref<256x128xf32, #tpu.memory_space<vmem>>, vector<16xf32>,
        %sub3A_1301 = arith.subf %get3A_896, %get3A_1300 : vector<16xf32>
        %mul3A_1302 = arith.mulf %sub3A_1301, %sub3A_1301 : vector<16xf32>
        %add3A_1303 = arith.addf %broadcast_in_dim3A_1295, %mul3A_1302 : vector<16xf32>
        %mul3A_1304 = arith.mulf %sub3A_1301, %get3A_920 : vector<16xf32>
        %add3A_1305 = arith.addf %broadcast_in_dim3A_1297, %mul3A_1304 : vector<16xf32>
        %get3A_1306 = arith.index_cast %add3A_1293 : i32 to index
        %get3A_1307 = arith.constant 16 : index
        %get3A_1308 = tpu.vector_load %arg11[%get3A_1306, %get3A_1307] {strides = array<i32>} : memref<256x128xf32, #tpu.memory_space<vmem>>, vector<16xf32>,
        %sub3A_1309 = arith.subf %get3A_899, %get3A_1308 : vector<16xf32>
        %mul3A_1310 = arith.mulf %sub3A_1309, %sub3A_1309 : vector<16xf32>
        %add3A_1311 = arith.addf %add3A_1303, %mul3A_1310 : vector<16xf32>
        %mul3A_1312 = arith.mulf %sub3A_1309, %get3A_923 : vector<16xf32>
        %add3A_1313 = arith.addf %add3A_1305, %mul3A_1312 : vector<16xf32>
        %get3A_1314 = arith.index_cast %add3A_1293 : i32 to index
        %get3A_1315 = arith.constant 32 : index
        %get3A_1316 = tpu.vector_load %arg11[%get3A_1314, %get3A_1315] {strides = array<i32>} : memref<256x128xf32, #tpu.memory_space<vmem>>, vector<16xf32>,
        %sub3A_1317 = arith.subf %get3A_902, %get3A_1316 : vector<16xf32>
        %mul3A_1318 = arith.mulf %sub3A_1317, %sub3A_1317 : vector<16xf32>
        %add3A_1319 = arith.addf %add3A_1311, %mul3A_1318 : vector<16xf32>
        %mul3A_1320 = arith.mulf %sub3A_1317, %get3A_926 : vector<16xf32>
        %add3A_1321 = arith.addf %add3A_1313, %mul3A_1320 : vector<16xf32>
        %get3A_1322 = arith.index_cast %add3A_1293 : i32 to index
        %get3A_1323 = arith.constant 48 : index
        %get3A_1324 = tpu.vector_load %arg11[%get3A_1322, %get3A_1323] {strides = array<i32>} : memref<256x128xf32, #tpu.memory_space<vmem>>, vector<16xf32>,
        %sub3A_1325 = arith.subf %get3A_905, %get3A_1324 : vector<16xf32>
        %mul3A_1326 = arith.mulf %sub3A_1325, %sub3A_1325 : vector<16xf32>
        %add3A_1327 = arith.addf %add3A_1319, %mul3A_1326 : vector<16xf32>
        %mul3A_1328 = arith.mulf %sub3A_1325, %get3A_929 : vector<16xf32>
        %add3A_1329 = arith.addf %add3A_1321, %mul3A_1328 : vector<16xf32>
        %get3A_1330 = arith.index_cast %add3A_1293 : i32 to index
        %get3A_1331 = arith.constant 64 : index
        %get3A_1332 = tpu.vector_load %arg11[%get3A_1330, %get3A_1331] {strides = array<i32>} : memref<256x128xf32, #tpu.memory_space<vmem>>, vector<16xf32>,
        %sub3A_1333 = arith.subf %get3A_908, %get3A_1332 : vector<16xf32>
        %mul3A_1334 = arith.mulf %sub3A_1333, %sub3A_1333 : vector<16xf32>
        %add3A_1335 = arith.addf %add3A_1327, %mul3A_1334 : vector<16xf32>
        %mul3A_1336 = arith.mulf %sub3A_1333, %get3A_932 : vector<16xf32>
        %add3A_1337 = arith.addf %add3A_1329, %mul3A_1336 : vector<16xf32>
        %get3A_1338 = arith.index_cast %add3A_1293 : i32 to index
        %get3A_1339 = arith.constant 80 : index
        %get3A_1340 = tpu.vector_load %arg11[%get3A_1338, %get3A_1339] {strides = array<i32>} : memref<256x128xf32, #tpu.memory_space<vmem>>, vector<16xf32>,
        %sub3A_1341 = arith.subf %get3A_911, %get3A_1340 : vector<16xf32>
        %mul3A_1342 = arith.mulf %sub3A_1341, %sub3A_1341 : vector<16xf32>
        %add3A_1343 = arith.addf %add3A_1335, %mul3A_1342 : vector<16xf32>
        %mul3A_1344 = arith.mulf %sub3A_1341, %get3A_935 : vector<16xf32>
        %add3A_1345 = arith.addf %add3A_1337, %mul3A_1344 : vector<16xf32>
        %get3A_1346 = arith.index_cast %add3A_1293 : i32 to index
        %get3A_1347 = arith.constant 96 : index
        %get3A_1348 = tpu.vector_load %arg11[%get3A_1346, %get3A_1347] {strides = array<i32>} : memref<256x128xf32, #tpu.memory_space<vmem>>, vector<16xf32>,
        %sub3A_1349 = arith.subf %get3A_914, %get3A_1348 : vector<16xf32>
        %mul3A_1350 = arith.mulf %sub3A_1349, %sub3A_1349 : vector<16xf32>
        %add3A_1351 = arith.addf %add3A_1343, %mul3A_1350 : vector<16xf32>
        %mul3A_1352 = arith.mulf %sub3A_1349, %get3A_938 : vector<16xf32>
        %add3A_1353 = arith.addf %add3A_1345, %mul3A_1352 : vector<16xf32>
        %get3A_1354 = arith.index_cast %add3A_1293 : i32 to index
        %get3A_1355 = arith.constant 112 : index
        %get3A_1356 = tpu.vector_load %arg11[%get3A_1354, %get3A_1355] {strides = array<i32>} : memref<256x128xf32, #tpu.memory_space<vmem>>, vector<16xf32>,
        %sub3A_1357 = arith.subf %get3A_917, %get3A_1356 : vector<16xf32>
        %mul3A_1358 = arith.mulf %sub3A_1357, %sub3A_1357 : vector<16xf32>
        %add3A_1359 = arith.addf %add3A_1351, %mul3A_1358 : vector<16xf32>
        %mul3A_1360 = arith.mulf %sub3A_1357, %get3A_941 : vector<16xf32>
        %add3A_1361 = arith.addf %add3A_1353, %mul3A_1360 : vector<16xf32>
        %eq3A_1362 = arith.constant 12 : i32
        %eq3A_1363 = vector.broadcast %eq3A_1362 : i32 to vector<16xi32>
        %eq3A_1364 = arith.cmpi eq, %iota3A, %eq3A_1363 : vector<16xi32>
        %reduce_sum3A_1365 = arith.constant true
        %reduce_sum3A_1366 = vector.broadcast %reduce_sum3A_1365 : i1 to vector<16xi1>
        %reduce_sum3A_1367 = tpu.scan <sum>, %add3A_1359 masked %reduce_sum3A_1366 : vector<16xf32>, vector<16xi1> -> vector<16xf32>
        %reduce_sum3A_1368 = vector.extract %reduce_sum3A_1367[15] : f32 from vector<16xf32>
        %broadcast_in_dim3A_1369 = vector.broadcast %reduce_sum3A_1368 : f32 to vector<16xf32>
        %select_n3A_1370 = arith.select %eq3A_1364, %broadcast_in_dim3A_1369, %select_n3A_1283 : vector<16xi1>, vector<16xf32>
        %reduce_sum3A_1371 = arith.constant true
        %reduce_sum3A_1372 = vector.broadcast %reduce_sum3A_1371 : i1 to vector<16xi1>
        %reduce_sum3A_1373 = tpu.scan <sum>, %add3A_1361 masked %reduce_sum3A_1372 : vector<16xf32>, vector<16xi1> -> vector<16xf32>
        %reduce_sum3A_1374 = vector.extract %reduce_sum3A_1373[15] : f32 from vector<16xf32>
        %broadcast_in_dim3A_1375 = vector.broadcast %reduce_sum3A_1374 : f32 to vector<16xf32>
        %select_n3A_1376 = arith.select %eq3A_1364, %broadcast_in_dim3A_1375, %select_n3A_1289 : vector<16xi1>, vector<16xf32>
        %mul3A_1377 = arith.constant 8 : i32
        %mul3A_1378 = arith.muli %add3A_893, %mul3A_1377 : i32
        %add3A_1379 = arith.constant 5 : i32
        %add3A_1380 = arith.addi %mul3A_1378, %add3A_1379 : i32
        %broadcast_in_dim3A_1381 = arith.constant 0.000000e+00 : f32
        %broadcast_in_dim3A_1382 = vector.broadcast %broadcast_in_dim3A_1381 : f32 to vector<16xf32>
        %broadcast_in_dim3A_1383 = arith.constant 0.000000e+00 : f32
        %broadcast_in_dim3A_1384 = vector.broadcast %broadcast_in_dim3A_1383 : f32 to vector<16xf32>
        %get3A_1385 = arith.index_cast %add3A_1380 : i32 to index
        %get3A_1386 = arith.constant 0 : index
        %get3A_1387 = tpu.vector_load %arg11[%get3A_1385, %get3A_1386] {strides = array<i32>} : memref<256x128xf32, #tpu.memory_space<vmem>>, vector<16xf32>,
        %sub3A_1388 = arith.subf %get3A_896, %get3A_1387 : vector<16xf32>
        %mul3A_1389 = arith.mulf %sub3A_1388, %sub3A_1388 : vector<16xf32>
        %add3A_1390 = arith.addf %broadcast_in_dim3A_1382, %mul3A_1389 : vector<16xf32>
        %mul3A_1391 = arith.mulf %sub3A_1388, %get3A_920 : vector<16xf32>
        %add3A_1392 = arith.addf %broadcast_in_dim3A_1384, %mul3A_1391 : vector<16xf32>
        %get3A_1393 = arith.index_cast %add3A_1380 : i32 to index
        %get3A_1394 = arith.constant 16 : index
        %get3A_1395 = tpu.vector_load %arg11[%get3A_1393, %get3A_1394] {strides = array<i32>} : memref<256x128xf32, #tpu.memory_space<vmem>>, vector<16xf32>,
        %sub3A_1396 = arith.subf %get3A_899, %get3A_1395 : vector<16xf32>
        %mul3A_1397 = arith.mulf %sub3A_1396, %sub3A_1396 : vector<16xf32>
        %add3A_1398 = arith.addf %add3A_1390, %mul3A_1397 : vector<16xf32>
        %mul3A_1399 = arith.mulf %sub3A_1396, %get3A_923 : vector<16xf32>
        %add3A_1400 = arith.addf %add3A_1392, %mul3A_1399 : vector<16xf32>
        %get3A_1401 = arith.index_cast %add3A_1380 : i32 to index
        %get3A_1402 = arith.constant 32 : index
        %get3A_1403 = tpu.vector_load %arg11[%get3A_1401, %get3A_1402] {strides = array<i32>} : memref<256x128xf32, #tpu.memory_space<vmem>>, vector<16xf32>,
        %sub3A_1404 = arith.subf %get3A_902, %get3A_1403 : vector<16xf32>
        %mul3A_1405 = arith.mulf %sub3A_1404, %sub3A_1404 : vector<16xf32>
        %add3A_1406 = arith.addf %add3A_1398, %mul3A_1405 : vector<16xf32>
        %mul3A_1407 = arith.mulf %sub3A_1404, %get3A_926 : vector<16xf32>
        %add3A_1408 = arith.addf %add3A_1400, %mul3A_1407 : vector<16xf32>
        %get3A_1409 = arith.index_cast %add3A_1380 : i32 to index
        %get3A_1410 = arith.constant 48 : index
        %get3A_1411 = tpu.vector_load %arg11[%get3A_1409, %get3A_1410] {strides = array<i32>} : memref<256x128xf32, #tpu.memory_space<vmem>>, vector<16xf32>,
        %sub3A_1412 = arith.subf %get3A_905, %get3A_1411 : vector<16xf32>
        %mul3A_1413 = arith.mulf %sub3A_1412, %sub3A_1412 : vector<16xf32>
        %add3A_1414 = arith.addf %add3A_1406, %mul3A_1413 : vector<16xf32>
        %mul3A_1415 = arith.mulf %sub3A_1412, %get3A_929 : vector<16xf32>
        %add3A_1416 = arith.addf %add3A_1408, %mul3A_1415 : vector<16xf32>
        %get3A_1417 = arith.index_cast %add3A_1380 : i32 to index
        %get3A_1418 = arith.constant 64 : index
        %get3A_1419 = tpu.vector_load %arg11[%get3A_1417, %get3A_1418] {strides = array<i32>} : memref<256x128xf32, #tpu.memory_space<vmem>>, vector<16xf32>,
        %sub3A_1420 = arith.subf %get3A_908, %get3A_1419 : vector<16xf32>
        %mul3A_1421 = arith.mulf %sub3A_1420, %sub3A_1420 : vector<16xf32>
        %add3A_1422 = arith.addf %add3A_1414, %mul3A_1421 : vector<16xf32>
        %mul3A_1423 = arith.mulf %sub3A_1420, %get3A_932 : vector<16xf32>
        %add3A_1424 = arith.addf %add3A_1416, %mul3A_1423 : vector<16xf32>
        %get3A_1425 = arith.index_cast %add3A_1380 : i32 to index
        %get3A_1426 = arith.constant 80 : index
        %get3A_1427 = tpu.vector_load %arg11[%get3A_1425, %get3A_1426] {strides = array<i32>} : memref<256x128xf32, #tpu.memory_space<vmem>>, vector<16xf32>,
        %sub3A_1428 = arith.subf %get3A_911, %get3A_1427 : vector<16xf32>
        %mul3A_1429 = arith.mulf %sub3A_1428, %sub3A_1428 : vector<16xf32>
        %add3A_1430 = arith.addf %add3A_1422, %mul3A_1429 : vector<16xf32>
        %mul3A_1431 = arith.mulf %sub3A_1428, %get3A_935 : vector<16xf32>
        %add3A_1432 = arith.addf %add3A_1424, %mul3A_1431 : vector<16xf32>
        %get3A_1433 = arith.index_cast %add3A_1380 : i32 to index
        %get3A_1434 = arith.constant 96 : index
        %get3A_1435 = tpu.vector_load %arg11[%get3A_1433, %get3A_1434] {strides = array<i32>} : memref<256x128xf32, #tpu.memory_space<vmem>>, vector<16xf32>,
        %sub3A_1436 = arith.subf %get3A_914, %get3A_1435 : vector<16xf32>
        %mul3A_1437 = arith.mulf %sub3A_1436, %sub3A_1436 : vector<16xf32>
        %add3A_1438 = arith.addf %add3A_1430, %mul3A_1437 : vector<16xf32>
        %mul3A_1439 = arith.mulf %sub3A_1436, %get3A_938 : vector<16xf32>
        %add3A_1440 = arith.addf %add3A_1432, %mul3A_1439 : vector<16xf32>
        %get3A_1441 = arith.index_cast %add3A_1380 : i32 to index
        %get3A_1442 = arith.constant 112 : index
        %get3A_1443 = tpu.vector_load %arg11[%get3A_1441, %get3A_1442] {strides = array<i32>} : memref<256x128xf32, #tpu.memory_space<vmem>>, vector<16xf32>,
        %sub3A_1444 = arith.subf %get3A_917, %get3A_1443 : vector<16xf32>
        %mul3A_1445 = arith.mulf %sub3A_1444, %sub3A_1444 : vector<16xf32>
        %add3A_1446 = arith.addf %add3A_1438, %mul3A_1445 : vector<16xf32>
        %mul3A_1447 = arith.mulf %sub3A_1444, %get3A_941 : vector<16xf32>
        %add3A_1448 = arith.addf %add3A_1440, %mul3A_1447 : vector<16xf32>
        %eq3A_1449 = arith.constant 13 : i32
        %eq3A_1450 = vector.broadcast %eq3A_1449 : i32 to vector<16xi32>
        %eq3A_1451 = arith.cmpi eq, %iota3A, %eq3A_1450 : vector<16xi32>
        %reduce_sum3A_1452 = arith.constant true
        %reduce_sum3A_1453 = vector.broadcast %reduce_sum3A_1452 : i1 to vector<16xi1>
        %reduce_sum3A_1454 = tpu.scan <sum>, %add3A_1446 masked %reduce_sum3A_1453 : vector<16xf32>, vector<16xi1> -> vector<16xf32>
        %reduce_sum3A_1455 = vector.extract %reduce_sum3A_1454[15] : f32 from vector<16xf32>
        %broadcast_in_dim3A_1456 = vector.broadcast %reduce_sum3A_1455 : f32 to vector<16xf32>
        %select_n3A_1457 = arith.select %eq3A_1451, %broadcast_in_dim3A_1456, %select_n3A_1370 : vector<16xi1>, vector<16xf32>
        %reduce_sum3A_1458 = arith.constant true
        %reduce_sum3A_1459 = vector.broadcast %reduce_sum3A_1458 : i1 to vector<16xi1>
        %reduce_sum3A_1460 = tpu.scan <sum>, %add3A_1448 masked %reduce_sum3A_1459 : vector<16xf32>, vector<16xi1> -> vector<16xf32>
        %reduce_sum3A_1461 = vector.extract %reduce_sum3A_1460[15] : f32 from vector<16xf32>
        %broadcast_in_dim3A_1462 = vector.broadcast %reduce_sum3A_1461 : f32 to vector<16xf32>
        %select_n3A_1463 = arith.select %eq3A_1451, %broadcast_in_dim3A_1462, %select_n3A_1376 : vector<16xi1>, vector<16xf32>
        %mul3A_1464 = arith.constant 8 : i32
        %mul3A_1465 = arith.muli %add3A_893, %mul3A_1464 : i32
        %add3A_1466 = arith.constant 6 : i32
        %add3A_1467 = arith.addi %mul3A_1465, %add3A_1466 : i32
        %broadcast_in_dim3A_1468 = arith.constant 0.000000e+00 : f32
        %broadcast_in_dim3A_1469 = vector.broadcast %broadcast_in_dim3A_1468 : f32 to vector<16xf32>
        %broadcast_in_dim3A_1470 = arith.constant 0.000000e+00 : f32
        %broadcast_in_dim3A_1471 = vector.broadcast %broadcast_in_dim3A_1470 : f32 to vector<16xf32>
        %get3A_1472 = arith.index_cast %add3A_1467 : i32 to index
        %get3A_1473 = arith.constant 0 : index
        %get3A_1474 = tpu.vector_load %arg11[%get3A_1472, %get3A_1473] {strides = array<i32>} : memref<256x128xf32, #tpu.memory_space<vmem>>, vector<16xf32>,
        %sub3A_1475 = arith.subf %get3A_896, %get3A_1474 : vector<16xf32>
        %mul3A_1476 = arith.mulf %sub3A_1475, %sub3A_1475 : vector<16xf32>
        %add3A_1477 = arith.addf %broadcast_in_dim3A_1469, %mul3A_1476 : vector<16xf32>
        %mul3A_1478 = arith.mulf %sub3A_1475, %get3A_920 : vector<16xf32>
        %add3A_1479 = arith.addf %broadcast_in_dim3A_1471, %mul3A_1478 : vector<16xf32>
        %get3A_1480 = arith.index_cast %add3A_1467 : i32 to index
        %get3A_1481 = arith.constant 16 : index
        %get3A_1482 = tpu.vector_load %arg11[%get3A_1480, %get3A_1481] {strides = array<i32>} : memref<256x128xf32, #tpu.memory_space<vmem>>, vector<16xf32>,
        %sub3A_1483 = arith.subf %get3A_899, %get3A_1482 : vector<16xf32>
        %mul3A_1484 = arith.mulf %sub3A_1483, %sub3A_1483 : vector<16xf32>
        %add3A_1485 = arith.addf %add3A_1477, %mul3A_1484 : vector<16xf32>
        %mul3A_1486 = arith.mulf %sub3A_1483, %get3A_923 : vector<16xf32>
        %add3A_1487 = arith.addf %add3A_1479, %mul3A_1486 : vector<16xf32>
        %get3A_1488 = arith.index_cast %add3A_1467 : i32 to index
        %get3A_1489 = arith.constant 32 : index
        %get3A_1490 = tpu.vector_load %arg11[%get3A_1488, %get3A_1489] {strides = array<i32>} : memref<256x128xf32, #tpu.memory_space<vmem>>, vector<16xf32>,
        %sub3A_1491 = arith.subf %get3A_902, %get3A_1490 : vector<16xf32>
        %mul3A_1492 = arith.mulf %sub3A_1491, %sub3A_1491 : vector<16xf32>
        %add3A_1493 = arith.addf %add3A_1485, %mul3A_1492 : vector<16xf32>
        %mul3A_1494 = arith.mulf %sub3A_1491, %get3A_926 : vector<16xf32>
        %add3A_1495 = arith.addf %add3A_1487, %mul3A_1494 : vector<16xf32>
        %get3A_1496 = arith.index_cast %add3A_1467 : i32 to index
        %get3A_1497 = arith.constant 48 : index
        %get3A_1498 = tpu.vector_load %arg11[%get3A_1496, %get3A_1497] {strides = array<i32>} : memref<256x128xf32, #tpu.memory_space<vmem>>, vector<16xf32>,
        %sub3A_1499 = arith.subf %get3A_905, %get3A_1498 : vector<16xf32>
        %mul3A_1500 = arith.mulf %sub3A_1499, %sub3A_1499 : vector<16xf32>
        %add3A_1501 = arith.addf %add3A_1493, %mul3A_1500 : vector<16xf32>
        %mul3A_1502 = arith.mulf %sub3A_1499, %get3A_929 : vector<16xf32>
        %add3A_1503 = arith.addf %add3A_1495, %mul3A_1502 : vector<16xf32>
        %get3A_1504 = arith.index_cast %add3A_1467 : i32 to index
        %get3A_1505 = arith.constant 64 : index
        %get3A_1506 = tpu.vector_load %arg11[%get3A_1504, %get3A_1505] {strides = array<i32>} : memref<256x128xf32, #tpu.memory_space<vmem>>, vector<16xf32>,
        %sub3A_1507 = arith.subf %get3A_908, %get3A_1506 : vector<16xf32>
        %mul3A_1508 = arith.mulf %sub3A_1507, %sub3A_1507 : vector<16xf32>
        %add3A_1509 = arith.addf %add3A_1501, %mul3A_1508 : vector<16xf32>
        %mul3A_1510 = arith.mulf %sub3A_1507, %get3A_932 : vector<16xf32>
        %add3A_1511 = arith.addf %add3A_1503, %mul3A_1510 : vector<16xf32>
        %get3A_1512 = arith.index_cast %add3A_1467 : i32 to index
        %get3A_1513 = arith.constant 80 : index
        %get3A_1514 = tpu.vector_load %arg11[%get3A_1512, %get3A_1513] {strides = array<i32>} : memref<256x128xf32, #tpu.memory_space<vmem>>, vector<16xf32>,
        %sub3A_1515 = arith.subf %get3A_911, %get3A_1514 : vector<16xf32>
        %mul3A_1516 = arith.mulf %sub3A_1515, %sub3A_1515 : vector<16xf32>
        %add3A_1517 = arith.addf %add3A_1509, %mul3A_1516 : vector<16xf32>
        %mul3A_1518 = arith.mulf %sub3A_1515, %get3A_935 : vector<16xf32>
        %add3A_1519 = arith.addf %add3A_1511, %mul3A_1518 : vector<16xf32>
        %get3A_1520 = arith.index_cast %add3A_1467 : i32 to index
        %get3A_1521 = arith.constant 96 : index
        %get3A_1522 = tpu.vector_load %arg11[%get3A_1520, %get3A_1521] {strides = array<i32>} : memref<256x128xf32, #tpu.memory_space<vmem>>, vector<16xf32>,
        %sub3A_1523 = arith.subf %get3A_914, %get3A_1522 : vector<16xf32>
        %mul3A_1524 = arith.mulf %sub3A_1523, %sub3A_1523 : vector<16xf32>
        %add3A_1525 = arith.addf %add3A_1517, %mul3A_1524 : vector<16xf32>
        %mul3A_1526 = arith.mulf %sub3A_1523, %get3A_938 : vector<16xf32>
        %add3A_1527 = arith.addf %add3A_1519, %mul3A_1526 : vector<16xf32>
        %get3A_1528 = arith.index_cast %add3A_1467 : i32 to index
        %get3A_1529 = arith.constant 112 : index
        %get3A_1530 = tpu.vector_load %arg11[%get3A_1528, %get3A_1529] {strides = array<i32>} : memref<256x128xf32, #tpu.memory_space<vmem>>, vector<16xf32>,
        %sub3A_1531 = arith.subf %get3A_917, %get3A_1530 : vector<16xf32>
        %mul3A_1532 = arith.mulf %sub3A_1531, %sub3A_1531 : vector<16xf32>
        %add3A_1533 = arith.addf %add3A_1525, %mul3A_1532 : vector<16xf32>
        %mul3A_1534 = arith.mulf %sub3A_1531, %get3A_941 : vector<16xf32>
        %add3A_1535 = arith.addf %add3A_1527, %mul3A_1534 : vector<16xf32>
        %eq3A_1536 = arith.constant 14 : i32
        %eq3A_1537 = vector.broadcast %eq3A_1536 : i32 to vector<16xi32>
        %eq3A_1538 = arith.cmpi eq, %iota3A, %eq3A_1537 : vector<16xi32>
        %reduce_sum3A_1539 = arith.constant true
        %reduce_sum3A_1540 = vector.broadcast %reduce_sum3A_1539 : i1 to vector<16xi1>
        %reduce_sum3A_1541 = tpu.scan <sum>, %add3A_1533 masked %reduce_sum3A_1540 : vector<16xf32>, vector<16xi1> -> vector<16xf32>
        %reduce_sum3A_1542 = vector.extract %reduce_sum3A_1541[15] : f32 from vector<16xf32>
        %broadcast_in_dim3A_1543 = vector.broadcast %reduce_sum3A_1542 : f32 to vector<16xf32>
        %select_n3A_1544 = arith.select %eq3A_1538, %broadcast_in_dim3A_1543, %select_n3A_1457 : vector<16xi1>, vector<16xf32>
        %reduce_sum3A_1545 = arith.constant true
        %reduce_sum3A_1546 = vector.broadcast %reduce_sum3A_1545 : i1 to vector<16xi1>
        %reduce_sum3A_1547 = tpu.scan <sum>, %add3A_1535 masked %reduce_sum3A_1546 : vector<16xf32>, vector<16xi1> -> vector<16xf32>
        %reduce_sum3A_1548 = vector.extract %reduce_sum3A_1547[15] : f32 from vector<16xf32>
        %broadcast_in_dim3A_1549 = vector.broadcast %reduce_sum3A_1548 : f32 to vector<16xf32>
        %select_n3A_1550 = arith.select %eq3A_1538, %broadcast_in_dim3A_1549, %select_n3A_1463 : vector<16xi1>, vector<16xf32>
        %mul3A_1551 = arith.constant 8 : i32
        %mul3A_1552 = arith.muli %add3A_893, %mul3A_1551 : i32
        %add3A_1553 = arith.constant 7 : i32
        %add3A_1554 = arith.addi %mul3A_1552, %add3A_1553 : i32
        %broadcast_in_dim3A_1555 = arith.constant 0.000000e+00 : f32
        %broadcast_in_dim3A_1556 = vector.broadcast %broadcast_in_dim3A_1555 : f32 to vector<16xf32>
        %broadcast_in_dim3A_1557 = arith.constant 0.000000e+00 : f32
        %broadcast_in_dim3A_1558 = vector.broadcast %broadcast_in_dim3A_1557 : f32 to vector<16xf32>
        %get3A_1559 = arith.index_cast %add3A_1554 : i32 to index
        %get3A_1560 = arith.constant 0 : index
        %get3A_1561 = tpu.vector_load %arg11[%get3A_1559, %get3A_1560] {strides = array<i32>} : memref<256x128xf32, #tpu.memory_space<vmem>>, vector<16xf32>,
        %sub3A_1562 = arith.subf %get3A_896, %get3A_1561 : vector<16xf32>
        %mul3A_1563 = arith.mulf %sub3A_1562, %sub3A_1562 : vector<16xf32>
        %add3A_1564 = arith.addf %broadcast_in_dim3A_1556, %mul3A_1563 : vector<16xf32>
        %mul3A_1565 = arith.mulf %sub3A_1562, %get3A_920 : vector<16xf32>
        %add3A_1566 = arith.addf %broadcast_in_dim3A_1558, %mul3A_1565 : vector<16xf32>
        %get3A_1567 = arith.index_cast %add3A_1554 : i32 to index
        %get3A_1568 = arith.constant 16 : index
        %get3A_1569 = tpu.vector_load %arg11[%get3A_1567, %get3A_1568] {strides = array<i32>} : memref<256x128xf32, #tpu.memory_space<vmem>>, vector<16xf32>,
        %sub3A_1570 = arith.subf %get3A_899, %get3A_1569 : vector<16xf32>
        %mul3A_1571 = arith.mulf %sub3A_1570, %sub3A_1570 : vector<16xf32>
        %add3A_1572 = arith.addf %add3A_1564, %mul3A_1571 : vector<16xf32>
        %mul3A_1573 = arith.mulf %sub3A_1570, %get3A_923 : vector<16xf32>
        %add3A_1574 = arith.addf %add3A_1566, %mul3A_1573 : vector<16xf32>
        %get3A_1575 = arith.index_cast %add3A_1554 : i32 to index
        %get3A_1576 = arith.constant 32 : index
        %get3A_1577 = tpu.vector_load %arg11[%get3A_1575, %get3A_1576] {strides = array<i32>} : memref<256x128xf32, #tpu.memory_space<vmem>>, vector<16xf32>,
        %sub3A_1578 = arith.subf %get3A_902, %get3A_1577 : vector<16xf32>
        %mul3A_1579 = arith.mulf %sub3A_1578, %sub3A_1578 : vector<16xf32>
        %add3A_1580 = arith.addf %add3A_1572, %mul3A_1579 : vector<16xf32>
        %mul3A_1581 = arith.mulf %sub3A_1578, %get3A_926 : vector<16xf32>
        %add3A_1582 = arith.addf %add3A_1574, %mul3A_1581 : vector<16xf32>
        %get3A_1583 = arith.index_cast %add3A_1554 : i32 to index
        %get3A_1584 = arith.constant 48 : index
        %get3A_1585 = tpu.vector_load %arg11[%get3A_1583, %get3A_1584] {strides = array<i32>} : memref<256x128xf32, #tpu.memory_space<vmem>>, vector<16xf32>,
        %sub3A_1586 = arith.subf %get3A_905, %get3A_1585 : vector<16xf32>
        %mul3A_1587 = arith.mulf %sub3A_1586, %sub3A_1586 : vector<16xf32>
        %add3A_1588 = arith.addf %add3A_1580, %mul3A_1587 : vector<16xf32>
        %mul3A_1589 = arith.mulf %sub3A_1586, %get3A_929 : vector<16xf32>
        %add3A_1590 = arith.addf %add3A_1582, %mul3A_1589 : vector<16xf32>
        %get3A_1591 = arith.index_cast %add3A_1554 : i32 to index
        %get3A_1592 = arith.constant 64 : index
        %get3A_1593 = tpu.vector_load %arg11[%get3A_1591, %get3A_1592] {strides = array<i32>} : memref<256x128xf32, #tpu.memory_space<vmem>>, vector<16xf32>,
        %sub3A_1594 = arith.subf %get3A_908, %get3A_1593 : vector<16xf32>
        %mul3A_1595 = arith.mulf %sub3A_1594, %sub3A_1594 : vector<16xf32>
        %add3A_1596 = arith.addf %add3A_1588, %mul3A_1595 : vector<16xf32>
        %mul3A_1597 = arith.mulf %sub3A_1594, %get3A_932 : vector<16xf32>
        %add3A_1598 = arith.addf %add3A_1590, %mul3A_1597 : vector<16xf32>
        %get3A_1599 = arith.index_cast %add3A_1554 : i32 to index
        %get3A_1600 = arith.constant 80 : index
        %get3A_1601 = tpu.vector_load %arg11[%get3A_1599, %get3A_1600] {strides = array<i32>} : memref<256x128xf32, #tpu.memory_space<vmem>>, vector<16xf32>,
        %sub3A_1602 = arith.subf %get3A_911, %get3A_1601 : vector<16xf32>
        %mul3A_1603 = arith.mulf %sub3A_1602, %sub3A_1602 : vector<16xf32>
        %add3A_1604 = arith.addf %add3A_1596, %mul3A_1603 : vector<16xf32>
        %mul3A_1605 = arith.mulf %sub3A_1602, %get3A_935 : vector<16xf32>
        %add3A_1606 = arith.addf %add3A_1598, %mul3A_1605 : vector<16xf32>
        %get3A_1607 = arith.index_cast %add3A_1554 : i32 to index
        %get3A_1608 = arith.constant 96 : index
        %get3A_1609 = tpu.vector_load %arg11[%get3A_1607, %get3A_1608] {strides = array<i32>} : memref<256x128xf32, #tpu.memory_space<vmem>>, vector<16xf32>,
        %sub3A_1610 = arith.subf %get3A_914, %get3A_1609 : vector<16xf32>
        %mul3A_1611 = arith.mulf %sub3A_1610, %sub3A_1610 : vector<16xf32>
        %add3A_1612 = arith.addf %add3A_1604, %mul3A_1611 : vector<16xf32>
        %mul3A_1613 = arith.mulf %sub3A_1610, %get3A_938 : vector<16xf32>
        %add3A_1614 = arith.addf %add3A_1606, %mul3A_1613 : vector<16xf32>
        %get3A_1615 = arith.index_cast %add3A_1554 : i32 to index
        %get3A_1616 = arith.constant 112 : index
        %get3A_1617 = tpu.vector_load %arg11[%get3A_1615, %get3A_1616] {strides = array<i32>} : memref<256x128xf32, #tpu.memory_space<vmem>>, vector<16xf32>,
        %sub3A_1618 = arith.subf %get3A_917, %get3A_1617 : vector<16xf32>
        %mul3A_1619 = arith.mulf %sub3A_1618, %sub3A_1618 : vector<16xf32>
        %add3A_1620 = arith.addf %add3A_1612, %mul3A_1619 : vector<16xf32>
        %mul3A_1621 = arith.mulf %sub3A_1618, %get3A_941 : vector<16xf32>
        %add3A_1622 = arith.addf %add3A_1614, %mul3A_1621 : vector<16xf32>
        %eq3A_1623 = arith.constant 15 : i32
        %eq3A_1624 = vector.broadcast %eq3A_1623 : i32 to vector<16xi32>
        %eq3A_1625 = arith.cmpi eq, %iota3A, %eq3A_1624 : vector<16xi32>
        %reduce_sum3A_1626 = arith.constant true
        %reduce_sum3A_1627 = vector.broadcast %reduce_sum3A_1626 : i1 to vector<16xi1>
        %reduce_sum3A_1628 = tpu.scan <sum>, %add3A_1620 masked %reduce_sum3A_1627 : vector<16xf32>, vector<16xi1> -> vector<16xf32>
        %reduce_sum3A_1629 = vector.extract %reduce_sum3A_1628[15] : f32 from vector<16xf32>
        %broadcast_in_dim3A_1630 = vector.broadcast %reduce_sum3A_1629 : f32 to vector<16xf32>
        %select_n3A_1631 = arith.select %eq3A_1625, %broadcast_in_dim3A_1630, %select_n3A_1544 : vector<16xi1>, vector<16xf32>
        %reduce_sum3A_1632 = arith.constant true
        %reduce_sum3A_1633 = vector.broadcast %reduce_sum3A_1632 : i1 to vector<16xi1>
        %reduce_sum3A_1634 = tpu.scan <sum>, %add3A_1622 masked %reduce_sum3A_1633 : vector<16xf32>, vector<16xi1> -> vector<16xf32>
        %reduce_sum3A_1635 = vector.extract %reduce_sum3A_1634[15] : f32 from vector<16xf32>
        %broadcast_in_dim3A_1636 = vector.broadcast %reduce_sum3A_1635 : f32 to vector<16xf32>
        %select_n3A_1637 = arith.select %eq3A_1625, %broadcast_in_dim3A_1636, %select_n3A_1550 : vector<16xi1>, vector<16xf32>
        %mul3A_1638 = arith.constant 16 : i32
        %mul3A_1639 = arith.muli %scan3A_140, %mul3A_1638 : i32
        %swap3A_1640 = arith.index_cast %mul3A_1639 : i32 to index
        %swap3A_1641 = tpu.vector_load %arg12[%swap3A_1640] {strides = array<i32>} : memref<256xf32, #tpu.memory_space<vmem>>, vector<16xf32>,
        tpu.vector_store %arg12[%swap3A_1640], %select_n3A_1631 {strides = array<i32>} : memref<256xf32, #tpu.memory_space<vmem>>, vector<16xf32>,
        %swap3A_1642 = arith.index_cast %mul3A_1639 : i32 to index
        %swap3A_1643 = tpu.vector_load %arg13[%swap3A_1642] {strides = array<i32>} : memref<256xf32, #tpu.memory_space<vmem>>, vector<16xf32>,
        tpu.vector_store %arg13[%swap3A_1642], %select_n3A_1637 {strides = array<i32>} : memref<256xf32, #tpu.memory_space<vmem>>, vector<16xf32>,
      }
      %scan3A_135 = arith.constant 16 : i32
      %mul3A_136 = arith.constant 8 : i32
      %mul3A_137 = arith.muli %add3A_29, %mul3A_136 : i32
      "tpu.region"() ({
        %run_scoped3A = tpu.sem_alloc : memref<!tpu.dma_semaphore, #tpu.memory_space<semaphore_mem>>
        %dma_start3A_140 = tpu.memref_slice %arg6[%mul3A_137] : memref<32768xf32, #tpu.memory_space<hbm>> -> memref<256xf32, #tpu.memory_space<hbm>>
        %dma_start3A_141 = tpu.memref_slice %arg6[%mul3A_137] : memref<32768xf32, #tpu.memory_space<hbm>> -> memref<256xf32, #tpu.memory_space<hbm>>
        tpu.enqueue_dma source(%arg12 : memref<256xf32, #tpu.memory_space<vmem>>) target(%dma_start3A_141 : memref<256xf32, #tpu.memory_space<hbm>>) target_semaphore(%run_scoped3A : memref<!tpu.dma_semaphore, #tpu.memory_space<semaphore_mem>>)
        %dma_wait3A_142 = tpu.memref_slice %arg6[%mul3A_137] : memref<32768xf32, #tpu.memory_space<hbm>> -> memref<256xf32, #tpu.memory_space<hbm>>
        %dma_wait3A_143 = tpu.memref_slice %arg6[%mul3A_137] : memref<32768xf32, #tpu.memory_space<hbm>> -> memref<256xf32, #tpu.memory_space<hbm>>
        tpu.wait_dma2 semaphore(%run_scoped3A : memref<!tpu.dma_semaphore, #tpu.memory_space<semaphore_mem>>) src(%arg12 : memref<256xf32, #tpu.memory_space<vmem>>) dst(%dma_wait3A_143 : memref<256xf32, #tpu.memory_space<hbm>>)
        tpu.yield
      }) : () -> ()
      %mul3A_138 = arith.constant 8 : i32
      %mul3A_139 = arith.muli %add3A_29, %mul3A_138 : i32
      "tpu.region"() ({
        %run_scoped3A = tpu.sem_alloc : memref<!tpu.dma_semaphore, #tpu.memory_space<semaphore_mem>>
        %dma_start3A_140 = tpu.memref_slice %arg7[%mul3A_139] : memref<32768xf32, #tpu.memory_space<hbm>> -> memref<256xf32, #tpu.memory_space<hbm>>
        %dma_start3A_141 = tpu.memref_slice %arg7[%mul3A_139] : memref<32768xf32, #tpu.memory_space<hbm>> -> memref<256xf32, #tpu.memory_space<hbm>>
        tpu.enqueue_dma source(%arg13 : memref<256xf32, #tpu.memory_space<vmem>>) target(%dma_start3A_141 : memref<256xf32, #tpu.memory_space<hbm>>) target_semaphore(%run_scoped3A : memref<!tpu.dma_semaphore, #tpu.memory_space<semaphore_mem>>)
        %dma_wait3A_142 = tpu.memref_slice %arg7[%mul3A_139] : memref<32768xf32, #tpu.memory_space<hbm>> -> memref<256xf32, #tpu.memory_space<hbm>>
        %dma_wait3A_143 = tpu.memref_slice %arg7[%mul3A_139] : memref<32768xf32, #tpu.memory_space<hbm>> -> memref<256xf32, #tpu.memory_space<hbm>>
        tpu.wait_dma2 semaphore(%run_scoped3A : memref<!tpu.dma_semaphore, #tpu.memory_space<semaphore_mem>>) src(%arg13 : memref<256xf32, #tpu.memory_space<vmem>>) dst(%dma_wait3A_143 : memref<256xf32, #tpu.memory_space<hbm>>)
        tpu.yield
      }) : () -> ()
    }
    %scan3A_23 = arith.constant 4 : i32
    return
  }
}

module attributes {stable_mosaic.version = 14 : i64} {
  func.func @_topk_body(%arg0: i32, %arg1: i32, %arg2: memref<1x256x128xf32, #tpu.memory_space<vmem>>, %arg3: memref<1x10000x128xf32, #tpu.memory_space<vmem>>, %arg4: memref<1x1x256xi32, #tpu.memory_space<vmem>>, %arg5: memref<1x256x8xi32, #tpu.memory_space<vmem>>) attributes {dimension_semantics = [#tpu.dimension_semantics<arbitrary>, #tpu.dimension_semantics<arbitrary>], iteration_bounds = array<i64: 4, 4>, scalar_prefetch = 0 : i64, scratch_operands = 0 : i64, tpu.core_type = #tpu.core_type<tc>, window_params = [{transform_indices = @transform_0, window_bounds = array<i64: 1, 256, 128>}, {transform_indices = @transform_1, window_bounds = array<i64: 1, 10000, 128>}, {transform_indices = @transform_2, window_bounds = array<i64: 1, 1, 256>}, {transform_indices = @transform_3, window_bounds = array<i64: 1, 256, 8>}]} {
    %get3A = arith.constant 0 : index
    %get3A_0 = arith.constant 0 : index
    %get3A_1 = arith.constant 0 : index
    %get3A_2 = vector.load %arg2[%get3A, %get3A_0, %get3A_1] : memref<1x256x128xf32, #tpu.memory_space<vmem>>, vector<1x256x128xf32>
    %get3A_3 = vector.shape_cast %get3A_2 : vector<1x256x128xf32> to vector<256x128xf32>
    %get3A_4 = arith.constant 0 : index
    %get3A_5 = arith.constant 0 : index
    %get3A_6 = arith.constant 0 : index
    %get3A_7 = vector.load %arg3[%get3A_4, %get3A_5, %get3A_6] : memref<1x10000x128xf32, #tpu.memory_space<vmem>>, vector<1x10000x128xf32>
    %get3A_8 = vector.shape_cast %get3A_7 : vector<1x10000x128xf32> to vector<10000x128xf32>
    %mul3A = arith.mulf %get3A_3, %get3A_3 : vector<256x128xf32>
    %reduce_sum3A = arith.constant dense<0.000000e+00> : vector<256xf32>
    %reduce_sum3A_9 = vector.multi_reduction <add>, %mul3A, %reduce_sum3A [1] : vector<256x128xf32> to vector<256xf32>
    %broadcast_in_dim3A = vector.shape_cast %reduce_sum3A_9 : vector<256xf32> to vector<256x1xf32>
    %mul3A_10 = arith.mulf %get3A_8, %get3A_8 : vector<10000x128xf32>
    %reduce_sum3A_11 = arith.constant dense<0.000000e+00> : vector<10000xf32>
    %reduce_sum3A_12 = vector.multi_reduction <add>, %mul3A_10, %reduce_sum3A_11 [1] : vector<10000x128xf32> to vector<10000xf32>
    %dot_general3A = arith.constant dense<0.000000e+00> : vector<256x10000xf32>
    %dot_general3A_13 = tpu.matmul %get3A_3, %get3A_8, %dot_general3A {dimension_numbers = #tpu.dot_dimension_numbers<[1], [1], [0], [0], [0, 0, 1, 0], [], []>, transpose_lhs_hint = false} : vector<256x128xf32>, vector<10000x128xf32>, vector<256x10000xf32> -> vector<256x10000xf32>
    %broadcast_in_dim3A_14 = vector.shape_cast %reduce_sum3A_12 : vector<10000xf32> to vector<1x10000xf32>
    %add3A = vector.broadcast %broadcast_in_dim3A : vector<256x1xf32> to vector<256x10000xf32>
    %add3A_15 = vector.broadcast %broadcast_in_dim3A_14 : vector<1x10000xf32> to vector<256x10000xf32>
    %add3A_16 = arith.addf %add3A, %add3A_15 : vector<256x10000xf32>
    %mul3A_17 = arith.constant 2.000000e+00 : f32
    %mul3A_18 = vector.broadcast %mul3A_17 : f32 to vector<256x10000xf32>
    %mul3A_19 = arith.mulf %mul3A_18, %dot_general3A_13 : vector<256x10000xf32>
    %sub3A = arith.subf %add3A_16, %mul3A_19 : vector<256x10000xf32>
    %max3A = arith.constant 0.000000e+00 : f32
    %max3A_20 = vector.broadcast %max3A : f32 to vector<256x10000xf32>
    %max3A_21 = arith.maximumf %sub3A, %max3A_20 : vector<256x10000xf32>
    %iota3A = tpu.iota {dimensions = array<i32: 1>} : vector<256x10000xi32>
    %get3A_22 = arith.constant 0 : index
    %get3A_23 = arith.constant 0 : index
    %get3A_24 = arith.constant 0 : index
    %get3A_25 = vector.load %arg4[%get3A_22, %get3A_23, %get3A_24] : memref<1x1x256xi32, #tpu.memory_space<vmem>>, vector<1x1x256xi32>
    %get3A_26 = vector.shape_cast %get3A_25 : vector<1x1x256xi32> to vector<256xi32>
    %broadcast_in_dim3A_27 = vector.shape_cast %get3A_26 : vector<256xi32> to vector<256x1xi32>
    %eq3A = vector.broadcast %broadcast_in_dim3A_27 : vector<256x1xi32> to vector<256x10000xi32>
    %eq3A_28 = arith.cmpi eq, %iota3A, %eq3A : vector<256x10000xi32>
    %jit3A = arith.constant 0x7F800000 : f32
    %broadcast_in_dim3A_29 = vector.broadcast %jit3A : f32 to vector<256x10000xf32>
    %select_n3A = arith.select %eq3A_28, %broadcast_in_dim3A_29, %max3A_21 : vector<256x10000xi1>, vector<256x10000xf32>
    %argmin3A = tpu.reduce_index %select_n3A {axis = 1 : i32, kind = #tpu.reduction_kind<arg_min>} : vector<256x10000xf32> -> vector<256xi32>
    %broadcast_in_dim3A_30 = vector.shape_cast %argmin3A : vector<256xi32> to vector<256x1xi32>
    %eq3A_31 = vector.broadcast %broadcast_in_dim3A_30 : vector<256x1xi32> to vector<256x10000xi32>
    %eq3A_32 = arith.cmpi eq, %iota3A, %eq3A_31 : vector<256x10000xi32>
    %jit3A_33 = arith.constant 0x7F800000 : f32
    %broadcast_in_dim3A_34 = vector.broadcast %jit3A_33 : f32 to vector<256x10000xf32>
    %select_n3A_35 = arith.select %eq3A_32, %broadcast_in_dim3A_34, %select_n3A : vector<256x10000xi1>, vector<256x10000xf32>
    %argmin3A_36 = tpu.reduce_index %select_n3A_35 {axis = 1 : i32, kind = #tpu.reduction_kind<arg_min>} : vector<256x10000xf32> -> vector<256xi32>
    %broadcast_in_dim3A_37 = vector.shape_cast %argmin3A_36 : vector<256xi32> to vector<256x1xi32>
    %eq3A_38 = vector.broadcast %broadcast_in_dim3A_37 : vector<256x1xi32> to vector<256x10000xi32>
    %eq3A_39 = arith.cmpi eq, %iota3A, %eq3A_38 : vector<256x10000xi32>
    %jit3A_40 = arith.constant 0x7F800000 : f32
    %broadcast_in_dim3A_41 = vector.broadcast %jit3A_40 : f32 to vector<256x10000xf32>
    %select_n3A_42 = arith.select %eq3A_39, %broadcast_in_dim3A_41, %select_n3A_35 : vector<256x10000xi1>, vector<256x10000xf32>
    %argmin3A_43 = tpu.reduce_index %select_n3A_42 {axis = 1 : i32, kind = #tpu.reduction_kind<arg_min>} : vector<256x10000xf32> -> vector<256xi32>
    %broadcast_in_dim3A_44 = vector.shape_cast %argmin3A_43 : vector<256xi32> to vector<256x1xi32>
    %eq3A_45 = vector.broadcast %broadcast_in_dim3A_44 : vector<256x1xi32> to vector<256x10000xi32>
    %eq3A_46 = arith.cmpi eq, %iota3A, %eq3A_45 : vector<256x10000xi32>
    %jit3A_47 = arith.constant 0x7F800000 : f32
    %broadcast_in_dim3A_48 = vector.broadcast %jit3A_47 : f32 to vector<256x10000xf32>
    %select_n3A_49 = arith.select %eq3A_46, %broadcast_in_dim3A_48, %select_n3A_42 : vector<256x10000xi1>, vector<256x10000xf32>
    %argmin3A_50 = tpu.reduce_index %select_n3A_49 {axis = 1 : i32, kind = #tpu.reduction_kind<arg_min>} : vector<256x10000xf32> -> vector<256xi32>
    %broadcast_in_dim3A_51 = vector.shape_cast %argmin3A_50 : vector<256xi32> to vector<256x1xi32>
    %eq3A_52 = vector.broadcast %broadcast_in_dim3A_51 : vector<256x1xi32> to vector<256x10000xi32>
    %eq3A_53 = arith.cmpi eq, %iota3A, %eq3A_52 : vector<256x10000xi32>
    %jit3A_54 = arith.constant 0x7F800000 : f32
    %broadcast_in_dim3A_55 = vector.broadcast %jit3A_54 : f32 to vector<256x10000xf32>
    %select_n3A_56 = arith.select %eq3A_53, %broadcast_in_dim3A_55, %select_n3A_49 : vector<256x10000xi1>, vector<256x10000xf32>
    %argmin3A_57 = tpu.reduce_index %select_n3A_56 {axis = 1 : i32, kind = #tpu.reduction_kind<arg_min>} : vector<256x10000xf32> -> vector<256xi32>
    %broadcast_in_dim3A_58 = vector.shape_cast %argmin3A_57 : vector<256xi32> to vector<256x1xi32>
    %eq3A_59 = vector.broadcast %broadcast_in_dim3A_58 : vector<256x1xi32> to vector<256x10000xi32>
    %eq3A_60 = arith.cmpi eq, %iota3A, %eq3A_59 : vector<256x10000xi32>
    %jit3A_61 = arith.constant 0x7F800000 : f32
    %broadcast_in_dim3A_62 = vector.broadcast %jit3A_61 : f32 to vector<256x10000xf32>
    %select_n3A_63 = arith.select %eq3A_60, %broadcast_in_dim3A_62, %select_n3A_56 : vector<256x10000xi1>, vector<256x10000xf32>
    %argmin3A_64 = tpu.reduce_index %select_n3A_63 {axis = 1 : i32, kind = #tpu.reduction_kind<arg_min>} : vector<256x10000xf32> -> vector<256xi32>
    %broadcast_in_dim3A_65 = vector.shape_cast %argmin3A_64 : vector<256xi32> to vector<256x1xi32>
    %eq3A_66 = vector.broadcast %broadcast_in_dim3A_65 : vector<256x1xi32> to vector<256x10000xi32>
    %eq3A_67 = arith.cmpi eq, %iota3A, %eq3A_66 : vector<256x10000xi32>
    %jit3A_68 = arith.constant 0x7F800000 : f32
    %broadcast_in_dim3A_69 = vector.broadcast %jit3A_68 : f32 to vector<256x10000xf32>
    %select_n3A_70 = arith.select %eq3A_67, %broadcast_in_dim3A_69, %select_n3A_63 : vector<256x10000xi1>, vector<256x10000xf32>
    %argmin3A_71 = tpu.reduce_index %select_n3A_70 {axis = 1 : i32, kind = #tpu.reduction_kind<arg_min>} : vector<256x10000xf32> -> vector<256xi32>
    %broadcast_in_dim3A_72 = vector.shape_cast %argmin3A_71 : vector<256xi32> to vector<256x1xi32>
    %eq3A_73 = vector.broadcast %broadcast_in_dim3A_72 : vector<256x1xi32> to vector<256x10000xi32>
    %eq3A_74 = arith.cmpi eq, %iota3A, %eq3A_73 : vector<256x10000xi32>
    %jit3A_75 = arith.constant 0x7F800000 : f32
    %broadcast_in_dim3A_76 = vector.broadcast %jit3A_75 : f32 to vector<256x10000xf32>
    %select_n3A_77 = arith.select %eq3A_74, %broadcast_in_dim3A_76, %select_n3A_70 : vector<256x10000xi1>, vector<256x10000xf32>
    %argmin3A_78 = tpu.reduce_index %select_n3A_77 {axis = 1 : i32, kind = #tpu.reduction_kind<arg_min>} : vector<256x10000xf32> -> vector<256xi32>
    %stack3A = vector.shape_cast %argmin3A : vector<256xi32> to vector<256x1xi32>
    %stack3A_79 = vector.shape_cast %argmin3A_36 : vector<256xi32> to vector<256x1xi32>
    %stack3A_80 = vector.shape_cast %argmin3A_43 : vector<256xi32> to vector<256x1xi32>
    %stack3A_81 = vector.shape_cast %argmin3A_50 : vector<256xi32> to vector<256x1xi32>
    %stack3A_82 = vector.shape_cast %argmin3A_57 : vector<256xi32> to vector<256x1xi32>
    %stack3A_83 = vector.shape_cast %argmin3A_64 : vector<256xi32> to vector<256x1xi32>
    %stack3A_84 = vector.shape_cast %argmin3A_71 : vector<256xi32> to vector<256x1xi32>
    %stack3A_85 = vector.shape_cast %argmin3A_78 : vector<256xi32> to vector<256x1xi32>
    %stack3A_86 = tpu.concatenate %stack3A, %stack3A_79, %stack3A_80, %stack3A_81, %stack3A_82, %stack3A_83, %stack3A_84, %stack3A_85 in 1 : vector<256x1xi32>, vector<256x1xi32>, vector<256x1xi32>, vector<256x1xi32>, vector<256x1xi32>, vector<256x1xi32>, vector<256x1xi32>, vector<256x1xi32> -> vector<256x8xi32>
    %swap3A = arith.constant 0 : index
    %swap3A_87 = arith.constant 0 : index
    %swap3A_88 = arith.constant 0 : index
    %swap3A_89 = vector.load %arg5[%swap3A, %swap3A_87, %swap3A_88] : memref<1x256x8xi32, #tpu.memory_space<vmem>>, vector<1x256x8xi32>
    %swap3A_90 = vector.shape_cast %swap3A_89 : vector<1x256x8xi32> to vector<256x8xi32>
    %swap3A_91 = vector.shape_cast %stack3A_86 : vector<256x8xi32> to vector<1x256x8xi32>
    tpu.vector_store %arg5[%swap3A, %swap3A_87, %swap3A_88], %swap3A_91 {strides = array<i32>} : memref<1x256x8xi32, #tpu.memory_space<vmem>>, vector<1x256x8xi32>,
    return
  }
  func.func @transform_0(%arg0: i32, %arg1: i32) -> (i32, i32, i32) {
    %c0_i32 = arith.constant 0 : i32
    %c0_i32_0 = arith.constant 0 : i32
    return %arg0, %arg1, %c0_i32 : i32, i32, i32
  }
  func.func @transform_1(%arg0: i32, %arg1: i32) -> (i32, i32, i32) {
    %c0_i32 = arith.constant 0 : i32
    %c0_i32_0 = arith.constant 0 : i32
    %c0_i32_1 = arith.constant 0 : i32
    return %arg0, %c0_i32, %c0_i32_0 : i32, i32, i32
  }
  func.func @transform_2(%arg0: i32, %arg1: i32) -> (i32, i32, i32) {
    %c0_i32 = arith.constant 0 : i32
    %c0_i32_0 = arith.constant 0 : i32
    %c0_i32_1 = arith.constant 0 : i32
    return %arg1, %c0_i32, %c0_i32_0 : i32, i32, i32
  }
  func.func @transform_3(%arg0: i32, %arg1: i32) -> (i32, i32, i32) {
    %c0_i32 = arith.constant 0 : i32
    %c0_i32_0 = arith.constant 0 : i32
    return %arg0, %arg1, %c0_i32 : i32, i32, i32
  }
}

module attributes {stable_mosaic.version = 14 : i64} {
  func.func @_combine_body(%arg0: memref<4x1024x8xf32, #tpu.memory_space<vmem>>, %arg1: memref<4x1024x8xf32, #tpu.memory_space<vmem>>, %arg2: memref<1x512xf32, #tpu.memory_space<vmem>>) attributes {dimension_semantics = [], scalar_prefetch = 0 : i64, scratch_operands = 0 : i64, tpu.core_type = #tpu.core_type<tc>} {
    %get3A = arith.constant 0 : index
    %get3A_0 = arith.constant 0 : index
    %get3A_1 = arith.constant 0 : index
    %get3A_2 = vector.load %arg0[%get3A, %get3A_0, %get3A_1] : memref<4x1024x8xf32, #tpu.memory_space<vmem>>, vector<4x1024x8xf32>
    %get3A_3 = arith.constant 0 : index
    %get3A_4 = arith.constant 0 : index
    %get3A_5 = arith.constant 0 : index
    %get3A_6 = vector.load %arg1[%get3A_3, %get3A_4, %get3A_5] : memref<4x1024x8xf32, #tpu.memory_space<vmem>>, vector<4x1024x8xf32>
    %sqrt3A = math.sqrt %get3A_2 : vector<4x1024x8xf32>
    %sub3A = arith.constant 1.000000e+00 : f32
    %sub3A_7 = vector.broadcast %sub3A : f32 to vector<4x1024x8xf32>
    %sub3A_8 = arith.subf %sub3A_7, %sqrt3A : vector<4x1024x8xf32>
    %exp3A = math.exp %sub3A_8 : vector<4x1024x8xf32>
    %mul3A = arith.mulf %exp3A, %get3A_6 : vector<4x1024x8xf32>
    %reduce_sum3A = arith.constant dense<0.000000e+00> : vector<4x1024xf32>
    %reduce_sum3A_9 = vector.multi_reduction <add>, %mul3A, %reduce_sum3A [2] : vector<4x1024x8xf32> to vector<4x1024xf32>
    %reduce_sum3A_10 = arith.constant dense<0.000000e+00> : vector<4x1024xf32>
    %reduce_sum3A_11 = vector.multi_reduction <add>, %exp3A, %reduce_sum3A_10 [2] : vector<4x1024x8xf32> to vector<4x1024xf32>
    %slice3A = vector.extract_strided_slice %reduce_sum3A_9 {offsets = [0, 0], sizes = [4, 512], strides = [1, 1]} : vector<4x1024xf32> to vector<4x512xf32>
    %slice3A_12 = vector.extract_strided_slice %reduce_sum3A_9 {offsets = [0, 512], sizes = [4, 512], strides = [1, 1]} : vector<4x1024xf32> to vector<4x512xf32>
    %add3A = arith.addf %slice3A, %slice3A_12 : vector<4x512xf32>
    %slice3A_13 = vector.extract_strided_slice %reduce_sum3A_11 {offsets = [0, 0], sizes = [4, 512], strides = [1, 1]} : vector<4x1024xf32> to vector<4x512xf32>
    %slice3A_14 = vector.extract_strided_slice %reduce_sum3A_11 {offsets = [0, 512], sizes = [4, 512], strides = [1, 1]} : vector<4x1024xf32> to vector<4x512xf32>
    %add3A_15 = arith.addf %slice3A_13, %slice3A_14 : vector<4x512xf32>
    %add3A_16 = arith.constant 8.000000e+00 : f32
    %add3A_17 = vector.broadcast %add3A_16 : f32 to vector<4x512xf32>
    %add3A_18 = arith.addf %add3A_15, %add3A_17 : vector<4x512xf32>
    %div3A = arith.divf %add3A, %add3A_18 : vector<4x512xf32>
    %reduce_sum3A_19 = arith.constant dense<0.000000e+00> : vector<512xf32>
    %reduce_sum3A_20 = vector.multi_reduction <add>, %div3A, %reduce_sum3A_19 [0] : vector<4x512xf32> to vector<512xf32>
    %div3A_21 = arith.constant 4.000000e+00 : f32
    %div3A_22 = vector.broadcast %div3A_21 : f32 to vector<512xf32>
    %div3A_23 = arith.divf %reduce_sum3A_20, %div3A_22 : vector<512xf32>
    %neg3A = arith.constant 0.000000e+00 : f32
    %neg3A_24 = vector.broadcast %neg3A : f32 to vector<512xf32>
    %neg3A_25 = arith.subf %neg3A_24, %div3A_23 : vector<512xf32>
    %exp3A_26 = math.exp %neg3A_25 : vector<512xf32>
    %add3A_27 = arith.constant 1.000000e+00 : f32
    %add3A_28 = vector.broadcast %add3A_27 : f32 to vector<512xf32>
    %add3A_29 = arith.addf %add3A_28, %exp3A_26 : vector<512xf32>
    %div3A_30 = arith.constant 1.000000e+00 : f32
    %div3A_31 = vector.broadcast %div3A_30 : f32 to vector<512xf32>
    %div3A_32 = arith.divf %div3A_31, %add3A_29 : vector<512xf32>
    %broadcast_in_dim3A = vector.shape_cast %div3A_32 : vector<512xf32> to vector<1x512xf32>
    %swap3A = arith.constant 0 : index
    %swap3A_33 = arith.constant 0 : index
    %swap3A_34 = vector.load %arg2[%swap3A, %swap3A_33] : memref<1x512xf32, #tpu.memory_space<vmem>>, vector<1x512xf32>
    tpu.vector_store %arg2[%swap3A, %swap3A_33], %broadcast_in_dim3A {strides = array<i32>} : memref<1x512xf32, #tpu.memory_space<vmem>>, vector<1x512xf32>,
    return
  }
}

</mosaic_0001>

<sc_bundles>
// kernel: kernel.6.cloned.1.call-start
scs
__scs_entry_jumppad:
0x0: {  	(pc) =	sbr.rel $0x88, $3  }
0x1: {  	(tag) =	ssettag $0x0;
	lr =	simm.s32 $0x1  }
0x2: {  	[smem:$0x3F9E] =	sst lr;
	_ =	strace $0xD0000000  }
0x3: {  	_ = 	snop  }
0x4: {  	_ = 	snop  }
0x5: {  	_ = 	snop  }
0x6: {  	_ = 	snop  }
0x7: {  	_ = 	snop  }
__scs_overlays_trampoline_lowered:
0x8: {  	[smem:$0x3FAD] =	sst s0  }
0x9: {  	[smem:$0x3FAE] =	sst s1  }
0xa: {  	[smem:$0x3FAF] =	sst s2  }
0xb: {  	[smem:$0x3FB0] =	sst s3  }
0xc: {  	[smem:$0x3FB1] =	sst s4  }
0xd: {  	[smem:$0x3FB2] =	sst s5  }
0xe: {  	[smem:$0x3FB3] =	sst s6  }
0xf: {  	[smem:$0x3FB4] =	sst s7  }
0x10: {  	[smem:$0x3FB5] =	sst s8  }
0x11: {  	[smem:$0x3FB6] =	sst s9;
	s0 =	simm.s32 @!p0 $0x0  }
0x12: {  	s1 =	sld [smem:$0x3F9C];
	s0 =	simm.s32 @p0 $0x1  }
0x13: {  	[smem:$0x3FB7] =	sst s0;
	s0 =	simm.s32 @!p1 $0x0  }
0x14: {  	s2 =	sld [smem:$0x3F9B];
	s0 =	simm.s32 @p1 $0x1  }
0x15: {  	[smem:$0x3FB8] =	sst s0;
	s0 =	simm.s32 @!p2 $0x0  }
0x16: {  	s3 =	sld [smem:$0x3FDB];
	s0 =	simm.s32 @p2 $0x1  }
0x17: {  	s4 =	simm.s32 $0x1BF5;
	[smem:$0x3FBA] =	sst s0  }
0x18: {  	s0 =	sld [smem:$0x3F9D];
	_ =	swait.ge [sflag:s4], $0x0  }
0x19: {  	s7 =	sld [smem:$0x3F9E]  }
0x1a: {  	s8 =	sadd.s32 $0xFFFFE003, lr  }
0x1b: {  	s9 =	sadd.s32 $0xFFFFFEF7, lr;
	s5 =	simm.s32 $0xFFFFFFFF;
	p2 =	slt.u32 s8, $0xFFFFF086  }
0x1c: {  	p1 =	slt.u32 s9, $0xF7A;
	s5 =	simm.s32 @!p2 $0x0  }
0x1d: {  	s5 =	simm.s32 @p1 $0x1;
	p0 =	seq.s32 s7, s2  }
0x1e: {  	s7 =	smul.u32 @!p0 $0xF7A, s2;
	p2 =	seq.s32 @!p0 s5, $0x0  }
0x1f: {  	s9 =	smul.u32 $0xF7A, s1;
	s8 =	simm.s32 @!p0 $0x1BF5;
	p2 =	por !p2, p0  }
0x20: {  	[sflag:s8] =	ssyncset.s32 @!p0 $0xFFFFF086;
	s6 =	sadd.s32 @!p0 s3, s7;
	s7 =	simm.s32 @!p0 $0x108  }
0x21: {  	s3 =	sadd.s32 s3, s9;
	s6 =	sadd.s32 @!p0 $0x88, s6;
	s7 =	simm.s32 @p2 $0x1082  }
0x22: {  	[simem:s7], [sflag:s8] =	dma.local @!p0 [hbm:s6], $0xF7A  }
0x23: {  	s9 =	sor.u32 $0xD0000000, s2;
	s6 =	simm.s32 $0x108;
	_ =	swait.ge @!p0 [sflag:s8], $0x0  }
0x24: {  	s3 =	sadd.s32 $0x88, s3;
	s6 =	simm.s32 @!p1 $0x1082;
	[sflag:s4] =	ssyncset.s32 $0xFFFFF086  }
0x25: {  	[simem:s6], [sflag:s4] =	dma.local [hbm:s3], $0xF7A  }
0x26: {  	[smem:$0x3F9E] =	sst s1;
	(tag) =	ssettag s2;
	_ =	strace s9  }
0x27: {  	s1 =	sld [smem:$0x3FAE]  }
0x28: {  	s2 =	sld [smem:$0x3FAF]  }
0x29: {  	s4 =	sld [smem:$0x3FB1]  }
0x2a: {  	p0 =	seq.s32 s5, $0x0;
	s5 =	sld [smem:$0x3FB2]  }
0x2b: {  	s6 =	sld [smem:$0x3FB3]  }
0x2c: {  	s7 =	sld [smem:$0x3FB4]  }
0x2d: {  	s3 =	simm.s32 $0x108;
	s8 =	sld [smem:$0x3FB5]  }
0x2e: {  	s3 =	simm.s32 @!p0 $0x1082;
	s9 =	sld [smem:$0x3FB6]  }
0x2f: {  	lr =	sadd.s32 s0, s3;
	s0 =	sld [smem:$0x3FAD]  }
0x30: {  	s3 =	sld [smem:$0x3FB0]  }
0x31: {  	[smem:$0x3FB9] =	sst s10  }
0x32: {  	s10 =	sld [smem:$0x3FB7];
	_ =	sdelay $0x3  }
0x33: {  	p0 =	seq.s32 s10, $0x1;
	s10 =	sld [smem:$0x3FB9];
	_ =	sdelay $0x3  }
0x34: {  	[smem:$0x3FB9] =	sst s10  }
0x35: {  	s10 =	sld [smem:$0x3FB8];
	_ =	sdelay $0x3  }
0x36: {  	p1 =	seq.s32 s10, $0x1;
	s10 =	sld [smem:$0x3FB9];
	_ =	sdelay $0x3  }
0x37: {  	[smem:$0x3FB9] =	sst s10  }
0x38: {  	s10 =	sld [smem:$0x3FBA]  }
0x39: {  	_ = 	snop;
	(pc) =	sbr.ind lr, $3  }
0x3a: {  	_ = 	snop  }
0x3b: {  	_ = 	snop  }
0x3c: {  	p2 =	seq.s32 s10, $0x1;
	s10 =	sld [smem:$0x3FB9]  }
0x3d: {  	_ =	shalt  }
0x3e: {  	_ =	shalt  }
0x3f: {  	_ =	shalt  }
0x40: {  	_ =	shalt  }
0x41: {  	_ =	shalt  }
0x42: {  	_ =	shalt  }
0x43: {  	_ =	shalt  }
0x44: {  	_ =	shalt  }
0x45: {  	_ =	shalt  }
0x46: {  	_ =	shalt  }
0x47: {  	_ =	shalt  }
0x48: {  	_ =	shalt  }
0x49: {  	_ =	shalt  }
0x4a: {  	_ =	shalt  }
0x4b: {  	_ =	shalt  }
0x4c: {  	_ =	shalt  }
0x4d: {  	_ =	shalt  }
0x4e: {  	_ =	shalt  }
0x4f: {  	_ =	shalt  }
0x50: {  	_ =	shalt  }
0x51: {  	_ =	shalt  }
0x52: {  	_ =	shalt  }
0x53: {  	_ =	shalt  }
0x54: {  	_ =	shalt  }
0x55: {  	_ =	shalt  }
0x56: {  	_ =	shalt  }
0x57: {  	_ =	shalt  }
0x58: {  	_ =	shalt  }
0x59: {  	_ =	shalt  }
0x5a: {  	_ =	shalt  }
0x5b: {  	_ =	shalt  }
0x5c: {  	_ =	shalt  }
0x5d: {  	_ =	shalt  }
0x5e: {  	_ =	shalt  }
0x5f: {  	_ =	shalt  }
0x60: {  	_ =	shalt  }
0x61: {  	_ =	shalt  }
0x62: {  	_ =	shalt  }
0x63: {  	_ =	shalt  }
0x64: {  	_ =	shalt  }
0x65: {  	_ =	shalt  }
0x66: {  	_ =	shalt  }
0x67: {  	_ =	shalt  }
0x68: {  	_ =	shalt  }
0x69: {  	_ =	shalt  }
0x6a: {  	_ =	shalt  }
0x6b: {  	_ =	shalt  }
0x6c: {  	_ =	shalt  }
0x6d: {  	_ =	shalt  }
0x6e: {  	_ =	shalt  }
0x6f: {  	_ =	shalt  }
0x70: {  	_ =	shalt  }
0x71: {  	_ =	shalt  }
0x72: {  	_ =	shalt  }
0x73: {  	_ =	shalt  }
0x74: {  	_ =	shalt  }
0x75: {  	_ =	shalt  }
0x76: {  	_ =	shalt  }
0x77: {  	_ =	shalt  }
0x78: {  	_ =	shalt  }
0x79: {  	_ =	shalt  }
0x7a: {  	_ =	shalt  }
0x7b: {  	_ =	shalt  }
0x7c: {  	_ =	shalt  }
0x7d: {  	_ =	shalt  }
0x7e: {  	_ =	shalt  }
0x7f: {  	_ =	shalt  }
0x80: {  	_ =	shalt  }
0x81: {  	_ =	shalt  }
0x82: {  	_ =	shalt  }
0x83: {  	_ =	shalt  }
0x84: {  	_ =	shalt  }
0x85: {  	_ =	shalt  }
0x86: {  	_ =	shalt  }
0x87: {  	_ =	shalt  }
.Lfunc_end0:
.L_simem_size_0:
called_computation_lowered:
.L_overlay_start_0:
0x88: {  	s2 =	sld [smem:$0x3FD9]  }
0x89: {  	s3 =	sld [smem:$0x3FFE];
	_ =	sdelay $0x1  }
0x8a: {  	s1 =	srdreg.scid  }
0x8b: {  	s0 =	sand.u32 $0x1, s1  }
0x8c: {  	s17 =	sshll.u32 s0, $0xA;
	s2 =	sadd.s32 s3, s2  }
0x8d: {  	s2 =	sadd.s32 s2, s17  }
0x8e: {  	[smem:$0x3FC5] =	sst s2  }
0x8f: {  	_ = 	snop  }
0x90: {  	s2 =	sld [smem:$0x3FC8]  }
0x91: {  	s18 =	sld [smem:$0x3FC7];
	(tm) =	ssettm $0x1  }
0x92: {  	s4 =	sld [smem:$0x3FFB];
	_ =	sdelay $0x3  }
0x93: {  	_ =	strace s4  }
0x94: {  	s4 =	sld [smem:$0x3FFC];
	_ =	sdelay $0x3  }
0x95: {  	_ =	strace s4  }
0x96: {  	s4 =	sld [smem:$0x3FFD];
	_ =	sdelay $0x3  }
0x97: {  	_ =	strace s4  }
0x98: {  	_ =	strace $0x8FFFFFFF  }
0x99: {  	s19 =	sld [smem:$0x3FDB];
	_ =	sdelay $0x1  }
0x9a: {  	s5 =	simm.s32 $_scs_section_size  }
0x9b: {  	s6 =	simm.s32 $_size__tile_overlayer_lowered;
	s7 =	simm.s32 $_tile_overlayer_lowered  }
0x9c: {  	s22 =	simm.s32 $0x1BFF;
	s21 =	sshll.u32 s7, $0x1;
	s4 =	sadd.s32 s5, s19  }
0x9d: {  	s8 =	simm.s32 $0x0;
	s20 =	sshll.u32 s6, $0x1;
	s6 =	sadd.s32 s21, s4  }
0x9e: {  	[timem:s8], [sflag:s22] =	dma.local [hbm:s6], s20  }
0x9f: {  	_ =	swait.ge [sflag:s22], s20  }
0xa0: {  	s5 =	ssub.s32 $0x0, s20;
	[sflag:s22] =	ssyncset.done $0x0  }
0xa1: {  	[sflag:s22] =	ssyncadd.s32 s5;
	_ =	sdelay $0x1  }
0xa2: {  	s23 =	simm.s32 $0x1B8B  }
0xa3: {  	_ =	swait.ge [sflag:s23], $0x1  }
0xa4: {  	[sflag:s23] =	ssyncset.done $0x0  }
0xa5: {  	s25 =	simm.s32 $0x1B8E;
	s24 =	sld [smem:$0x3FFE];
	[sflag:s23] =	ssyncadd.s32 $0xFFFFFFFF  }
0xa6: {  	s26 =	simm.s32 $execute0_lowered;
	[smem:$0x3FD2] =	sst s25  }
0xa7: {  	s6 =	sshll.u32 s26, $0x1;
	_ =	strace $0x80000046;
	[dreg:$0x1] =	wrdreg $0xFFFFFFFF  }
0xa8: {  	s28 =	simm.s32 $_size_execute0_lowered;
	s4 =	sadd.s32 s4, s6;
	[dreg:$0x0] =	wrdreg $0x0  }
0xa9: {  	s6 =	sshll.u32 s28, $0x1;
	[dreg:$0x2] =	wrdreg s4  }
0xaa: {  	[dreg:$0x3] =	wrdreg s6  }
0xab: {  	[dreg:$0x4] =	wrdreg $0xC0  }
0xac: {  	_ =	task [dreg:s8], $0x5FFFF  }
0xad: {  	[dreg:$0x1] =	wrdreg $0xFFFFFFFF  }
0xae: {  	[dreg:$0x0] =	wrdreg $0x60  }
0xaf: {  	[dreg:$0x2] =	wrdreg s2  }
0xb0: {  	[dreg:$0x3] =	wrdreg s18  }
0xb1: {  	[dreg:$0x4] =	wrdreg s24  }
0xb2: {  	[dreg:$0x5] =	wrdreg $0x9  }
0xb3: {  	_ =	task.clear_ibuf [dreg:s8], $0x6FFFF;
	_ =	strace $0x90000046  }
0xb4: {  	s29 =	simm.s32 $0x9;
	_ =	strace $0x80000048  }
0xb5: {  	_ =	swait.ge [sflag:s29], $0x1  }
0xb6: {  	[sflag:s29] =	ssyncadd.s32 $0xFFFFFFFF  }
0xb7: {  	_ =	strace $0x90000048  }
0xb8: {  	_ =	sfence  }
0xb9: {  	s30 =	sld [smem:$0x0];
	_ =	sdelay $0x2  }
0xba: {  	s31 =	sshll.u32 s1, $0xD;
	s1 =	sshrl.u32 s1, $0x2  }
0xbb: {  	s3 =	sand.u32 $0x4000, s31;
	s1 =	sadd.s32 s1, s30  }
0xbc: {  	s0 =	sor.u32 s3, s0;
	s1 =	sshll.u32 s1, $0x11  }
0xbd: {  	s0 =	sor.u32 s1, s0  }
0xbe: {  	s0 =	sadd.s32 $0x8F2B, s0  }
0xbf: {  	[sflag:s0] =	ssyncadd.remote.s32 $0x1  }
0xc0: {  	_ =	sfence.sel $0xFFFF  }
0xc1: {  	[dreg:$0x0] =	wrdreg $0xFFFFFFFF;
	(pc) =	sbr.abs _section_cstart, $3  }
0xc2: {  	[dreg:$0x1] =	wrdreg $0xFFFFFFFF  }
0xc3: {  	_ =	task.clear_ibuf [dreg:s8], $0x2FFFF;
	_ =	strace $0x9FFFFFFF  }
0xc4: {  	(tm) =	ssettm $0x7FFFFFFF  }
0xc5: {  	_ =	shalt  }
tec
execute0_lowered:
.L_overlay_start_1:
0x0: {  	(tag) =	ssettag $0x1  }
0x1: {  	s1 =	srdreg.scid;
	s0 =	stileid.u32  }
0x2: {  	s2 =	rddreg [dreg:$0x0];
	s9 =	sand.u32 $0x1, s1;
	s30 =	sshll.u32 s0, $0x1  }
0x3: {  	s3 =	rddreg [dreg:$0x1];
	s10 =	sor.u32 s9, s30  }
0x4: {  	s11 =	rddreg [dreg:$0x2];
	s5 =	sshll.u32 s10, $0x4  }
0x5: {  	s4 =	simm.s32 $0x0;
	s1 =	rddreg [dreg:$0x3];
	s5 =	sand.u32 $0x70, s5  }
0x6: {  	[smem:$0x7FF] =	sst s4;
	s5 =	sadd.s32 s5, s11  }
0x7: {  	_ =	strace $0x80000047;
	s6 =	sadd.s32 $0x1600, s5;
	s5 =	simm.s32 $0x2  }
0x8: {  	[tilespmem:s4], [sflag:$0x2] =	stream.linear.gather [hbm4b:s6+s4], $0x80, $0x38;
	[tilespmem:$0x8080] =	vst v63  }
0x9: {  	_ =	swait.ge [sflag:s5], $0x80  }
0xa: {  	[sflag:s5] =	ssyncset.done $0x0  }
0xb: {  	[sflag:s5] =	ssyncadd.s32 $0xFFFFFF80  }
0xc: {  	v1 =	vld [tilespmem:$0x70]  }
0xd: {  	s7 =	sshrl.u32 s0, $0x2;
	v2 =	vld [tilespmem:$0x60]  }
0xe: {  	s7 =	smul.u32 $0x2710, s7;
	v3 =	vld [tilespmem:$0x50]  }
0xf: {  	v4 =	vld [tilespmem:$0x40]  }
0x10: {  	v0 =	vmov s7;
	v5 =	vld [tilespmem:$0x30]  }
0x11: {  	v6 =	vld [tilespmem:$0x20];
	v1 =	vadd.s32 v0, v1  }
0x12: {  	v7 =	vld [tilespmem:$0x10];
	v2 =	vadd.s32 v0, v2;
	[tilespmem:$0x70] =	vst v1  }
0x13: {  	v3 =	vadd.s32 v0, v3;
	v1 =	vld [tilespmem:$0x0];
	[tilespmem:$0x60] =	vst v2  }
0x14: {  	v2 =	vadd.s32 v0, v4;
	[tilespmem:$0x50] =	vst v3  }
0x15: {  	v3 =	vadd.s32 v0, v5;
	[tilespmem:$0x40] =	vst v2  }
0x16: {  	v2 =	vadd.s32 v0, v6;
	[tilespmem:$0x30] =	vst v3  }
0x17: {  	s9 =	ssub.s32 $0x2, s9;
	v3 =	vadd.s32 v0, v7;
	[tilespmem:$0x20] =	vst v2  }
0x18: {  	s31 =	sshrl.u32 s9, $0x1;
	[tilespmem:$0x10] =	vst v3;
	v1 =	vadd.s32 v0, v1  }
0x19: {  	s8 =	simm.s32 $0x80;
	s7 =	simm.s32 $0x1;
	s9 =	ssub.s32 s9, s31;
	[tilespmem:$0x0] =	vst v1  }
0x1a: {  	[tilespmem:s8], [sflag:$0x1] =	stream.indirect.gather [hbm4b:s2+s8], $0x80, s4, s8, $0xb8;
	[tilespmem:$0x8080] =	vst v63  }
0x1b: {  	s10 =	sshll.u32 s10, $0xB;
	s12 =	smax.u32 s9, $0x1;
	_ =	swait.ge [sflag:s7], $0x4000  }
0x1c: {  	s11 =	sadd.s32 s10, s11;
	p0 =	sne.s32 s12, $0x1;
	[sflag:s7] =	ssyncset.done $0x0  }
.Ltmp0:
0x1d: {  	s10 =	sadd.s32 $0x1800, s11;
	[sflag:s7] =	ssyncadd.s32 $0xFFFFC000;
	(pc) =	sbr.rel @!p0 .LBB2_2-.Ltmp0, $4  }
0x1e: {  	[hbm4b:s10+s4] =	stream.linear.scatter [tilespmem:s8], [sflag:$0x2], $0x4000, $0x38;
	[tilespmem:$0x8080] =	vst v63  }
0x1f: {  	_ =	swait.ge [sflag:s5], $0x4000  }
0x20: {  	s9 =	sadd.s32 $0x11800, s11;
	[sflag:s5] =	ssyncset.done $0x0  }
0x21: {  	s11 =	simm.s32 $0x4080;
	s12 =	sadd.s32 $0xFFFFFFFF, s12;
	[sflag:s5] =	ssyncadd.s32 $0xFFFFC000  }
.LBB2_1:
0x22: {  	[tilespmem:s11], [sflag:$0x1] =	stream.indirect.gather [hbm4b:s3+s8], $0x80, s4, s8, $0xb8;
	[tilespmem:$0x8080] =	vst v63  }
0x23: {  	p0 =	sne.s32 s12, $0x1;
	s12 =	sadd.s32 $0xFFFFFFFF, s12;
	_ =	swait.ge [sflag:s7], $0x4000  }
0x24: {  	[sflag:s7] =	ssyncset.done $0x0  }
0x25: {  	[sflag:s7] =	ssyncadd.s32 $0xFFFFC000  }
0x26: {  	[hbm4b:s9+s4] =	stream.linear.scatter [tilespmem:s11], [sflag:$0x2], $0x4000, $0x38;
	[tilespmem:$0x8080] =	vst v63  }
0x27: {  	_ =	swait.ge [sflag:s5], $0x4000  }
0x28: {  	[sflag:s5] =	ssyncset.done $0x0  }
0x29: {  	[sflag:s5] =	ssyncadd.s32 $0xFFFFC000  }
0x2a: {  	[tilespmem:s4], [sflag:$0x2] =	stream.linear.gather [hbm4b:s6+s4], $0x80, $0x38;
	[tilespmem:$0x8080] =	vst v63  }
0x2b: {  	_ =	swait.ge [sflag:s5], $0x80  }
0x2c: {  	[sflag:s5] =	ssyncset.done $0x0  }
0x2d: {  	[sflag:s5] =	ssyncadd.s32 $0xFFFFFF80  }
0x2e: {  	v1 =	vld [tilespmem:$0x70]  }
0x2f: {  	v2 =	vld [tilespmem:$0x60]  }
0x30: {  	v3 =	vld [tilespmem:$0x50]  }
0x31: {  	v4 =	vld [tilespmem:$0x40]  }
0x32: {  	v5 =	vld [tilespmem:$0x30]  }
0x33: {  	v6 =	vld [tilespmem:$0x20];
	v1 =	vadd.s32 v0, v1  }
0x34: {  	v7 =	vld [tilespmem:$0x10];
	v2 =	vadd.s32 v0, v2;
	[tilespmem:$0x70] =	vst v1  }
0x35: {  	v1 =	vld [tilespmem:$0x0];
	v3 =	vadd.s32 v0, v3;
	[tilespmem:$0x60] =	vst v2  }
0x36: {  	v2 =	vadd.s32 v0, v4;
	[tilespmem:$0x50] =	vst v3  }
0x37: {  	v3 =	vadd.s32 v0, v5;
	[tilespmem:$0x40] =	vst v2  }
0x38: {  	v2 =	vadd.s32 v0, v6;
	[tilespmem:$0x30] =	vst v3  }
0x39: {  	v3 =	vadd.s32 v0, v7;
	[tilespmem:$0x20] =	vst v2  }
0x3a: {  	v1 =	vadd.s32 v0, v1;
	[tilespmem:$0x10] =	vst v3  }
0x3b: {  	[tilespmem:$0x0] =	vst v1  }
0x3c: {  	[tilespmem:s8], [sflag:$0x1] =	stream.indirect.gather [hbm4b:s2+s8], $0x80, s4, s8, $0xb8;
	[tilespmem:$0x8080] =	vst v63  }
0x3d: {  	_ =	swait.ge [sflag:s7], $0x4000  }
0x3e: {  	[sflag:s7] =	ssyncset.done $0x0  }
.Ltmp1:
0x3f: {  	[sflag:s7] =	ssyncadd.s32 $0xFFFFC000;
	(pc) =	sbr.rel @p0 .LBB2_1-.Ltmp1, $4  }
0x40: {  	[hbm4b:s10+s4] =	stream.linear.scatter [tilespmem:s8], [sflag:$0x2], $0x4000, $0x38;
	[tilespmem:$0x8080] =	vst v63  }
0x41: {  	_ =	swait.ge [sflag:s5], $0x4000  }
0x42: {  	[sflag:s5] =	ssyncset.done $0x0  }
0x43: {  	[sflag:s5] =	ssyncadd.s32 $0xFFFFC000  }
.LBB2_2:
0x44: {  	[tilespmem:s11], [sflag:$0x1] =	stream.indirect.gather [hbm4b:s3+s8], $0x80, s4, s8, $0xb8;
	[tilespmem:$0x8080] =	vst v63  }
0x45: {  	_ =	swait.ge [sflag:s7], $0x4000  }
0x46: {  	[sflag:s7] =	ssyncset.done $0x0  }
0x47: {  	[sflag:s7] =	ssyncadd.s32 $0xFFFFC000  }
0x48: {  	[hbm4b:s9+s4] =	stream.linear.scatter [tilespmem:s11], [sflag:$0x2], $0x4000, $0x38;
	[tilespmem:$0x8080] =	vst v63  }
0x49: {  	_ =	swait.ge [sflag:s5], $0x4000  }
0x4a: {  	[sflag:s5] =	ssyncset.done $0x0  }
0x4b: {  	[sflag:s5] =	ssyncadd.s32 $0xFFFFC000  }
0x4c: {  	_ =	sfence.sel $0x180000  }
0x4d: {  	[bflag:$0x0] =	sbarrier.arrive $0xFFFF  }
0x4e: {  	p0 =	sne.s32 s0, $0x0;
	_ =	strace $0x90000047  }
0x4f: {  	s0 =	sadd.s32 @!p0 $0x100000, s1;
	[bflag:$0x2] =	sbarrier.arrive $0xFFFF  }
0x50: {  	[sflag:s0] =	ssyncadd.tile.s32 @!p0 $0x1;
	_ =	shalt  }
.Lfunc_end2:
_tile_overlayer_lowered:
.L_overlay_start_2:
0x51: {  	(tag) =	ssettag $0x2  }
0x52: {  	s0 =	rddreg [dreg:$0x0];
	s2 =	stileid.u32  }
0x53: {  	s1 =	rddreg [dreg:$0x1];
	p0 =	sne.s32 s2, $0x0  }
0x54: {  	s3 =	rddreg [dreg:$0x2];
	[bflag:$0x3] =	sbarrier.arrive $0xFFFF;
	s2 =	simm.s32 @!p0 $0x1C02  }
0x55: {  	[timem:s3], [sflag:s2] =	dma.local @!p0 [hbm:s0], s1  }
0x56: {  	s0 =	simm.s32 @!p0 $0x2  }
0x57: {  	_ =	swait.ge @!p0 [sflag:s0], s1  }
0x58: {  	s1 =	ssub.s32 @!p0 $0x0, s1;
	[sflag:s0] =	ssyncset.done @!p0 $0x0  }
0x59: {  	[sflag:s0] =	ssyncadd.s32 @!p0 s1  }
0x5a: {  	[bflag:$0x3] =	sbarrier.arrive $0xFFFF  }
0x5b: {  	_ =	shalt  }

// kernel: kernel.9.cloned.1.call-start
scs
__scs_entry_jumppad:
0x0: {  	(pc) =	sbr.rel $0x88, $3  }
0x1: {  	(tag) =	ssettag $0x0;
	lr =	simm.s32 $0x1  }
0x2: {  	[smem:$0x3F9E] =	sst lr;
	_ =	strace $0xD0000000  }
0x3: {  	_ = 	snop  }
0x4: {  	_ = 	snop  }
0x5: {  	_ = 	snop  }
0x6: {  	_ = 	snop  }
0x7: {  	_ = 	snop  }
__scs_overlays_trampoline_lowered:
0x8: {  	[smem:$0x3FAD] =	sst s0  }
0x9: {  	[smem:$0x3FAE] =	sst s1  }
0xa: {  	[smem:$0x3FAF] =	sst s2  }
0xb: {  	[smem:$0x3FB0] =	sst s3  }
0xc: {  	[smem:$0x3FB1] =	sst s4  }
0xd: {  	[smem:$0x3FB2] =	sst s5  }
0xe: {  	[smem:$0x3FB3] =	sst s6  }
0xf: {  	[smem:$0x3FB4] =	sst s7  }
0x10: {  	[smem:$0x3FB5] =	sst s8  }
0x11: {  	[smem:$0x3FB6] =	sst s9;
	s0 =	simm.s32 @!p0 $0x0  }
0x12: {  	s1 =	sld [smem:$0x3F9C];
	s0 =	simm.s32 @p0 $0x1  }
0x13: {  	[smem:$0x3FB7] =	sst s0;
	s0 =	simm.s32 @!p1 $0x0  }
0x14: {  	s2 =	sld [smem:$0x3F9B];
	s0 =	simm.s32 @p1 $0x1  }
0x15: {  	[smem:$0x3FB8] =	sst s0;
	s0 =	simm.s32 @!p2 $0x0  }
0x16: {  	s3 =	sld [smem:$0x3FDB];
	s0 =	simm.s32 @p2 $0x1  }
0x17: {  	s4 =	simm.s32 $0x1BF5;
	[smem:$0x3FBA] =	sst s0  }
0x18: {  	s0 =	sld [smem:$0x3F9D];
	_ =	swait.ge [sflag:s4], $0x0  }
0x19: {  	s7 =	sld [smem:$0x3F9E]  }
0x1a: {  	s8 =	sadd.s32 $0xFFFFE003, lr  }
0x1b: {  	s9 =	sadd.s32 $0xFFFFFEF7, lr;
	s5 =	simm.s32 $0xFFFFFFFF;
	p2 =	slt.u32 s8, $0xFFFFF086  }
0x1c: {  	p1 =	slt.u32 s9, $0xF7A;
	s5 =	simm.s32 @!p2 $0x0  }
0x1d: {  	s5 =	simm.s32 @p1 $0x1;
	p0 =	seq.s32 s7, s2  }
0x1e: {  	s7 =	smul.u32 @!p0 $0xF7A, s2;
	p2 =	seq.s32 @!p0 s5, $0x0  }
0x1f: {  	s9 =	smul.u32 $0xF7A, s1;
	s8 =	simm.s32 @!p0 $0x1BF5;
	p2 =	por !p2, p0  }
0x20: {  	[sflag:s8] =	ssyncset.s32 @!p0 $0xFFFFF086;
	s6 =	sadd.s32 @!p0 s3, s7;
	s7 =	simm.s32 @!p0 $0x108  }
0x21: {  	s3 =	sadd.s32 s3, s9;
	s6 =	sadd.s32 @!p0 $0x88, s6;
	s7 =	simm.s32 @p2 $0x1082  }
0x22: {  	[simem:s7], [sflag:s8] =	dma.local @!p0 [hbm:s6], $0xF7A  }
0x23: {  	s9 =	sor.u32 $0xD0000000, s2;
	s6 =	simm.s32 $0x108;
	_ =	swait.ge @!p0 [sflag:s8], $0x0  }
0x24: {  	s3 =	sadd.s32 $0x88, s3;
	s6 =	simm.s32 @!p1 $0x1082;
	[sflag:s4] =	ssyncset.s32 $0xFFFFF086  }
0x25: {  	[simem:s6], [sflag:s4] =	dma.local [hbm:s3], $0xF7A  }
0x26: {  	[smem:$0x3F9E] =	sst s1;
	(tag) =	ssettag s2;
	_ =	strace s9  }
0x27: {  	s1 =	sld [smem:$0x3FAE]  }
0x28: {  	s2 =	sld [smem:$0x3FAF]  }
0x29: {  	s4 =	sld [smem:$0x3FB1]  }
0x2a: {  	p0 =	seq.s32 s5, $0x0;
	s5 =	sld [smem:$0x3FB2]  }
0x2b: {  	s6 =	sld [smem:$0x3FB3]  }
0x2c: {  	s7 =	sld [smem:$0x3FB4]  }
0x2d: {  	s3 =	simm.s32 $0x108;
	s8 =	sld [smem:$0x3FB5]  }
0x2e: {  	s3 =	simm.s32 @!p0 $0x1082;
	s9 =	sld [smem:$0x3FB6]  }
0x2f: {  	lr =	sadd.s32 s0, s3;
	s0 =	sld [smem:$0x3FAD]  }
0x30: {  	s3 =	sld [smem:$0x3FB0]  }
0x31: {  	[smem:$0x3FB9] =	sst s10  }
0x32: {  	s10 =	sld [smem:$0x3FB7];
	_ =	sdelay $0x3  }
0x33: {  	p0 =	seq.s32 s10, $0x1;
	s10 =	sld [smem:$0x3FB9];
	_ =	sdelay $0x3  }
0x34: {  	[smem:$0x3FB9] =	sst s10  }
0x35: {  	s10 =	sld [smem:$0x3FB8];
	_ =	sdelay $0x3  }
0x36: {  	p1 =	seq.s32 s10, $0x1;
	s10 =	sld [smem:$0x3FB9];
	_ =	sdelay $0x3  }
0x37: {  	[smem:$0x3FB9] =	sst s10  }
0x38: {  	s10 =	sld [smem:$0x3FBA]  }
0x39: {  	_ = 	snop;
	(pc) =	sbr.ind lr, $3  }
0x3a: {  	_ = 	snop  }
0x3b: {  	_ = 	snop  }
0x3c: {  	p2 =	seq.s32 s10, $0x1;
	s10 =	sld [smem:$0x3FB9]  }
0x3d: {  	_ =	shalt  }
0x3e: {  	_ =	shalt  }
0x3f: {  	_ =	shalt  }
0x40: {  	_ =	shalt  }
0x41: {  	_ =	shalt  }
0x42: {  	_ =	shalt  }
0x43: {  	_ =	shalt  }
0x44: {  	_ =	shalt  }
0x45: {  	_ =	shalt  }
0x46: {  	_ =	shalt  }
0x47: {  	_ =	shalt  }
0x48: {  	_ =	shalt  }
0x49: {  	_ =	shalt  }
0x4a: {  	_ =	shalt  }
0x4b: {  	_ =	shalt  }
0x4c: {  	_ =	shalt  }
0x4d: {  	_ =	shalt  }
0x4e: {  	_ =	shalt  }
0x4f: {  	_ =	shalt  }
0x50: {  	_ =	shalt  }
0x51: {  	_ =	shalt  }
0x52: {  	_ =	shalt  }
0x53: {  	_ =	shalt  }
0x54: {  	_ =	shalt  }
0x55: {  	_ =	shalt  }
0x56: {  	_ =	shalt  }
0x57: {  	_ =	shalt  }
0x58: {  	_ =	shalt  }
0x59: {  	_ =	shalt  }
0x5a: {  	_ =	shalt  }
0x5b: {  	_ =	shalt  }
0x5c: {  	_ =	shalt  }
0x5d: {  	_ =	shalt  }
0x5e: {  	_ =	shalt  }
0x5f: {  	_ =	shalt  }
0x60: {  	_ =	shalt  }
0x61: {  	_ =	shalt  }
0x62: {  	_ =	shalt  }
0x63: {  	_ =	shalt  }
0x64: {  	_ =	shalt  }
0x65: {  	_ =	shalt  }
0x66: {  	_ =	shalt  }
0x67: {  	_ =	shalt  }
0x68: {  	_ =	shalt  }
0x69: {  	_ =	shalt  }
0x6a: {  	_ =	shalt  }
0x6b: {  	_ =	shalt  }
0x6c: {  	_ =	shalt  }
0x6d: {  	_ =	shalt  }
0x6e: {  	_ =	shalt  }
0x6f: {  	_ =	shalt  }
0x70: {  	_ =	shalt  }
0x71: {  	_ =	shalt  }
0x72: {  	_ =	shalt  }
0x73: {  	_ =	shalt  }
0x74: {  	_ =	shalt  }
0x75: {  	_ =	shalt  }
0x76: {  	_ =	shalt  }
0x77: {  	_ =	shalt  }
0x78: {  	_ =	shalt  }
0x79: {  	_ =	shalt  }
0x7a: {  	_ =	shalt  }
0x7b: {  	_ =	shalt  }
0x7c: {  	_ =	shalt  }
0x7d: {  	_ =	shalt  }
0x7e: {  	_ =	shalt  }
0x7f: {  	_ =	shalt  }
0x80: {  	_ =	shalt  }
0x81: {  	_ =	shalt  }
0x82: {  	_ =	shalt  }
0x83: {  	_ =	shalt  }
0x84: {  	_ =	shalt  }
0x85: {  	_ =	shalt  }
0x86: {  	_ =	shalt  }
0x87: {  	_ =	shalt  }
.Lfunc_end0:
.L_simem_size_0:
called_computation.1_lowered:
.L_overlay_start_0:
0x88: {  	s2 =	sld [smem:$0x3FD9]  }
0x89: {  	s3 =	sld [smem:$0x3FFE];
	_ =	sdelay $0x1  }
0x8a: {  	s1 =	srdreg.scid  }
0x8b: {  	s0 =	sand.u32 $0x1, s1  }
0x8c: {  	s17 =	sshll.u32 s0, $0xA;
	s2 =	sadd.s32 s3, s2  }
0x8d: {  	s2 =	sadd.s32 s2, s17  }
0x8e: {  	[smem:$0x3FC5] =	sst s2  }
0x8f: {  	_ = 	snop  }
0x90: {  	s2 =	sld [smem:$0x3FC8];
	(tm) =	ssettm $0x1  }
0x91: {  	s18 =	sld [smem:$0x3FFB];
	_ =	sdelay $0x3  }
0x92: {  	_ =	strace s18  }
0x93: {  	s3 =	sld [smem:$0x3FFC];
	_ =	sdelay $0x3  }
0x94: {  	_ =	strace s3  }
0x95: {  	s3 =	sld [smem:$0x3FFD];
	_ =	sdelay $0x3  }
0x96: {  	_ =	strace s3  }
0x97: {  	_ =	strace $0x8FFFFFFF  }
0x98: {  	s19 =	sld [smem:$0x3FDB];
	_ =	sdelay $0x1  }
0x99: {  	s4 =	simm.s32 $_scs_section_size  }
0x9a: {  	s5 =	simm.s32 $_size__tile_overlayer_lowered;
	s6 =	simm.s32 $_tile_overlayer_lowered  }
0x9b: {  	s22 =	simm.s32 $0x1BFF;
	s21 =	sshll.u32 s6, $0x1;
	s3 =	sadd.s32 s4, s19  }
0x9c: {  	s7 =	simm.s32 $0x0;
	s20 =	sshll.u32 s5, $0x1;
	s5 =	sadd.s32 s21, s3  }
0x9d: {  	[timem:s7], [sflag:s22] =	dma.local [hbm:s5], s20  }
0x9e: {  	_ =	swait.ge [sflag:s22], s20  }
0x9f: {  	s4 =	ssub.s32 $0x0, s20;
	[sflag:s22] =	ssyncset.done $0x0  }
0xa0: {  	[sflag:s22] =	ssyncadd.s32 s4;
	_ =	sdelay $0x1  }
0xa1: {  	s23 =	simm.s32 $0x1B8B  }
0xa2: {  	_ =	swait.ge [sflag:s23], $0x1  }
0xa3: {  	[sflag:s23] =	ssyncset.done $0x0  }
0xa4: {  	s25 =	simm.s32 $0x1B8E;
	s24 =	sld [smem:$0x3FFE];
	[sflag:s23] =	ssyncadd.s32 $0xFFFFFFFF  }
0xa5: {  	s26 =	simm.s32 $execute0_lowered;
	[smem:$0x3FD2] =	sst s25  }
0xa6: {  	s5 =	sshll.u32 s26, $0x1;
	_ =	strace $0x80000049;
	[dreg:$0x1] =	wrdreg $0xFFFFFFFF  }
0xa7: {  	s28 =	simm.s32 $_size_execute0_lowered;
	s3 =	sadd.s32 s3, s5;
	[dreg:$0x0] =	wrdreg $0x0  }
0xa8: {  	s5 =	sshll.u32 s28, $0x1;
	[dreg:$0x2] =	wrdreg s3  }
0xa9: {  	[dreg:$0x3] =	wrdreg s5  }
0xaa: {  	[dreg:$0x4] =	wrdreg $0xC0  }
0xab: {  	_ =	task [dreg:s7], $0x5FFFF  }
0xac: {  	[dreg:$0x1] =	wrdreg $0xFFFFFFFF  }
0xad: {  	[dreg:$0x0] =	wrdreg $0x60  }
0xae: {  	[dreg:$0x2] =	wrdreg s2  }
0xaf: {  	[dreg:$0x3] =	wrdreg s24  }
0xb0: {  	[dreg:$0x4] =	wrdreg $0x9  }
0xb1: {  	_ =	task.clear_ibuf [dreg:s7], $0x5FFFF;
	_ =	strace $0x90000049  }
0xb2: {  	s29 =	simm.s32 $0x9;
	_ =	strace $0x8000004B  }
0xb3: {  	_ =	swait.ge [sflag:s29], $0x1  }
0xb4: {  	[sflag:s29] =	ssyncadd.s32 $0xFFFFFFFF  }
0xb5: {  	_ =	strace $0x9000004B  }
0xb6: {  	_ =	sfence  }
0xb7: {  	s30 =	sld [smem:$0x0];
	_ =	sdelay $0x2  }
0xb8: {  	s31 =	sshll.u32 s1, $0xD;
	s1 =	sshrl.u32 s1, $0x2  }
0xb9: {  	s3 =	sand.u32 $0x4000, s31;
	s1 =	sadd.s32 s1, s30  }
0xba: {  	s0 =	sor.u32 s3, s0;
	s1 =	sshll.u32 s1, $0x11  }
0xbb: {  	s0 =	sor.u32 s1, s0  }
0xbc: {  	s0 =	sadd.s32 $0x8F2B, s0  }
0xbd: {  	[sflag:s0] =	ssyncadd.remote.s32 $0x1  }
0xbe: {  	_ =	sfence.sel $0xFFFF  }
0xbf: {  	[dreg:$0x0] =	wrdreg $0xFFFFFFFF;
	(pc) =	sbr.abs _section_cstart, $3  }
0xc0: {  	[dreg:$0x1] =	wrdreg $0xFFFFFFFF  }
0xc1: {  	_ =	task.clear_ibuf [dreg:s7], $0x2FFFF;
	_ =	strace $0x9FFFFFFF  }
0xc2: {  	(tm) =	ssettm $0x7FFFFFFF  }
0xc3: {  	_ =	shalt  }
tec
execute0_lowered:
.L_overlay_start_1:
0x0: {  	(tag) =	ssettag $0x1  }
0x1: {  	s2 =	rddreg [dreg:$0x0]  }
0x2: {  	s8 =	rddreg [dreg:$0x1]  }
0x3: {  	s0 =	rddreg [dreg:$0x2];
	s3 =	simm.s32 $0x0  }
0x4: {  	s1 =	stileid.u32;
	s6 =	srdreg.scid;
	s13 =	simm.s32 $0x1100  }
0x5: {  	s14 =	simm.s32 $0x2100;
	s15 =	simm.s32 $0x1;
	s16 =	simm.s32 $0xA100  }
0x6: {  	s17 =	simm.s32 $0xA200;
	s18 =	simm.s32 $0x0;
	[smem:$0x7FF] =	sst s3  }
0x7: {  	vm0 =	vmmov $0x1;
	s4 =	sshrl.u32 s1, $0x2;
	s5 =	sadd.s32 $0x11800, s8;
	s10 =	sand.u32 $0x1, s6  }
0x8: {  	vm1 =	vmmov $0x3;
	vm2 =	vmmov $0x7;
	vm3 =	vmmov $0xf;
	s6 =	sadd.s32 $0x21800, s8;
	s7 =	sadd.s32 $0x22800, s8;
	s12 =	sshll.u32 s1, $0x8  }
0x9: {  	vm4 =	vmmov $0x1f;
	vm5 =	vmmov $0x3f;
	vm6 =	vmmov $0x7f;
	_ =	strace $0x8000004A;
	s9 =	smul.u32 $0x2710, s4;
	s11 =	ssub.s32 $0x2, s10  }
0xa: {  	vm7 =	vmmov $0xff;
	vm8 =	vmmov $0x1ff;
	vm9 =	vmmov $0x3ff;
	s4 =	sadd.s32 $0x1800, s8;
	s10 =	sshll.u32 s10, $0x7;
	s31 =	sshrl.u32 s11, $0x1  }
0xb: {  	vm10 =	vmmov $0x7ff;
	vm11 =	vmmov $0xfff;
	s8 =	sadd.s32 $0x23800, s8;
	v0 =	vmov s9;
	s11 =	ssub.s32 s11, s31;
	s9 =	sor.u32 s10, s12  }
0xc: {  	vm12 =	vmmov $0x1fff;
	vm13 =	vmmov $0x3fff;
	vm14 =	vmmov $0x7fff;
	s12 =	simm.s32 $0x2;
	s10 =	smax.u32 s11, $0x1;
	s11 =	simm.s32 $0x100  }
.LBB2_1:
0xd: {  	s19 =	simm.s32 $0x0  }
.LBB2_2:
0xe: {  	s20 =	sshll.u32 s19, $0x5  }
0xf: {  	s20 =	sadd.s32 s9, s20  }
0x10: {  	s22 =	sshll.u32 s20, $0x4  }
0x11: {  	s21 =	simm.s32 $0x0;
	s23 =	sadd.s32 s4, s22  }
0x12: {  	[tilespmem:s11], [sflag:$0x2] =	stream.linear.gather [hbm4b:s23+s21], $0x1000, $0x38;
	[tilespmem:$0xA300] =	vst v63  }
0x13: {  	_ =	swait.ge [sflag:s12], $0x1000  }
0x14: {  	[sflag:s12] =	ssyncset.done $0x0  }
0x15: {  	s22 =	sadd.s32 s5, s22;
	[sflag:s12] =	ssyncadd.s32 $0xFFFFF000  }
0x16: {  	[tilespmem:s13], [sflag:$0x2] =	stream.linear.gather [hbm4b:s22+s21], $0x1000, $0x38;
	[tilespmem:$0xA300] =	vst v63  }
0x17: {  	_ =	swait.ge [sflag:s12], $0x1000  }
0x18: {  	[sflag:s12] =	ssyncset.done $0x0  }
0x19: {  	s31 =	sadd.s32 s6, s20;
	[sflag:s12] =	ssyncadd.s32 $0xFFFFF000  }
0x1a: {  	[tilespmem:s21], [sflag:$0x2] =	stream.linear.gather [hbm4b:s31+s21], $0x100, $0x38;
	[tilespmem:$0xA300] =	vst v63  }
0x1b: {  	_ =	swait.ge [sflag:s12], $0x100  }
0x1c: {  	[sflag:s12] =	ssyncset.done $0x0  }
0x1d: {  	[sflag:s12] =	ssyncadd.s32 $0xFFFFFF00  }
0x1e: {  	v1 =	vld [tilespmem:$0x0]  }
0x1f: {  	v2 =	vld [tilespmem:$0x10]  }
0x20: {  	v3 =	vld [tilespmem:$0x20]  }
0x21: {  	v4 =	vld [tilespmem:$0x30]  }
0x22: {  	v5 =	vld [tilespmem:$0x40]  }
0x23: {  	v6 =	vld [tilespmem:$0x50];
	v1 =	vadd.s32 v0, v1  }
0x24: {  	[tilespmem:$0x0] =	vst v1;
	v1 =	vadd.s32 v0, v2;
	v2 =	vld [tilespmem:$0x60]  }
0x25: {  	[tilespmem:$0x10] =	vst v1;
	v1 =	vadd.s32 v0, v3;
	v3 =	vld [tilespmem:$0x70]  }
0x26: {  	v58 =	vld [tilespmem:$0x80];
	[tilespmem:$0x20] =	vst v1;
	v1 =	vadd.s32 v0, v4  }
0x27: {  	v59 =	vld [tilespmem:$0x90];
	[tilespmem:$0x30] =	vst v1;
	v1 =	vadd.s32 v0, v5  }
0x28: {  	v60 =	vld [tilespmem:$0xA0];
	[tilespmem:$0x40] =	vst v1;
	v1 =	vadd.s32 v0, v6  }
0x29: {  	[tilespmem:$0x50] =	vst v1;
	v1 =	vadd.s32 v0, v2;
	v2 =	vld [tilespmem:$0xB0]  }
0x2a: {  	[tilespmem:$0x60] =	vst v1;
	v1 =	vadd.s32 v0, v3;
	v3 =	vld [tilespmem:$0xC0]  }
0x2b: {  	v61 =	vld [tilespmem:$0xD0];
	[tilespmem:$0x70] =	vst v1;
	v1 =	vadd.s32 v0, v58  }
0x2c: {  	v62 =	vld [tilespmem:$0xE0];
	[tilespmem:$0x80] =	vst v1;
	v1 =	vadd.s32 v0, v59  }
0x2d: {  	v63 =	vld [tilespmem:$0xF0];
	[tilespmem:$0x90] =	vst v1;
	v1 =	vadd.s32 v0, v60  }
0x2e: {  	[tilespmem:$0xA0] =	vst v1;
	v1 =	vadd.s32 v0, v2  }
0x2f: {  	[tilespmem:$0xB0] =	vst v1;
	v1 =	vadd.s32 v0, v3  }
0x30: {  	[tilespmem:$0xC0] =	vst v1;
	v1 =	vadd.s32 v0, v61  }
0x31: {  	[tilespmem:$0xD0] =	vst v1;
	v1 =	vadd.s32 v0, v62  }
0x32: {  	[tilespmem:$0xE0] =	vst v1;
	v1 =	vadd.s32 v0, v63  }
0x33: {  	[tilespmem:$0xF0] =	vst v1  }
0x34: {  	[tilespmem:s14], [sflag:$0x1] =	stream.indirect.gather [hbm4b:s2+s11], $0x80, s21, s11, $0xb8;
	[tilespmem:$0xA300] =	vst v63  }
0x35: {  	_ =	swait.ge [sflag:s15], $0x8000  }
0x36: {  	s24 =	simm.s32 $0x1180;
	[sflag:s15] =	ssyncset.done $0x0  }
0x37: {  	s23 =	simm.s32 $0x180;
	s22 =	simm.s32 $0x2500;
	[sflag:s15] =	ssyncadd.s32 $0xFFFF8000  }
.LBB2_3:
0x38: {  	v8 =	vld [tilespmem:s23+$0xFFFFFF80]  }
0x39: {  	v7 =	vld [tilespmem:s23+$0xFFFFFF90]  }
0x3a: {  	v3 =	vld [tilespmem:s23+$0xFFFFFFA0]  }
0x3b: {  	v1 =	vld [tilespmem:s23+$0xFFFFFFB0]  }
0x3c: {  	v15 =	vld [tilespmem:s23+$0xFFFFFFC0]  }
0x3d: {  	v11 =	vld [tilespmem:s23+$0xFFFFFFD0]  }
0x3e: {  	v2 =	vld [tilespmem:s22+$0xFFFFFC00]  }
0x3f: {  	v5 =	vld [tilespmem:s22+$0xFFFFFC10]  }
0x40: {  	v22 =	vld [tilespmem:s24+$0xFFFFFF80]  }
0x41: {  	v6 =	vld [tilespmem:s22+$0xFFFFFC20]  }
0x42: {  	v4 =	vld [tilespmem:s24+$0xFFFFFF90]  }
0x43: {  	v9 =	vld [tilespmem:s22+$0xFFFFFC30]  }
0x44: {  	v21 =	vld [tilespmem:s24+$0xFFFFFFA0]  }
0x45: {  	v12 =	vld [tilespmem:s22+$0xFFFFFC40]  }
0x46: {  	v20 =	vld [tilespmem:s24+$0xFFFFFFB0]  }
0x47: {  	v16 =	vld [tilespmem:s24+$0xFFFFFFC0]  }
0x48: {  	v17 =	vld [tilespmem:s22+$0xFFFFFC50]  }
0x49: {  	v18 =	vld [tilespmem:s24+$0xFFFFFFD0]  }
0x4a: {  	v36 =	vld [tilespmem:s22+$0xFFFFFC60]  }
0x4b: {  	v40 =	vld [tilespmem:s22+$0xFFFFFC80]  }
0x4c: {  	v23 =	vld [tilespmem:s22+$0xFFFFFCA0];
	v2 =	vsub.f32 v8, v2;
	v5 =	vsub.f32 v7, v5  }
0x4d: {  	v25 =	vld [tilespmem:s22+$0xFFFFFCB0];
	v6 =	vsub.f32 v3, v6;
	v9 =	vsub.f32 v1, v9  }
0x4e: {  	v51 =	vld [tilespmem:s22+$0xFFFFFD00];
	v34 =	vsub.f32 v15, v12;
	v10 =	vmul.f32 v2, v22;
	v2 =	vmul.f32 v2, v2  }
0x4f: {  	v27 =	vld [tilespmem:s22+$0xFFFFFCD0];
	v39 =	vsub.f32 v11, v17;
	v13 =	vmul.f32 v5, v5;
	v5 =	vmul.f32 v5, v4  }
0x50: {  	v53 =	vld [tilespmem:s22+$0xFFFFFD10];
	v24 =	vsub.f32 v8, v40;
	v14 =	vmul.f32 v6, v6;
	v6 =	vmul.f32 v6, v21  }
0x51: {  	v41 =	vld [tilespmem:s22+$0xFFFFFC90];
	v23 =	vsub.f32 v3, v23;
	v33 =	vmul.f32 v9, v9;
	v35 =	vmul.f32 v9, v20  }
0x52: {  	v19 =	vld [tilespmem:s23+$0xFFFFFFF0];
	v25 =	vsub.f32 v1, v25;
	v37 =	vmul.f32 v34, v34;
	v38 =	vmul.f32 v34, v16  }
0x53: {  	v43 =	vld [tilespmem:s22+$0xFFFFFC70];
	v59 =	vsub.f32 v8, v51;
	v42 =	vmul.f32 v39, v39;
	v45 =	vmul.f32 v24, v22  }
0x54: {  	v30 =	vld [tilespmem:s22+$0xFFFFFCF0];
	v27 =	vsub.f32 v11, v27;
	v24 =	vmul.f32 v24, v24;
	v47 =	vmul.f32 v23, v23  }
0x55: {  	v29 =	vld [tilespmem:s22+$0xFFFFFCE0];
	v61 =	vsub.f32 v7, v53;
	v48 =	vmul.f32 v23, v21;
	v63 =	vmul.f32 v59, v22  }
0x56: {  	v50 =	vmul.f32 v25, v25;
	v10 =	vadd.f32 $0.0e+00, v10;
	v2 =	vadd.f32 v13, v2;
	v13 =	vld [tilespmem:s23+$0xFFFFFFE0]  }
0x57: {  	v60 =	vld [tilespmem:s22+$0xFFFFFD30];
	v52 =	vmul.f32 v25, v20;
	v57 =	vmul.f32 v27, v27;
	v25 =	vadd.f32 $0.0e+00, v63  }
0x58: {  	v31 =	vld [tilespmem:s22+$0xFFFFFD50];
	v58 =	vmul.f32 v27, v18;
	v5 =	vadd.f32 v5, v10;
	v2 =	vadd.f32 v14, v2  }
0x59: {  	v17 =	vld [tilespmem:s24+$0xFFFFFFF0];
	v14 =	vmul.f32 v39, v18;
	v10 =	vsub.f32 v7, v41;
	v39 =	vsub.f32 v19, v30  }
0x5a: {  	v12 =	vld [tilespmem:s24+$0xFFFFFFE0];
	v34 =	vmul.f32 v61, v61;
	v5 =	vadd.f32 v6, v5;
	v2 =	vadd.f32 v33, v2  }
0x5b: {  	v51 =	vld [tilespmem:s22+$0xFFFFFDB0];
	v26 =	vmul.f32 v10, v10;
	v6 =	vsub.f32 v19, v43;
	v9 =	vsub.f32 v13, v36  }
0x5c: {  	v10 =	vmul.f32 v10, v4;
	v33 =	vld [tilespmem:s22+$0xFFFFFD40];
	v5 =	vadd.f32 v35, v5;
	v2 =	vadd.f32 v37, v2  }
0x5d: {  	v62 =	vsub.f32 v13, v29;
	v24 =	vadd.f32 v26, v24;
	v28 =	vmul.f32 v6, v6  }
0x5e: {  	v46 =	vld [tilespmem:s22+$0xFFFFFCC0];
	v6 =	vmul.f32 v6, v17;
	v5 =	vadd.f32 v38, v5;
	v2 =	vadd.f32 v42, v2  }
0x5f: {  	v44 =	vmul.f32 v9, v9;
	v49 =	vadd.f32 v47, v24;
	v24 =	vsub.f32 v1, v60  }
0x60: {  	v9 =	vmul.f32 v9, v12;
	v42 =	vsub.f32 v11, v31;
	v31 =	vsub.f32 v1, v51  }
0x61: {  	v29 =	vmul.f32 v62, v62;
	v26 =	vsub.f32 v15, v33;
	v5 =	vadd.f32 v14, v5  }
0x62: {  	v55 =	vld [tilespmem:s22+$0xFFFFFD20];
	v2 =	vadd.f32 v44, v2;
	v37 =	vmul.f32 v24, v24;
	v24 =	vmul.f32 v24, v20  }
0x63: {  	v14 =	vsub.f32 v15, v46;
	v44 =	vmul.f32 v39, v39;
	v46 =	vmul.f32 v42, v42  }
0x64: {  	v38 =	vld [tilespmem:s22+$0xFFFFFD60];
	v63 =	vmul.f32 v31, v20;
	v5 =	vadd.f32 v9, v5;
	v9 =	vadd.f32 $0.0e+00, v45  }
0x65: {  	v23 =	vadd.f32 v50, v49;
	v40 =	vmul.f32 v26, v26;
	v41 =	vmul.f32 v26, v16  }
0x66: {  	v26 =	vmul.f32 v42, v18;
	v54 =	vmul.f32 v14, v14;
	v9 =	vadd.f32 v10, v9  }
0x67: {  	v2 =	vadd.f32 v28, v2;
	v14 =	vmul.f32 v14, v16;
	v28 =	vsub.f32 v3, v55;
	v45 =	vld [tilespmem:s22+$0xFFFFFD90]  }
0x68: {  	v56 =	vadd.f32 v54, v23;
	v23 =	vmul.f32 v59, v59;
	v54 =	vld [tilespmem:s22+$0xFFFFFDC0];
	v9 =	vadd.f32 v48, v9  }
0x69: {  	v47 =	vsub.f32 v13, v38;
	v35 =	vmul.f32 v28, v28;
	v36 =	vmul.f32 v28, v21  }
0x6a: {  	v43 =	vld [tilespmem:s22+$0xFFFFFD80];
	v28 =	vmul.f32 v39, v17;
	v23 =	vadd.f32 v34, v23;
	v10 =	vadd.f32 v52, v9  }
0x6b: {  	v50 =	vmul.f32 v47, v47;
	v48 =	vld [tilespmem:s22+$0xFFFFFDA0];
	v9 =	vadd.f32 v6, v5;
	v5 =	vadd.f32 v57, v56  }
0x6c: {  	v6 =	vmul.f32 v61, v4;
	v23 =	vadd.f32 v35, v23;
	v52 =	vsub.f32 v7, v45  }
0x6d: {  	v57 =	vld [tilespmem:s22+$0xFFFFFDD0];
	v61 =	vmul.f32 v31, v31;
	v27 =	vsub.f32 v15, v54;
	v10 =	vadd.f32 v14, v10  }
0x6e: {  	v35 =	vld [tilespmem:s22+$0xFFFFFDE0];
	v5 =	vadd.f32 v29, v5;
	v6 =	vadd.f32 v6, v25;
	v14 =	vmul.f32 v62, v12  }
0x6f: {  	v49 =	vld [tilespmem:s22+$0xFFFFFD70];
	v23 =	vadd.f32 v37, v23;
	v29 =	vsub.f32 v8, v43;
	v56 =	vmul.f32 v52, v52  }
0x70: {  	v62 =	vld [tilespmem:s22+$0xFFFFFE00];
	v25 =	vsub.f32 v3, v48;
	v34 =	vmul.f32 v27, v27;
	v10 =	vadd.f32 v58, v10  }
0x71: {  	v43 =	vld [tilespmem:s22+$0xFFFFFE30];
	v37 =	vmul.f32 v27, v16;
	v6 =	vadd.f32 v36, v6;
	v23 =	vadd.f32 v40, v23  }
0x72: {  	v53 =	vmul.f32 v29, v22;
	v55 =	vmul.f32 v29, v29;
	v30 =	vsub.f32 v11, v57  }
0x73: {  	v36 =	vld [tilespmem:s22+$0xFFFFFE10];
	v58 =	vmul.f32 v25, v25;
	v45 =	vsub.f32 v13, v35;
	v6 =	vadd.f32 v24, v6  }
0x74: {  	v59 =	vmul.f32 v25, v21;
	v14 =	vadd.f32 v14, v10;
	v10 =	vadd.f32 v44, v5  }
0x75: {  	v23 =	vadd.f32 v46, v23;
	v5 =	vmul.f32 v47, v12;
	v24 =	vsub.f32 v19, v49  }
0x76: {  	v47 =	vld [tilespmem:s22+$0xFFFFFE40];
	v40 =	vmul.f32 v30, v30;
	v42 =	vsub.f32 v8, v62;
	v29 =	vsub.f32 v1, v43  }
0x77: {  	v49 =	vmul.f32 v45, v45;
	v6 =	vadd.f32 v41, v6;
	v23 =	vadd.f32 v50, v23  }
0x78: {  	v38 =	vld [tilespmem:s22+$0xFFFFFE20];
	v32 =	vmul.f32 v24, v24;
	v44 =	vsub.f32 v7, v36;
	v46 =	vmul.f32 v42, v22  }
0x79: {  	v62 =	vld [tilespmem:s22+$0xFFFFFE90];
	v24 =	vmul.f32 v24, v17;
	v6 =	vadd.f32 v26, v6;
	v26 =	vadd.f32 v28, v14  }
0x7a: {  	v41 =	vmul.f32 v30, v18;
	v50 =	vld [tilespmem:s22+$0xFFFFFDF0];
	v28 =	vadd.f32 v56, v55;
	v30 =	vadd.f32 $0.0e+00, v46  }
0x7b: {  	v27 =	vmul.f32 v42, v42;
	v31 =	vsub.f32 v15, v47;
	v5 =	vadd.f32 v5, v6  }
0x7c: {  	v55 =	vld [tilespmem:s22+$0xFFFFFE60];
	v48 =	vmul.f32 v44, v44;
	v6 =	vadd.f32 $0.0e+00, v53;
	v60 =	vadd.f32 v58, v28  }
0x7d: {  	v14 =	vmul.f32 v52, v4;
	v28 =	vadd.f32 v32, v23;
	v23 =	vsub.f32 v3, v38  }
0x7e: {  	v54 =	vmul.f32 v29, v20;
	v42 =	vsub.f32 v7, v62;
	v27 =	vadd.f32 v48, v27  }
0x7f: {  	v52 =	vld [tilespmem:s22+$0xFFFFFE50];
	v53 =	vmul.f32 v29, v29;
	v56 =	vsub.f32 v19, v50;
	v6 =	vadd.f32 v14, v6  }
0x80: {  	v57 =	vmul.f32 v31, v31;
	v33 =	vadd.f32 v61, v60;
	v25 =	vadd.f32 v24, v5  }
0x81: {  	v24 =	vmul.f32 v44, v4;
	v51 =	vmul.f32 v23, v23;
	v60 =	vld [tilespmem:s22+$0xFFFFFE80];
	v36 =	vsub.f32 v13, v55  }
0x82: {  	v58 =	vmul.f32 v31, v16;
	v6 =	vadd.f32 v59, v6;
	v39 =	vadd.f32 v34, v33  }
0x83: {  	v23 =	vmul.f32 v23, v21;
	v24 =	vadd.f32 v24, v30;
	v27 =	vadd.f32 v51, v27  }
0x84: {  	v47 =	vld [tilespmem:s22+$0xFFFFFED0];
	v14 =	vmul.f32 v45, v12;
	v59 =	vsub.f32 v11, v52;
	v6 =	vadd.f32 v63, v6  }
0x85: {  	v46 =	vmul.f32 v42, v42;
	v52 =	vld [tilespmem:s22+$0xFFFFFF00];
	v5 =	vadd.f32 v40, v39;
	v23 =	vadd.f32 v23, v24  }
0x86: {  	v29 =	vmul.f32 v42, v4;
	v27 =	vadd.f32 v53, v27;
	v33 =	vsub.f32 v8, v60  }
0x87: {  	v61 =	vmul.f32 v56, v56;
	v6 =	vadd.f32 v37, v6;
	v5 =	vadd.f32 v49, v5  }
0x88: {  	v44 =	vld [tilespmem:s22+$0xFFFFFEC0];
	v63 =	vmul.f32 v59, v59;
	v23 =	vadd.f32 v54, v23;
	v27 =	vadd.f32 v57, v27  }
0x89: {  	v39 =	vld [tilespmem:s22+$0xFFFFFE70];
	v43 =	vmul.f32 v33, v22;
	v45 =	vmul.f32 v33, v33;
	v33 =	vsub.f32 v11, v47  }
0x8a: {  	v31 =	vmul.f32 v59, v18;
	v60 =	vld [tilespmem:s22+$0xFFFFFF30];
	v59 =	vsub.f32 v8, v52;
	v6 =	vadd.f32 v41, v6  }
0x8b: {  	(xrf2) =	vadd.scan.msk.f32 $0xffff, v2;
	v38 =	vmul.f32 v56, v17;
	v37 =	vld [tilespmem:s22+$0xFFFFFEA0];
	v23 =	vadd.f32 v58, v23;
	v24 =	vadd.f32 v61, v5  }
0x8c: {  	v40 =	vmul.f32 v36, v36;
	v27 =	vadd.f32 v63, v27;
	v30 =	vadd.f32 v46, v45  }
0x8d: {  	v5 =	vmul.f32 v36, v12;
	v6 =	vadd.f32 v14, v6;
	v23 =	vadd.f32 v31, v23  }
0x8e: {  	v41 =	vld [tilespmem:s22+$0xFFFFFEB0];
	v56 =	vmul.f32 v33, v33;
	v2 =	vadd.f32 v40, v27;
	v31 =	vsub.f32 v19, v39  }
0x8f: {  	v36 =	vld [tilespmem:s22+$0xFFFFFF10];
	v58 =	vmul.f32 v33, v18;
	v27 =	vsub.f32 v15, v44;
	v32 =	vsub.f32 v1, v60  }
0x90: {  	(xrf2) =	vadd.scan.msk.f32 $0xffff, v9;
	v40 =	vmul.f32 v59, v22;
	v14 =	vsub.f32 v3, v37;
	v6 =	vadd.f32 v38, v6  }
0x91: {  	v23 =	vadd.f32 v5, v23;
	v49 =	vmul.f32 v31, v31;
	v31 =	vmul.f32 v31, v17  }
0x92: {  	v37 =	vld [tilespmem:s22+$0xFFFFFEE0];
	v5 =	vadd.f32 $0.0e+00, v43;
	v53 =	vmul.f32 v27, v27;
	v27 =	vmul.f32 v27, v16  }
0x93: {  	v44 =	vld [tilespmem:s22+$0xFFFFFEF0];
	v52 =	vmul.f32 v32, v20;
	v48 =	vmul.f32 v14, v14;
	v34 =	vsub.f32 v1, v41  }
0x94: {  	v54 =	vld [tilespmem:s22+$0xFFFFFF20];
	v14 =	vmul.f32 v14, v21;
	v61 =	vsub.f32 v7, v36;
	v5 =	vadd.f32 v29, v5  }
0x95: {  	v57, _, _ =	vpop (xrf2);
	v41 =	vld [tilespmem:s22+$0xFFFFFF40];
	v50 =	vadd.f32 v48, v30;
	v51 =	vmul.f32 v34, v34;
	v34 =	vmul.f32 v34, v20  }
0x96: {  	v30 =	vbroadcast v57, $0xF;
	v14 =	vadd.f32 v14, v5;
	v5 =	vadd.f32 v49, v2  }
0x97: {  	v47 =	vld [tilespmem:s22+$0xFFFFFF50];
	v42 =	vmul.f32 v61, v61;
	v2 =	vadd.f32 v31, v23;
	v63 =	vsub.f32 v13, v37  }
0x98: {  	v57 =	vld [tilespmem:s22+$0xFFFFFFA0];
	v31 =	vmul.f32 v59, v59;
	v37 =	vsub.f32 v19, v44;
	v29 =	vadd.f32 v51, v50  }
0x99: {  	v49 =	vld [tilespmem:s22+$0xFFFFFF60];
	v50 =	vmul.f32 v32, v32;
	v14 =	vadd.f32 v34, v14;
	v34 =	vsub.f32 v3, v54  }
0x9a: {  	v38 =	vld [tilespmem:s22+$0xFFFFFF90];
	v59, _, _ =	vpop (xrf2);
	v43 =	vmul.f32 v63, v63;
	v45 =	vadd.f32 v42, v31;
	v33 =	vsub.f32 v15, v41  }
0x9b: {  	v41 =	vbroadcast v59, $0xF;
	v55 =	vadd.f32 v53, v29;
	v29 =	vmul.f32 v61, v4  }
0x9c: {  	v14 =	vadd.f32 v27, v14;
	v27 =	vadd.f32 $0.0e+00, v40;
	v46 =	vmul.f32 v34, v34  }
0x9d: {  	v51 =	vld [tilespmem:s22+$0xFFFFFF70];
	v48 =	vmul.f32 v34, v21;
	v35 =	vsub.f32 v3, v57;
	v23 =	vadd.f32 v56, v55  }
0x9e: {  	v54 =	vmul.f32 v33, v33;
	v56 =	vsub.f32 v11, v47;
	v61 =	vsub.f32 v13, v49  }
0x9f: {  	v39 =	vld [tilespmem:s22+$0xFFFFFFB0];
	v55 =	vmul.f32 v33, v16;
	v47 =	vsub.f32 v7, v38;
	v62 =	vadd.f32 v58, v14  }
0xa0: {  	v53 =	vld [tilespmem:s22+$0xFFFFFF80];
	v27 =	vadd.f32 v29, v27;
	v14 =	vmul.f32 v63, v12;
	v58 =	vmul.f32 v37, v37  }
0xa1: {  	(xrf2) =	vadd.scan.msk.f32 $0xffff, v10;
	v44 =	vld [tilespmem:s22+$0x40];
	v10 =	vadd.f32 v46, v45;
	v63 =	vmul.f32 v37, v17;
	v49 =	vmul.f32 v35, v35  }
0xa2: {  	v40 =	vld [tilespmem:s22+$0xFFFFFFC0];
	v36 =	vsub.f32 v19, v51;
	v21 =	vmul.f32 v35, v21;
	v60 =	vmul.f32 v56, v56  }
0xa3: {  	v3 =	vld [tilespmem:s23+$0x40];
	v23 =	vadd.f32 v43, v23;
	v33 =	vmul.f32 v56, v18;
	v46 =	vmul.f32 v61, v61  }
0xa4: {  	v7 =	vld [tilespmem:s23+$0x20];
	v42 =	vmul.f32 v61, v12;
	v27 =	vadd.f32 v48, v27;
	v10 =	vadd.f32 v50, v10  }
0xa5: {  	v43 =	vld [tilespmem:s22+$0xFFFFFFF0];
	v34 =	vmul.f32 v47, v4;
	v9 =	vadd.f32 v14, v62;
	v32 =	vsub.f32 v8, v53  }
0xa6: {  	v62 =	vld [tilespmem:s22+$0xFFFFFFD0];
	v48 =	vmul.f32 v47, v47;
	v50 =	vsub.f32 v1, v39;
	v51 =	vmul.f32 v36, v36  }
0xa7: {  	v8 =	vld [tilespmem:s23+$0x10];
	v36 =	vmul.f32 v36, v17;
	v15 =	vsub.f32 v15, v40;
	v27 =	vadd.f32 v52, v27  }
0xa8: {  	v53 =	vld [tilespmem:s22+$0x0];
	v31 =	vadd.f32 v54, v10;
	v10 =	vadd.f32 v58, v23;
	v22 =	vmul.f32 v32, v22  }
0xa9: {  	v14 =	vadd.f32 v63, v9;
	v9 =	vld [tilespmem:s23+$0x0];
	v32 =	vmul.f32 v32, v32;
	v27 =	vadd.f32 v55, v27  }
0xaa: {  	v52 =	vmul.f32 v50, v50;
	v58 =	vld [tilespmem:s22+$0x20];
	v29 =	vadd.f32 v60, v31;
	v22 =	vadd.f32 $0.0e+00, v22  }
0xab: {  	v54 =	vmul.f32 v50, v20;
	v20 =	vld [tilespmem:s24+$0x0];
	v32 =	vadd.f32 v48, v32;
	v11 =	vsub.f32 v11, v62  }
0xac: {  	v56 =	vmul.f32 v15, v15;
	v31 =	vld [tilespmem:s22+$0xFFFFFFE0];
	v27 =	vadd.f32 v33, v27;
	v29 =	vadd.f32 v46, v29  }
0xad: {  	v45, _, _ =	vpop (xrf2);
	v15 =	vmul.f32 v15, v16;
	v55 =	vld [tilespmem:s22+$0x10];
	v22 =	vadd.f32 v34, v22;
	v32 =	vadd.f32 v49, v32  }
0xae: {  	v4 =	vld [tilespmem:s23+$0x30];
	v33 =	vbroadcast v45, $0xF;
	v34 =	vsub.f32 v3, v44;
	v61 =	vsub.f32 v9, v53  }
0xaf: {  	v1 =	vld [tilespmem:s23+$0x50];
	v60 =	vmul.f32 v11, v11;
	v47 =	vsub.f32 v7, v58;
	v27 =	vadd.f32 v42, v27  }
0xb0: {  	v62 =	vld [tilespmem:s22+$0x30];
	v11 =	vmul.f32 v11, v18;
	v21 =	vadd.f32 v21, v22;
	v32 =	vadd.f32 v52, v32  }
0xb1: {  	v16 =	vld [tilespmem:s24+$0x30];
	v22 =	vadd.f32 v51, v29;
	v30 =	vsel vm0, v30, v33;
	v52 =	vsub.f32 v19, v43  }
0xb2: {  	(xrf2) =	vadd.scan.msk.f32 $0xffff, v26;
	v49 =	vld [tilespmem:s22+$0x50];
	v63 =	vsub.f32 v8, v55;
	v31 =	vsub.f32 v13, v31;
	v42 =	vmul.f32 v61, v20  }
0xb3: {  	v18 =	vld [tilespmem:s24+$0x20];
	v45 =	vmul.f32 v61, v61;
	v37 =	vmul.f32 v47, v47;
	v57 =	vadd.f32 v54, v21  }
0xb4: {  	v23 =	vadd.f32 v36, v27;
	v59 =	vadd.f32 v56, v32;
	v21 =	vld [tilespmem:s24+$0x10];
	v54 =	vmul.f32 v34, v34  }
0xb5: {  	v32 =	vsub.f32 v4, v62;
	v58 =	vmul.f32 v52, v52;
	v17 =	vmul.f32 v52, v17;
	v52 =	vld [tilespmem:s22+$0xC0]  }
0xb6: {  	v51 =	vld [tilespmem:s22+$0x60];
	v46 =	vmul.f32 v63, v63;
	v48 =	vmul.f32 v31, v31;
	v13 =	vadd.f32 $0.0e+00, v42  }
0xb7: {  	v31 =	vmul.f32 v31, v12;
	v15 =	vadd.f32 v15, v57;
	v27 =	vadd.f32 v60, v59;
	v57 =	vld [tilespmem:s22+$0x80]  }
0xb8: {  	v56 =	vsub.f32 v1, v49;
	v35 =	vmul.f32 v47, v18;
	v59 =	vld [tilespmem:s22+$0x90];
	v29 =	vadd.f32 v46, v45  }
0xb9: {  	v50 =	vmul.f32 v32, v32;
	v40 =	vadd.f32 v11, v15;
	v11 =	vld [tilespmem:s24+$0x40];
	v27 =	vadd.f32 v48, v27  }
0xba: {  	v15 =	vld [tilespmem:s23+$0x60];
	v33 =	vmul.f32 v63, v21;
	v29 =	vadd.f32 v37, v29;
	v37 =	vsub.f32 v3, v52  }
0xbb: {  	v32 =	vmul.f32 v32, v16;
	v63 =	vld [tilespmem:s22+$0xA0];
	v31 =	vadd.f32 v31, v40;
	v26 =	vadd.f32 v58, v27  }
0xbc: {  	v44 =	vld [tilespmem:s22+$0xF0];
	v60, _, _ =	vpop (xrf2);
	v61 =	vmul.f32 v56, v56;
	v33 =	vadd.f32 v33, v13;
	v53 =	vadd.f32 v50, v29  }
0xbd: {  	v12 =	vld [tilespmem:s24+$0x60];
	v39 =	vbroadcast v60, $0xF;
	v36 =	vsub.f32 v9, v57;
	v49 =	vsub.f32 v8, v59  }
0xbe: {  	v19 =	vld [tilespmem:s23+$0x70];
	v27 =	vadd.f32 v17, v31;
	v33 =	vadd.f32 v35, v33;
	v55 =	vmul.f32 v34, v11  }
0xbf: {  	v13 =	vld [tilespmem:s24+$0x50];
	v29 =	vadd.f32 v54, v53;
	v62 =	vsub.f32 v15, v51;
	v51 =	vmul.f32 v36, v20  }
0xc0: {  	v48 =	vld [tilespmem:s22+$0xB0];
	v36 =	vmul.f32 v36, v36;
	v38 =	vmul.f32 v49, v49;
	v35 =	vsub.f32 v7, v63  }
0xc1: {  	v31 =	vmul.f32 v49, v21;
	v53 =	vld [tilespmem:s22+$0xD0];
	v32 =	vadd.f32 v32, v33;
	v29 =	vadd.f32 v61, v29  }
0xc2: {  	v45 =	vld [tilespmem:s22+$0x70];
	v46 =	vmul.f32 v62, v62;
	v47 =	vmul.f32 v62, v12;
	v33 =	vsel vm0, v41, v39  }
0xc3: {  	v63 =	vld [tilespmem:s22+$0xE0];
	v36 =	vadd.f32 v38, v36;
	v54 =	vmul.f32 v35, v35;
	v32 =	vadd.f32 v55, v32  }
0xc4: {  	(xrf2) =	vadd.scan.msk.f32 $0xffff, v28;
	v61 =	vld [tilespmem:s22+$0x110];
	v34 =	vmul.f32 v56, v13;
	v50 =	vadd.f32 v46, v29;
	v29 =	vadd.f32 $0.0e+00, v51  }
0xc5: {  	v17 =	vld [tilespmem:s24+$0x70];
	v62 =	vmul.f32 v37, v37;
	v55 =	vsub.f32 v4, v48;
	v58 =	vadd.f32 v54, v36  }
0xc6: {  	v37 =	vmul.f32 v37, v11;
	v39 =	vsub.f32 v1, v53;
	v32 =	vadd.f32 v34, v32  }
0xc7: {  	v57 =	vmul.f32 v35, v18;
	v51 =	vld [tilespmem:s22+$0x130];
	v34 =	vsub.f32 v19, v45;
	v29 =	vadd.f32 v31, v29  }
0xc8: {  	v59 =	vmul.f32 v55, v55;
	v40 =	vmul.f32 v55, v16;
	v53 =	vsub.f32 v15, v63  }
0xc9: {  	v60 =	vld [tilespmem:s22+$0x100];
	v63 =	vsub.f32 v19, v44;
	v49 =	vmul.f32 v39, v13;
	v52 =	vsub.f32 v8, v61  }
0xca: {  	v45 =	vld [tilespmem:s22+$0x120];
	v32 =	vadd.f32 v47, v32;
	v56 =	vmul.f32 v34, v34;
	v34 =	vmul.f32 v34, v17  }
0xcb: {  	v55 =	vld [tilespmem:s22+$0x140];
	v31 =	vadd.f32 v57, v29;
	v35 =	vadd.f32 v59, v58;
	v47 =	vmul.f32 v39, v39  }
0xcc: {  	v43 =	vmul.f32 v53, v53;
	v38 =	vsub.f32 v4, v51;
	v29 =	vadd.f32 v56, v50  }
0xcd: {  	v36 =	vmul.f32 v53, v12;
	v31 =	vadd.f32 v40, v31;
	v28 =	vadd.f32 v34, v32  }
0xce: {  	v48, _, _ =	vpop (xrf2);
	v58 =	vld [tilespmem:s22+$0x150];
	v42 =	vmul.f32 v52, v52;
	v46 =	vadd.f32 v62, v35;
	v50 =	vsub.f32 v9, v60  }
0xcf: {  	v35 =	vbroadcast v48, $0xF;
	v34 =	vmul.f32 v52, v21;
	v40 =	vsub.f32 v7, v45  }
0xd0: {  	(xrf2) =	vadd.scan.msk.f32 $0xffff, v25;
	v60 =	vmul.f32 v38, v38;
	v61 =	vsub.f32 v3, v55;
	v38 =	vmul.f32 v38, v16  }
0xd1: {  	v62 =	vld [tilespmem:s22+$0x160];
	v31 =	vadd.f32 v37, v31;
	v32 =	vadd.f32 v47, v46;
	v54 =	vmul.f32 v50, v20  }
0xd2: {  	v48 =	vld [tilespmem:s22+$0x180];
	v37 =	vmul.f32 v50, v50;
	v35 =	vsel vm1, v30, v35;
	v57 =	vmul.f32 v40, v40  }
0xd3: {  	v59 =	vmul.f32 v40, v18;
	v45 =	vmul.f32 v61, v61;
	v47 =	vsub.f32 v1, v58  }
0xd4: {  	v46 =	vmul.f32 v61, v11;
	v31 =	vadd.f32 v49, v31;
	v39 =	vadd.f32 $0.0e+00, v54  }
0xd5: {  	v50 =	vld [tilespmem:s22+$0x190];
	v56 =	vadd.f32 v42, v37;
	v32 =	vadd.f32 v43, v32;
	v49 =	vmul.f32 v63, v63  }
0xd6: {  	v54 =	vmul.f32 v63, v17;
	v51 =	vmul.f32 v47, v47;
	v52 =	vsub.f32 v15, v62  }
0xd7: {  	v53 =	vld [tilespmem:s22+$0x1A0];
	v40 =	vmul.f32 v47, v13;
	v42 =	vsub.f32 v9, v48;
	v34 =	vadd.f32 v34, v39  }
0xd8: {  	v55 =	vld [tilespmem:s22+$0x170];
	v25 =	vadd.f32 v57, v56;
	v31 =	vadd.f32 v36, v31;
	v57 =	vmul.f32 v52, v52  }
0xd9: {  	v47 =	vld [tilespmem:s22+$0x1E0];
	v58 =	vmul.f32 v52, v12;
	v62 =	vmul.f32 v42, v20;
	v34 =	vadd.f32 v59, v34  }
0xda: {  	v48 =	vmul.f32 v42, v42;
	v25 =	vadd.f32 v60, v25;
	v56, _, _ =	vpop (xrf2);
	v59 =	vld [tilespmem:s22+$0x1B0];
	v60 =	vsub.f32 v8, v50  }
0xdb: {  	v30 =	vadd.f32 v54, v31;
	v50 =	vld [tilespmem:s22+$0x1D0];
	v39 =	vbroadcast v56, $0xF;
	v34 =	vadd.f32 v38, v34  }
0xdc: {  	v37 =	vadd.f32 v45, v25;
	v25 =	vadd.f32 v49, v32;
	v49 =	vmul.f32 v60, v60  }
0xdd: {  	v32 =	vsub.f32 v7, v53;
	v38 =	vsub.f32 v19, v55;
	v31 =	vmul.f32 v60, v21  }
0xde: {  	v63 =	vld [tilespmem:s22+$0x1C0];
	v39 =	vsel vm1, v33, v39;
	v34 =	vadd.f32 v46, v34;
	v37 =	vadd.f32 v51, v37  }
0xdf: {  	v41 =	vadd.f32 v49, v48;
	v51 =	vmul.f32 v32, v32;
	v49 =	vsub.f32 v15, v47  }
0xe0: {  	v45 =	vmul.f32 v38, v38;
	v46 =	vld [tilespmem:s22+$0x210];
	v44 =	vsub.f32 v4, v59;
	v43 =	vsub.f32 v1, v50  }
0xe1: {  	v54 =	vld [tilespmem:s22+$0x200];
	v32 =	vmul.f32 v32, v18;
	v34 =	vadd.f32 v40, v34;
	v61 =	vadd.f32 v57, v37  }
0xe2: {  	v38 =	vmul.f32 v38, v17;
	v37 =	vadd.f32 $0.0e+00, v62;
	v52 =	vadd.f32 v51, v41;
	v57 =	vld [tilespmem:s22+$0x220]  }
0xe3: {  	v40 =	vsub.f32 v3, v63;
	v62 =	vld [tilespmem:s22+$0x230];
	v53 =	vmul.f32 v44, v44;
	v44 =	vmul.f32 v44, v16  }
0xe4: {  	v59 =	vmul.f32 v43, v43;
	v34 =	vadd.f32 v58, v34;
	v31 =	vadd.f32 v31, v37  }
0xe5: {  	(xrf2) =	vadd.scan.msk.f32 $0xffff, v24;
	v51 =	vld [tilespmem:s22+$0x240];
	v55 =	vmul.f32 v40, v40;
	v37 =	vadd.f32 v53, v52;
	v48 =	vsub.f32 v8, v46  }
0xe6: {  	v60 =	vmul.f32 v43, v13;
	v31 =	vadd.f32 v32, v31;
	v32 =	vadd.f32 v45, v61  }
0xe7: {  	v40 =	vmul.f32 v40, v11;
	v61 =	vsub.f32 v9, v54;
	v58 =	vadd.f32 v55, v37  }
0xe8: {  	v54 =	vmul.f32 v49, v49;
	v53 =	vsub.f32 v7, v57;
	v41 =	vsub.f32 v4, v62  }
0xe9: {  	v52 =	vmul.f32 v48, v48;
	v56 =	vadd.f32 v44, v31;
	v31 =	vadd.f32 v38, v34  }
0xea: {  	v55 =	vld [tilespmem:s22+$0x1F0];
	v50 =	vmul.f32 v61, v20;
	v34 =	vmul.f32 v48, v21;
	v38 =	vsub.f32 v3, v51  }
0xeb: {  	v57 =	vld [tilespmem:s22+$0x250];
	v63 =	vadd.f32 v59, v58;
	v58 =	vmul.f32 v53, v18;
	v59 =	vmul.f32 v41, v41  }
0xec: {  	v36 =	vadd.f32 v40, v56;
	v40 =	vmul.f32 v61, v61;
	v37 =	vadd.f32 $0.0e+00, v50  }
0xed: {  	v56 =	vmul.f32 v53, v53;
	v61 =	vld [tilespmem:s22+$0x260];
	v48 =	vmul.f32 v38, v11;
	v33 =	vadd.f32 v54, v63  }
0xee: {  	v50 =	vld [tilespmem:s22+$0x280];
	v63 =	vmul.f32 v38, v38;
	v24 =	vadd.f32 v60, v36;
	v40 =	vadd.f32 v52, v40  }
0xef: {  	v53, _, _ =	vpop (xrf2);
	v34 =	vadd.f32 v34, v37;
	v36 =	vmul.f32 v49, v12;
	v62 =	vsub.f32 v19, v55  }
0xf0: {  	v60 =	vmul.f32 v41, v16;
	v49 =	vsub.f32 v1, v57;
	v45 =	vbroadcast v53, $0xF  }
0xf1: {  	(xrf2) =	vadd.scan.msk.f32 $0xffff, v6;
	v52 =	vld [tilespmem:s22+$0x290];
	v40 =	vadd.f32 v56, v40;
	v34 =	vadd.f32 v58, v34;
	v51 =	vmul.f32 v62, v62  }
0xf2: {  	v36 =	vadd.f32 v36, v24;
	v54 =	vmul.f32 v49, v49;
	v38 =	vmul.f32 v49, v13  }
0xf3: {  	v56 =	vld [tilespmem:s22+$0x2A0];
	v43 =	vmul.f32 v62, v17;
	v55 =	vsub.f32 v15, v61;
	v44 =	vsub.f32 v9, v50  }
0xf4: {  	v57 =	vld [tilespmem:s22+$0x270];
	v35 =	vsel vm2, v35, v45;
	v40 =	vadd.f32 v59, v40;
	v34 =	vadd.f32 v60, v34  }
0xf5: {  	v62 =	vld [tilespmem:s22+$0x2C0];
	v24 =	vadd.f32 v51, v33;
	v6 =	vadd.f32 v43, v36;
	v58 =	vmul.f32 v55, v55  }
0xf6: {  	v59 =	vld [tilespmem:s22+$0x2B0];
	v33 =	vmul.f32 v55, v12;
	v60 =	vsub.f32 v8, v52;
	v40 =	vadd.f32 v63, v40  }
0xf7: {  	v61 =	vmul.f32 v44, v20;
	v34 =	vadd.f32 v48, v34;
	v63 =	vmul.f32 v44, v44  }
0xf8: {  	v49 =	vld [tilespmem:s22+$0x2D0];
	v48 =	vmul.f32 v60, v60;
	v41 =	vsub.f32 v7, v56;
	v37 =	vadd.f32 v54, v40  }
0xf9: {  	v36 =	vmul.f32 v60, v21;
	v34 =	vadd.f32 v38, v34;
	v38 =	vsub.f32 v19, v57  }
0xfa: {  	v53 =	vld [tilespmem:s22+$0x2E0];
	v40 =	vsub.f32 v3, v62;
	v42 =	vadd.f32 v48, v63;
	v50 =	vmul.f32 v41, v41  }
0xfb: {  	v62, _, _ =	vpop (xrf2);
	v51 =	vsub.f32 v4, v59;
	v41 =	vmul.f32 v41, v18;
	v37 =	vadd.f32 v58, v37  }
0xfc: {  	v45 =	vbroadcast v62, $0xF;
	v34 =	vadd.f32 v33, v34;
	v33 =	vadd.f32 $0.0e+00, v61  }
0xfd: {  	v59 =	vld [tilespmem:s22+$0x300];
	v52 =	vmul.f32 v38, v38;
	v57 =	vmul.f32 v40, v40;
	v58 =	vsub.f32 v1, v49  }
0xfe: {  	v38 =	vmul.f32 v38, v17;
	v61 =	vld [tilespmem:s22+$0x310];
	v42 =	vadd.f32 v50, v42;
	v54 =	vmul.f32 v51, v51  }
0xff: {  	v60 =	vmul.f32 v40, v11;
	v49 =	vsub.f32 v15, v53;
	v50 =	vld [tilespmem:s22+$0x2F0];
	v36 =	vadd.f32 v36, v33  }
0x100: {  	(xrf2) =	vadd.scan.msk.f32 $0xffff, v5;
	v55 =	vmul.f32 v51, v16;
	v33 =	vadd.f32 v52, v37;
	v52 =	vld [tilespmem:s22+$0x320];
	v56 =	vadd.f32 v54, v42  }
0x101: {  	v39 =	vsel vm2, v39, v45;
	v48 =	vmul.f32 v58, v58;
	v36 =	vadd.f32 v41, v36  }
0x102: {  	v51 =	vmul.f32 v58, v13;
	v34 =	vadd.f32 v38, v34;
	v63 =	vadd.f32 v57, v56  }
0x103: {  	(xrf2) =	vadd.scan.msk.f32 $0xffff, v2;
	v53 =	vmul.f32 v49, v49;
	v57 =	vsub.f32 v8, v61;
	v36 =	vadd.f32 v55, v36  }
0x104: {  	v54 =	vmul.f32 v49, v12;
	v56 =	vld [tilespmem:s22+$0x330];
	v55 =	vsub.f32 v9, v59;
	v58 =	vsub.f32 v19, v50  }
0x105: {  	v5 =	vadd.f32 v48, v63;
	v61 =	vmul.f32 v57, v57;
	v43 =	vsub.f32 v7, v52;
	v48 =	vld [tilespmem:s22+$0x350]  }
0x106: {  	v52 =	vld [tilespmem:s22+$0x360];
	v36 =	vadd.f32 v60, v36;
	v59 =	vmul.f32 v55, v20;
	v41 =	vmul.f32 v55, v55  }
0x107: {  	v60 =	vld [tilespmem:s22+$0x340];
	v62 =	vmul.f32 v58, v58;
	v55 =	vmul.f32 v58, v17;
	v2 =	vadd.f32 v53, v5  }
0x108: {  	v58 =	vld [tilespmem:s22+$0x390];
	v5 =	vmul.f32 v57, v21;
	v36 =	vadd.f32 v51, v36;
	v38 =	vadd.f32 $0.0e+00, v59  }
0x109: {  	v63 =	vmul.f32 v43, v43;
	v41 =	vadd.f32 v61, v41;
	v42 =	vsub.f32 v4, v56  }
0x10a: {  	v50, _, _ =	vpop (xrf2);
	v49 =	vmul.f32 v43, v18;
	v2 =	vadd.f32 v62, v2;
	v36 =	vadd.f32 v54, v36  }
0x10b: {  	v43 =	vbroadcast v50, $0xF;
	v5 =	vadd.f32 v5, v38;
	v41 =	vadd.f32 v63, v41;
	v54 =	vld [tilespmem:s22+$0x380]  }
0x10c: {  	v51 =	vmul.f32 v42, v42;
	v63 =	vld [tilespmem:s22+$0x3A0];
	v47 =	vsub.f32 v15, v52;
	v40 =	vsub.f32 v3, v60  }
0x10d: {  	(xrf2) =	vadd.scan.msk.f32 $0xffff, v10;
	v61, _, _ =	vpop (xrf2);
	v53 =	vmul.f32 v42, v16;
	v52 =	vld [tilespmem:s22+$0x3C0];
	v60 =	vsub.f32 v1, v48;
	v8 =	vsub.f32 v8, v58  }
0x10e: {  	(xrf2) =	vadd.scan.msk.f32 $0xffff, v14;
	v14 =	vbroadcast v61, $0xF;
	v58 =	vld [tilespmem:s22+$0x3E0];
	v5 =	vadd.f32 v49, v5;
	v56 =	vadd.f32 v51, v41  }
0x10f: {  	v10 =	vadd.f32 v55, v36;
	v50 =	vmul.f32 v47, v47;
	v57 =	vmul.f32 v40, v40  }
0x110: {  	(xrf2) =	vadd.scan.msk.f32 $0xffff, v22;
	v49 =	vld [tilespmem:s22+$0x3B0];
	v59 =	vmul.f32 v40, v11;
	v46 =	vmul.f32 v60, v60;
	v9 =	vsub.f32 v9, v54  }
0x111: {  	(xrf2) =	vadd.scan.msk.f32 $0xffff, v23;
	v40 =	vmul.f32 v60, v13;
	v5 =	vadd.f32 v53, v5;
	v62 =	vadd.f32 v57, v56  }
0x112: {  	(xrf2) =	vadd.scan.msk.f32 $0xffff, v26;
	v7 =	vsub.f32 v7, v63;
	v3 =	vsub.f32 v3, v52;
	v20 =	vmul.f32 v9, v20  }
0x113: {  	(xrf2) =	vadd.scan.msk.f32 $0xffff, v27;
	v51 =	vmul.f32 v8, v8;
	v5 =	vadd.f32 v59, v5;
	v15 =	vsub.f32 v15, v58  }
0x114: {  	(xrf2) =	vadd.scan.msk.f32 $0xffff, v29;
	v8 =	vmul.f32 v8, v21;
	v53 =	vld [tilespmem:s22+$0x370];
	v48 =	vadd.f32 v46, v62;
	v20 =	vadd.f32 $0.0e+00, v20  }
0x115: {  	(xrf2) =	vadd.scan.msk.f32 $0xffff, v28;
	v56 =	vld [tilespmem:s22+$0x3D0];
	v9 =	vmul.f32 v9, v9;
	v55 =	vmul.f32 v7, v7;
	v4 =	vsub.f32 v4, v49  }
0x116: {  	(xrf2) =	vadd.scan.msk.f32 $0xffff, v25;
	v61 =	vld [tilespmem:s22+$0x3F0];
	v7 =	vmul.f32 v7, v18;
	v5 =	vadd.f32 v40, v5;
	v8 =	vadd.f32 v8, v20  }
0x117: {  	(xrf2) =	vadd.scan.msk.f32 $0xffff, v30;
	v54 =	vmul.f32 v47, v12;
	v57, _, _ =	vpop (xrf2);
	v22 =	vadd.f32 v50, v48;
	v9 =	vadd.f32 v51, v9  }
0x118: {  	v59, _, _ =	vpop (xrf2);
	(xrf2) =	vadd.scan.msk.f32 $0xffff, v32;
	v60 =	vmul.f32 v4, v4;
	v4 =	vmul.f32 v4, v16;
	v7 =	vadd.f32 v7, v8  }
0x119: {  	v62 =	vmul.f32 v3, v3;
	v21 =	vsub.f32 v19, v53;
	(xrf2) =	vadd.scan.msk.f32 $0xffff, v31;
	v9 =	vadd.f32 v55, v9  }
0x11a: {  	v3 =	vmul.f32 v3, v11;
	v63, _, _ =	vpop (xrf2);
	v1 =	vsub.f32 v1, v56;
	(xrf2) =	vadd.scan.msk.f32 $0xffff, v24;
	v4 =	vadd.f32 v4, v7  }
0x11b: {  	v16 =	vsub.f32 v19, v61;
	v26, _, _ =	vpop (xrf2);
	v24 =	vmul.f32 v21, v21;
	(xrf2) =	vadd.scan.msk.f32 $0xffff, v6;
	v9 =	vadd.f32 v60, v9  }
0x11c: {  	v29, _, _ =	vpop (xrf2);
	v28 =	vmul.f32 v1, v1;
	(xrf2) =	vadd.scan.msk.f32 $0xffff, v33;
	v1 =	vmul.f32 v1, v13;
	v3 =	vadd.f32 v3, v4  }
0x11d: {  	v5 =	vadd.f32 v54, v5;
	v30 =	vmul.f32 v21, v17;
	v31, _, _ =	vpop (xrf2);
	(xrf2) =	vadd.scan.msk.f32 $0xffff, v34;
	v27 =	vadd.f32 v62, v9  }
0x11e: {  	v33, _, _ =	vpop (xrf2);
	(xrf2) =	vadd.scan.msk.f32 $0xffff, v2;
	v2 =	vadd.f32 v24, v22;
	v1 =	vadd.f32 v1, v3;
	v3 =	vmul.f32 v15, v12  }
0x11f: {  	v14 =	vsel vm3, v39, v14;
	v32 =	vmul.f32 v15, v15;
	v34, _, _ =	vpop (xrf2);
	(xrf2) =	vadd.scan.msk.f32 $0xffff, v10;
	v6 =	vadd.f32 v28, v27  }
0x120: {  	v39, _, _ =	vpop (xrf2);
	(xrf2) =	vadd.scan.msk.f32 $0xffff, v2;
	v2 =	vmul.f32 v16, v17;
	v4 =	vadd.f32 v30, v5;
	v1 =	vadd.f32 v3, v1  }
0x121: {  	v35 =	vsel vm3, v35, v43;
	v37 =	vmul.f32 v16, v16;
	v36 =	vadd.f32 v32, v6  }
0x122: {  	v18 =	vbroadcast v57, $0xF;
	v40 =	vbroadcast v63, $0xF;
	v41, _, _ =	vpop (xrf2);
	(xrf2) =	vadd.scan.msk.f32 $0xffff, v4;
	v1 =	vadd.f32 v2, v1  }
0x123: {  	v44 =	vbroadcast v26, $0xF;
	v8 =	vbroadcast v59, $0xF;
	v43, _, _ =	vpop (xrf2);
	v42 =	vadd.f32 v37, v36  }
0x124: {  	v38 =	vsel vm4, v35, v18;
	v45 =	vbroadcast v29, $0xF;
	v46 =	vbroadcast v31, $0xF;
	v48, _, _ =	vpop (xrf2)  }
0x125: {  	v47 =	vbroadcast v33, $0xF;
	v49 =	vbroadcast v34, $0xF;
	v50, _, _ =	vpop (xrf2);
	v3 =	vsel vm4, v14, v8;
	(xrf2) =	vadd.scan.msk.f32 $0xffff, v42  }
0x126: {  	v51 =	vbroadcast v39, $0xF;
	v53 =	vbroadcast v41, $0xF;
	v3 =	vsel vm5, v3, v44;
	(xrf2) =	vadd.scan.msk.f32 $0xffff, v1;
	v1, _, _ =	vpop (xrf2)  }
0x127: {  	v5 =	vbroadcast v43, $0xF;
	v2 =	vsel vm5, v38, v40;
	v3 =	vsel vm6, v3, v46;
	v52, _, _ =	vpop (xrf2)  }
0x128: {  	v55 =	vbroadcast v48, $0xF;
	v2 =	vsel vm6, v2, v45;
	v3 =	vsel vm7, v3, v49;
	v54, _, _ =	vpop (xrf2)  }
0x129: {  	v2 =	vsel vm7, v2, v47;
	v3 =	vsel vm8, v3, v53;
	v1 =	vbroadcast v1, $0xF;
	v56, _, _ =	vpop (xrf2)  }
0x12a: {  	v6 =	vbroadcast v50, $0xF;
	v2 =	vsel vm8, v2, v51;
	v3 =	vsel vm9, v3, v55;
	v57, _, _ =	vpop (xrf2)  }
0x12b: {  	v2 =	vsel vm9, v2, v5;
	v1 =	vsel vm10, v3, v1;
	v3 =	vbroadcast v54, $0xF;
	v59, _, _ =	vpop (xrf2)  }
0x12c: {  	v2 =	vsel vm10, v2, v6;
	v58 =	vbroadcast v52, $0xF;
	v61, _, _ =	vpop (xrf2)  }
0x12d: {  	v60 =	vbroadcast v56, $0xF;
	v1 =	vsel vm11, v1, v3;
	v3 =	vbroadcast v61, $0xF  }
0x12e: {  	p0 =	sne.s32 s21, $0x3C0;
	v2 =	vsel vm11, v2, v58;
	v4 =	vbroadcast v57, $0xF;
	v62 =	vbroadcast v59, $0xF  }
.Ltmp0:
0x12f: {  	v2 =	vsel vm12, v2, v60;
	(pc) =	sbr.rel @p0 .LBB2_3-.Ltmp0, $4  }
0x130: {  	v63, _, _ =	vpop (xrf2);
	v1 =	vsel vm12, v1, v4;
	v2 =	vsel vm13, v2, v62  }
0x131: {  	s25 =	sshra.s32 s21, $0x2;
	v1 =	vsel vm13, v1, v3;
	v2 =	vsel vm14, v2, v63;
	v3, _, _ =	vpop (xrf2)  }
0x132: {  	s21 =	sadd.s32 $0x40, s21;
	[tilespmem:s25+$0xA100] =	vst v2;
	v1 =	vsel vm14, v1, v3  }
0x133: {  	s23 =	sadd.s32 $0x100, s23;
	s24 =	sadd.s32 $0x100, s24;
	s22 =	sadd.s32 $0x800, s22;
	[tilespmem:s25+$0xA200] =	vst v1  }
0x134: {  	s21 =	sadd.s32 s7, s20  }
0x135: {  	[hbm4b:s21+s3] =	stream.linear.scatter [tilespmem:s16], [sflag:$0x2], $0x100, $0x38;
	[tilespmem:$0xA300] =	vst v63  }
0x136: {  	s19 =	sadd.s32 $0x1, s19;
	_ =	swait.ge [sflag:s12], $0x100  }
0x137: {  	p0 =	sne.s32 s19, $0x4;
	[sflag:s12] =	ssyncset.done $0x0  }
.Ltmp1:
0x138: {  	s31 =	sadd.s32 s8, s20;
	[sflag:s12] =	ssyncadd.s32 $0xFFFFFF00;
	(pc) =	sbr.rel @p0 .LBB2_2-.Ltmp1, $4  }
0x139: {  	[hbm4b:s31+s3] =	stream.linear.scatter [tilespmem:s17], [sflag:$0x2], $0x100, $0x38;
	[tilespmem:$0xA300] =	vst v63  }
0x13a: {  	_ =	swait.ge [sflag:s12], $0x100  }
0x13b: {  	[sflag:s12] =	ssyncset.done $0x0  }
0x13c: {  	[sflag:s12] =	ssyncadd.s32 $0xFFFFFF00  }
0x13d: {  	s18 =	sadd.s32 $0x1, s18  }
0x13e: {  	p0 =	sne.s32 s18, s10  }
.Ltmp2:
0x13f: {  	_ = 	snop;
	(pc) =	sbr.rel @p0 .LBB2_1-.Ltmp2, $1  }
0x140: {  	_ =	sdelay $0x3  }
0x141: {  	_ =	sfence.sel $0x180000  }
0x142: {  	[bflag:$0x0] =	sbarrier.arrive $0xFFFF  }
0x143: {  	p0 =	sne.s32 s1, $0x0;
	_ =	strace $0x9000004A  }
0x144: {  	s0 =	sadd.s32 @!p0 $0x100000, s0;
	[bflag:$0x2] =	sbarrier.arrive $0xFFFF  }
0x145: {  	[sflag:s0] =	ssyncadd.tile.s32 @!p0 $0x1;
	_ =	shalt  }
.Lfunc_end2:
_tile_overlayer_lowered:
.L_overlay_start_2:
0x146: {  	(tag) =	ssettag $0x2  }
0x147: {  	s0 =	rddreg [dreg:$0x0];
	s2 =	stileid.u32  }
0x148: {  	s1 =	rddreg [dreg:$0x1];
	p0 =	sne.s32 s2, $0x0  }
0x149: {  	s3 =	rddreg [dreg:$0x2];
	[bflag:$0x3] =	sbarrier.arrive $0xFFFF;
	s2 =	simm.s32 @!p0 $0x1C02  }
0x14a: {  	[timem:s3], [sflag:s2] =	dma.local @!p0 [hbm:s0], s1  }
0x14b: {  	s0 =	simm.s32 @!p0 $0x2  }
0x14c: {  	_ =	swait.ge @!p0 [sflag:s0], s1  }
0x14d: {  	s1 =	ssub.s32 @!p0 $0x0, s1;
	[sflag:s0] =	ssyncset.done @!p0 $0x0  }
0x14e: {  	[sflag:s0] =	ssyncadd.s32 @!p0 s1  }
0x14f: {  	[bflag:$0x3] =	sbarrier.arrive $0xFFFF  }
0x150: {  	_ =	shalt  }

</sc_bundles>
